<compile_context>
chip_gen: v7x
topology: tpu7x:2x2x1
jax: 0.10.2.dev20260603
libtpu: 0.0.44.dev20260713+nightly
codegen_flags: <defaults>
</compile_context>

<pallas_src>
import functools

import jax
import jax.numpy as jnp
from jax import lax
from jax.experimental import pallas as pl
from jax.experimental.pallas import tpu as pltpu
from jax.experimental.pallas import tpu_sc as plsc

N = 10000
E = 320000
ND = 128
ED = 16
GD = 64
HID = 64

NCORE = 2
NSUB = 16
NW = NCORE * NSUB
EPT = E // NW
CH = 80
NCH = EPT // CH
NPT = N // NSUB

@functools.lru_cache(maxsize=1)
def _mesh():
    return plsc.VectorSubcoreMesh(
        core_axis_name="c", subcore_axis_name="s",
        num_cores=NCORE, num_subcores=NSUB)


def _proj_tc(x, ws, wd):
    def body(x_ref, ws_ref, wd_ref, gs_ref, gd_ref):
        xv = x_ref[...]
        gs_ref[...] = jnp.dot(xv, ws_ref[...], preferred_element_type=jnp.float32)
        gd_ref[...] = jnp.dot(xv, wd_ref[...], preferred_element_type=jnp.float32)
    return pl.pallas_call(
        body,
        out_shape=(jax.ShapeDtypeStruct((N, HID), jnp.float32),
                   jax.ShapeDtypeStruct((N, HID), jnp.float32)),
    )(x, ws, wd)


def _gather_sc(gs, gd, src2d, dst2d):
    @functools.partial(
        pl.kernel,
        out_type=jax.ShapeDtypeStruct((E, HID), jnp.float32),
        mesh=_mesh(),
        scratch_types=[
            pltpu.VMEM((NCH, CH), jnp.int32),
            pltpu.VMEM((NCH, CH), jnp.int32),
            pltpu.VMEM((CH, HID), jnp.float32),
            pltpu.SemaphoreType.DMA,
            pltpu.SemaphoreType.DMA,
        ],
        compiler_params=pltpu.CompilerParams(use_tc_tiling_on_sc=False),
    )
    def k(gs_hbm, gd_hbm, src_hbm, dst_hbm, out_hbm, sidx, didx, buf, s1, s2):
        wid = lax.axis_index("s") * NCORE + lax.axis_index("c")
        pltpu.sync_copy(src_hbm.at[wid], sidx)
        pltpu.sync_copy(dst_hbm.at[wid], didx)
        base = wid * EPT

        def body(i, carry):
            pltpu.async_copy(gs_hbm.at[sidx.at[i]], buf, s1).wait()
            pltpu.async_copy(gd_hbm.at[didx.at[i]], buf, s2, add=True).wait()
            pltpu.sync_copy(buf, out_hbm.at[pl.ds(base + i * CH, CH)])
            return carry

        lax.fori_loop(0, NCH, body, 0)

    return k(gs, gd, src2d, dst2d)


def _edge_tc(gsum, ea, u2, weu, b1e, wee, w2e, b2e):
    BE = 8000
    grid = (E // BE,)

    def body(gsum_ref, ea_ref, u_ref, weu_ref, b1_ref, wee_ref, w2_ref,
             b2_ref, out_ref):
        cvec = jnp.dot(u_ref[...], weu_ref[...],
                       preferred_element_type=jnp.float32) + b1_ref[...]
        h = jnp.maximum(
            gsum_ref[...]
            + jnp.dot(ea_ref[...], wee_ref[...],
                      preferred_element_type=jnp.float32)
            + cvec, 0.0)
        out_ref[...] = jnp.dot(h, w2_ref[...],
                               preferred_element_type=jnp.float32) + b2_ref[...]

    return pl.pallas_call(
        body,
        grid=grid,
        in_specs=[
            pl.BlockSpec((BE, HID), lambda i: (i, 0)),
            pl.BlockSpec((BE, ED), lambda i: (i, 0)),
            pl.BlockSpec((1, GD), lambda i: (0, 0)),
            pl.BlockSpec((GD, HID), lambda i: (0, 0)),
            pl.BlockSpec((1, HID), lambda i: (0, 0)),
            pl.BlockSpec((ED, HID), lambda i: (0, 0)),
            pl.BlockSpec((HID, ED), lambda i: (0, 0)),
            pl.BlockSpec((1, ED), lambda i: (0, 0)),
        ],
        out_specs=pl.BlockSpec((BE, ED), lambda i: (i, 0)),
        out_shape=jax.ShapeDtypeStruct((E, ED), jnp.float32),
    )(gsum, ea, u2, weu, b1e, wee, w2e, b2e)


def _scatter_sc(e_new, dst2d):
    @functools.partial(
        pl.kernel,
        out_type=jax.ShapeDtypeStruct((NCORE, N, ED), jnp.float32),
        mesh=_mesh(),
        scratch_types=[
            pltpu.VMEM((NCH, CH), jnp.int32),
            pltpu.VMEM((CH, ED), jnp.float32),
            pltpu.VMEM((CH, ED), jnp.float32),
            pltpu.VMEM_SHARED((N, ED), jnp.float32),
        ],
        compiler_params=pltpu.CompilerParams(use_tc_tiling_on_sc=False),
    )
    def k(e_hbm, dst_hbm, out_hbm, didx, rowbuf, nbuf, agg_sh):
        cid = lax.axis_index("c")
        sid = lax.axis_index("s")
        wid = sid * NCORE + cid
        nagg = N // CH
        nrounds = (nagg + NSUB - 1) // NSUB

        def zbody(i, carry):
            nbuf[i] = jnp.zeros((ED,), jnp.float32)
            return carry

        lax.fori_loop(0, CH, zbody, 0)

        def zchunk(j, carry):
            c = sid + j * NSUB

            @pl.when(c < nagg)
            def _():
                pltpu.sync_copy(nbuf, agg_sh.at[pl.ds(c * CH, CH)])
            return carry

        lax.fori_loop(0, nrounds, zchunk, 0)
        plsc.subcore_barrier()

        pltpu.sync_copy(dst_hbm.at[wid], didx)

        def body(i, carry):
            pltpu.sync_copy(e_hbm.at[pl.ds(wid * EPT + i * CH, CH)], rowbuf)
            pltpu.sync_copy(rowbuf, agg_sh.at[didx.at[i]], add=True)
            return carry

        lax.fori_loop(0, NCH, body, 0)
        plsc.subcore_barrier()

        def ochunk(j, carry):
            c = sid + j * NSUB

            @pl.when(c < nagg)
            def _():
                pltpu.sync_copy(agg_sh.at[pl.ds(c * CH, CH)], nbuf)
                pltpu.sync_copy(nbuf, out_hbm.at[cid, pl.ds(c * CH, CH)])
            return carry

        lax.fori_loop(0, nrounds, ochunk, 0)

    return k(e_new, dst2d)


def _node_tc(x, aggp, u2, wnx, wna, wnu, b1n, w2n, b2n,
             wgx, wge, wgu, b1g, w2g, b2g, ws_next=None, wd_next=None):
    with_proj = ws_next is not None

    def body(x_ref, aggp_ref, u_ref, wnx_ref, wna_ref, wnu_ref, b1n_ref,
             w2n_ref, b2n_ref, wgx_ref, wge_ref, wgu_ref, b1g_ref, w2g_ref,
             b2g_ref, *rest):
        if with_proj:
            wsn_ref, wdn_ref, xn_ref, un_ref, gs_ref, gd_ref = rest
        else:
            xn_ref, un_ref = rest
        agg = aggp_ref[0] + aggp_ref[1]
        uv = u_ref[...]
        cn = jnp.dot(uv, wnu_ref[...], preferred_element_type=jnp.float32) \
            + b1n_ref[...]
        hn = jnp.maximum(
            jnp.dot(x_ref[...], wnx_ref[...], preferred_element_type=jnp.float32)
            + jnp.dot(agg, wna_ref[...], preferred_element_type=jnp.float32)
            + cn, 0.0)
        xn = jnp.dot(hn, w2n_ref[...], preferred_element_type=jnp.float32) \
            + b2n_ref[...]
        xn_ref[...] = xn
        mean_x = jnp.mean(xn, axis=0, keepdims=True)
        mean_e = jnp.sum(agg, axis=0, keepdims=True) * (1.0 / E)
        hg = jnp.maximum(
            jnp.dot(mean_x, wgx_ref[...], preferred_element_type=jnp.float32)
            + jnp.dot(mean_e, wge_ref[...], preferred_element_type=jnp.float32)
            + jnp.dot(uv, wgu_ref[...], preferred_element_type=jnp.float32)
            + b1g_ref[...], 0.0)
        un_ref[...] = jnp.dot(hg, w2g_ref[...],
                              preferred_element_type=jnp.float32) + b2g_ref[...]
        if with_proj:
            gs_ref[...] = jnp.dot(xn, wsn_ref[...],
                                  preferred_element_type=jnp.float32)
            gd_ref[...] = jnp.dot(xn, wdn_ref[...],
                                  preferred_element_type=jnp.float32)

    outs = [jax.ShapeDtypeStruct((N, ND), jnp.float32),
            jax.ShapeDtypeStruct((1, GD), jnp.float32)]
    args = [x, aggp, u2, wnx, wna, wnu, b1n, w2n, b2n,
            wgx, wge, wgu, b1g, w2g, b2g]
    if with_proj:
        outs += [jax.ShapeDtypeStruct((N, HID), jnp.float32),
                 jax.ShapeDtypeStruct((N, HID), jnp.float32)]
        args += [ws_next, wd_next]
    return pl.pallas_call(body, out_shape=tuple(outs))(*args)


def kernel(x, edge_index, edge_attr, u, params):
    src2d = edge_index[0].reshape(NW, NCH, CH)
    dst2d = edge_index[1].reshape(NW, NCH, CH)
    u2 = u.reshape(1, GD)
    ea = edge_attr
    gs = gd = None
    nlayers = len(params)
    for li, p in enumerate(params):
        we1, be1, we2, be2 = p['edge']
        wn1, bn1, wn2, bn2 = p['node']
        wg1, bg1, wg2, bg2 = p['global']
        ws, wd = we1[:ND], we1[ND:2 * ND]
        wee, weu = we1[2 * ND:2 * ND + ED], we1[2 * ND + ED:]
        wnx, wna, wnu = wn1[:ND], wn1[ND:ND + ED], wn1[ND + ED:]
        wgx, wge, wgu = wg1[:ND], wg1[ND:ND + ED], wg1[ND + ED:]

        if li == 0:
            gs, gd = _proj_tc(x, ws, wd)
        gsum = _gather_sc(gs, gd, src2d, dst2d)
        ea = _edge_tc(gsum, ea, u2, weu, be1.reshape(1, HID), wee, we2,
                      be2.reshape(1, ED))
        aggp = _scatter_sc(ea, dst2d)
        if li + 1 < nlayers:
            wnext = params[li + 1]['edge'][0]
            x, u2, gs, gd = _node_tc(
                x, aggp, u2, wnx, wna, wnu, bn1.reshape(1, HID), wn2,
                bn2.reshape(1, ND), wgx, wge, wgu, bg1.reshape(1, HID), wg2,
                bg2.reshape(1, GD), wnext[:ND], wnext[ND:2 * ND])
        else:
            x, u2 = _node_tc(
                x, aggp, u2, wnx, wna, wnu, bn1.reshape(1, HID), wn2,
                bn2.reshape(1, ND), wgx, wge, wgu, bg1.reshape(1, HID), wg2,
                bg2.reshape(1, GD))
    return (x, ea, u2.reshape(GD))

# --- scband reference (transcript-rebuilt; emitter-appended) ---
"""Pipeline reference for scband-graph-network-1855425872043 (READ-ONLY COPY).

The authoritative reference and input builder live on the scoring server;
editing this copy changes nothing except your own understanding.
"""

import jax, jax.numpy as jnp
import numpy as np

N = 10000
E = 320000
ND = 128
ED = 16
GD = 64
H = 64
L = 3


def _mlp_init(key, din, dout):
    k1, k2 = jax.random.split(key)
    W1 = jax.random.normal(k1, (din, H), dtype=jnp.float32) * (1.0 / np.sqrt(din))
    b1 = jnp.zeros((H,), jnp.float32)
    W2 = jax.random.normal(k2, (H, dout), dtype=jnp.float32) * (1.0 / np.sqrt(H))
    b2 = jnp.zeros((dout,), jnp.float32)
    return [W1, b1, W2, b2]


def _mlp(p, x):
    W1, b1, W2, b2 = p
    h = jnp.maximum(x @ W1 + b1, 0.0)
    return h @ W2 + b2


def setup_inputs(seed: int = 0):
    key = jax.random.key(seed)
    ks = jax.random.split(key, 4 + 3 * L)
    x = jax.random.normal(ks[0], (N, ND), dtype=jnp.float32)
    edge_index = jax.random.randint(ks[1], (2, E), 0, N, dtype=jnp.int32)
    edge_attr = jax.random.normal(ks[2], (E, ED), dtype=jnp.float32)
    u = jax.random.normal(ks[3], (GD,), dtype=jnp.float32)
    params = []
    idx = 4
    for _ in range(L):
        layer = {
            'edge': _mlp_init(ks[idx], 2 * ND + ED + GD, ED),
            'node': _mlp_init(ks[idx + 1], ND + ED + GD, ND),
            'global': _mlp_init(ks[idx + 2], ND + ED + GD, GD),
        }
        params.append(layer)
        idx += 3
    return {'x': x, 'edge_index': edge_index, 'edge_attr': edge_attr, 'u': u, 'params': params}


def reference(x, edge_index, edge_attr, u, params):
    src = edge_index[0]
    dst = edge_index[1]
    n = x.shape[0]
    e = edge_attr.shape[0]
    for p in params:
        # EdgeBlock: e' = MLP([x_src, x_dst, e, u])
        u_e = jnp.broadcast_to(u[None, :], (e, u.shape[0]))
        e_in = jnp.concatenate([x[src], x[dst], edge_attr, u_e], axis=1)
        edge_attr = _mlp(p['edge'], e_in)
        # NodeBlock: n' = MLP([x, sum_{e->n} e', u])
        agg = jax.ops.segment_sum(edge_attr, dst, num_segments=n)
        u_n = jnp.broadcast_to(u[None, :], (n, u.shape[0]))
        n_in = jnp.concatenate([x, agg, u_n], axis=1)
        x = _mlp(p['node'], n_in)
        # GlobalBlock: u' = MLP([mean(x), mean(e'), u])
        g_in = jnp.concatenate([x.mean(axis=0), edge_attr.mean(axis=0), u], axis=0)
        u = _mlp(p['global'], g_in)
    return (x, edge_attr, u)

if __name__ == "__main__":
    import jax
    _d = setup_inputs()
    print(jax.jit(kernel)(*tuple(_d.values())))

</pallas_src>

<mosaic_0001>
#map = affine_map<(d0, d1) -> (0, 0)>
#map1 = affine_map<(d0, d1) -> (0, 0, 0)>
module attributes {stable_mosaic.version = 14 : i64} {
  func.func @k(%arg0: i32, %arg1: i32, %arg2: memref<320000x16xf32, #tpu.memory_space<hbm>>, %arg3: memref<32x125x80xi32, #tpu.memory_space<hbm>>, %arg4: memref<2x10000x16xf32, #tpu.memory_space<hbm>>, %arg5: memref<125x80xi32, #tpu.memory_space<vmem>>, %arg6: memref<80x16xf32, #tpu.memory_space<vmem>>, %arg7: memref<80x16xf32, #tpu.memory_space<vmem>>, %arg8: memref<10000x16xf32, #tpu.memory_space<vmem_shared>>) attributes {dimension_semantics = [#tpu.dimension_semantics<core_parallel>, #tpu.dimension_semantics<subcore_parallel>], iteration_bounds = array<i64: 2, 16>, scalar_prefetch = 0 : i64, scratch_operands = 4 : i64, tpu.core_type = #tpu.core_type<sc_vector_subcore>, window_params = [{transform_indices = #map}, {transform_indices = #map1}, {transform_indices = #map1}]} {
    %mul3A = arith.constant 2 : i32
    %mul3A_0 = arith.muli %arg1, %mul3A : i32
    %add3A = arith.addi %mul3A_0, %arg0 : i32
    %scan3A = arith.constant 0 : i32
    %scan3A_1 = arith.constant 0 : i32
    %scan3A_2 = arith.constant 80 : i32
    %scan3A_3 = arith.addi %scan3A_1, %scan3A_2 : i32
    %scan3A_4 = arith.constant 1 : i32
    scf.for %scan3A_25 = %scan3A_1 to %scan3A_3 step %scan3A_4  : i32 {
      %broadcast_in_dim3A = arith.constant 0.000000e+00 : f32
      %broadcast_in_dim3A_26 = vector.broadcast %broadcast_in_dim3A : f32 to vector<16xf32>
      %swap3A = arith.index_cast %scan3A_25 : i32 to index
      %swap3A_27 = arith.constant 0 : index
      %swap3A_28 = tpu.vector_load %arg7[%swap3A, %swap3A_27] {strides = array<i32>} : memref<80x16xf32, #tpu.memory_space<vmem>>, vector<1x16xf32>,
      %swap3A_29 = vector.shape_cast %swap3A_28 : vector<1x16xf32> to vector<16xf32>
      %swap3A_30 = vector.shape_cast %broadcast_in_dim3A_26 : vector<16xf32> to vector<1x16xf32>
      tpu.vector_store %arg7[%swap3A, %swap3A_27], %swap3A_30 {strides = array<i32>} : memref<80x16xf32, #tpu.memory_space<vmem>>, vector<1x16xf32>,
    }
    %scan3A_5 = arith.constant 80 : i32
    %scan3A_6 = arith.constant 0 : i32
    %scan3A_7 = arith.constant 0 : i32
    %scan3A_8 = arith.constant 8 : i32
    %scan3A_9 = arith.addi %scan3A_7, %scan3A_8 : i32
    %scan3A_10 = arith.constant 1 : i32
    scf.for %scan3A_25 = %scan3A_7 to %scan3A_9 step %scan3A_10  : i32 {
      %mul3A_26 = arith.constant 16 : i32
      %mul3A_27 = arith.muli %scan3A_25, %mul3A_26 : i32
      %add3A_28 = arith.addi %arg1, %mul3A_27 : i32
      %lt3A = arith.constant 125 : i32
      %lt3A_29 = arith.cmpi slt, %add3A_28, %lt3A : i32
      %convert_element_type3A = arith.extui %lt3A_29 : i1 to i32
      %cond3A = arith.constant 0 : i32
      %cond3A_30 = arith.cmpi ne, %convert_element_type3A, %cond3A : i32
      scf.if %cond3A_30 {
        %mul3A_31 = arith.constant 80 : i32
        %mul3A_32 = arith.muli %add3A_28, %mul3A_31 : i32
        "tpu.region"() ({
          %run_scoped3A = tpu.sem_alloc : memref<!tpu.dma_semaphore, #tpu.memory_space<semaphore_mem>>
          %dma_start3A = arith.constant 0 : i32
          %dma_start3A_33 = tpu.memref_slice %arg8[%mul3A_32, %dma_start3A] : memref<10000x16xf32, #tpu.memory_space<vmem_shared>> -> memref<80x16xf32, #tpu.memory_space<vmem_shared>>
          %dma_start3A_34 = arith.constant 0 : i32
          %dma_start3A_35 = tpu.memref_slice %arg8[%mul3A_32, %dma_start3A_34] : memref<10000x16xf32, #tpu.memory_space<vmem_shared>> -> memref<80x16xf32, #tpu.memory_space<vmem_shared>>
          tpu.enqueue_dma source(%arg7 : memref<80x16xf32, #tpu.memory_space<vmem>>) target(%dma_start3A_35 : memref<80x16xf32, #tpu.memory_space<vmem_shared>>) target_semaphore(%run_scoped3A : memref<!tpu.dma_semaphore, #tpu.memory_space<semaphore_mem>>)
          %dma_wait3A = arith.constant 0 : i32
          %dma_wait3A_36 = tpu.memref_slice %arg8[%mul3A_32, %dma_wait3A] : memref<10000x16xf32, #tpu.memory_space<vmem_shared>> -> memref<80x16xf32, #tpu.memory_space<vmem_shared>>
          %dma_wait3A_37 = arith.constant 0 : i32
          %dma_wait3A_38 = tpu.memref_slice %arg8[%mul3A_32, %dma_wait3A_37] : memref<10000x16xf32, #tpu.memory_space<vmem_shared>> -> memref<80x16xf32, #tpu.memory_space<vmem_shared>>
          tpu.wait_dma2 semaphore(%run_scoped3A : memref<!tpu.dma_semaphore, #tpu.memory_space<semaphore_mem>>) src(%arg7 : memref<80x16xf32, #tpu.memory_space<vmem>>) dst(%dma_wait3A_38 : memref<80x16xf32, #tpu.memory_space<vmem_shared>>)
          tpu.yield
        }) : () -> ()
      } else {
      }
    }
    %scan3A_11 = arith.constant 8 : i32
    %barrier3A = arith.constant 0 : index
    tpu.barrier barrier_id(%barrier3A)
    "tpu.region"() ({
      %run_scoped3A = tpu.sem_alloc : memref<!tpu.dma_semaphore, #tpu.memory_space<semaphore_mem>>
      %dma_start3A = arith.constant 0 : i32
      %dma_start3A_25 = arith.constant 0 : i32
      %dma_start3A_26 = tpu.memref_slice %arg3[%add3A, %dma_start3A, %dma_start3A_25] : memref<32x125x80xi32, #tpu.memory_space<hbm>> -> memref<1x125x80xi32, #tpu.memory_space<hbm>>
      %dma_start3A_27 = tpu.memref_squeeze %dma_start3A_26 : memref<1x125x80xi32, #tpu.memory_space<hbm>> -> memref<125x80xi32, #tpu.memory_space<hbm>>
      %dma_start3A_28 = arith.constant 0 : i32
      %dma_start3A_29 = arith.constant 0 : i32
      %dma_start3A_30 = tpu.memref_slice %arg3[%add3A, %dma_start3A_28, %dma_start3A_29] : memref<32x125x80xi32, #tpu.memory_space<hbm>> -> memref<1x125x80xi32, #tpu.memory_space<hbm>>
      %dma_start3A_31 = tpu.memref_squeeze %dma_start3A_30 : memref<1x125x80xi32, #tpu.memory_space<hbm>> -> memref<125x80xi32, #tpu.memory_space<hbm>>
      tpu.enqueue_dma source(%dma_start3A_31 : memref<125x80xi32, #tpu.memory_space<hbm>>) target(%arg5 : memref<125x80xi32, #tpu.memory_space<vmem>>) target_semaphore(%run_scoped3A : memref<!tpu.dma_semaphore, #tpu.memory_space<semaphore_mem>>)
      %dma_wait3A = arith.constant 0 : i32
      %dma_wait3A_32 = arith.constant 0 : i32
      %dma_wait3A_33 = tpu.memref_slice %arg3[%add3A, %dma_wait3A, %dma_wait3A_32] : memref<32x125x80xi32, #tpu.memory_space<hbm>> -> memref<1x125x80xi32, #tpu.memory_space<hbm>>
      %dma_wait3A_34 = tpu.memref_squeeze %dma_wait3A_33 : memref<1x125x80xi32, #tpu.memory_space<hbm>> -> memref<125x80xi32, #tpu.memory_space<hbm>>
      %dma_wait3A_35 = arith.constant 0 : i32
      %dma_wait3A_36 = arith.constant 0 : i32
      %dma_wait3A_37 = tpu.memref_slice %arg3[%add3A, %dma_wait3A_35, %dma_wait3A_36] : memref<32x125x80xi32, #tpu.memory_space<hbm>> -> memref<1x125x80xi32, #tpu.memory_space<hbm>>
      %dma_wait3A_38 = tpu.memref_squeeze %dma_wait3A_37 : memref<1x125x80xi32, #tpu.memory_space<hbm>> -> memref<125x80xi32, #tpu.memory_space<hbm>>
      tpu.wait_dma2 semaphore(%run_scoped3A : memref<!tpu.dma_semaphore, #tpu.memory_space<semaphore_mem>>) src(%dma_wait3A_38 : memref<125x80xi32, #tpu.memory_space<hbm>>) dst(%arg5 : memref<125x80xi32, #tpu.memory_space<vmem>>)
      tpu.yield
    }) : () -> ()
    %scan3A_12 = arith.constant 0 : i32
    %scan3A_13 = arith.constant 0 : i32
    %scan3A_14 = arith.constant 125 : i32
    %scan3A_15 = arith.addi %scan3A_13, %scan3A_14 : i32
    %scan3A_16 = arith.constant 1 : i32
    scf.for %scan3A_25 = %scan3A_13 to %scan3A_15 step %scan3A_16  : i32 {
      %mul3A_26 = arith.constant 10000 : i32
      %mul3A_27 = arith.muli %add3A, %mul3A_26 : i32
      %mul3A_28 = arith.constant 80 : i32
      %mul3A_29 = arith.muli %scan3A_25, %mul3A_28 : i32
      %add3A_30 = arith.addi %mul3A_27, %mul3A_29 : i32
      "tpu.region"() ({
        %run_scoped3A = tpu.sem_alloc : memref<!tpu.dma_semaphore, #tpu.memory_space<semaphore_mem>>
        %dma_start3A = arith.constant 0 : i32
        %dma_start3A_31 = tpu.memref_slice %arg2[%add3A_30, %dma_start3A] : memref<320000x16xf32, #tpu.memory_space<hbm>> -> memref<80x16xf32, #tpu.memory_space<hbm>>
        %dma_start3A_32 = arith.constant 0 : i32
        %dma_start3A_33 = tpu.memref_slice %arg2[%add3A_30, %dma_start3A_32] : memref<320000x16xf32, #tpu.memory_space<hbm>> -> memref<80x16xf32, #tpu.memory_space<hbm>>
        tpu.enqueue_dma source(%dma_start3A_33 : memref<80x16xf32, #tpu.memory_space<hbm>>) target(%arg6 : memref<80x16xf32, #tpu.memory_space<vmem>>) target_semaphore(%run_scoped3A : memref<!tpu.dma_semaphore, #tpu.memory_space<semaphore_mem>>)
        %dma_wait3A = arith.constant 0 : i32
        %dma_wait3A_34 = tpu.memref_slice %arg2[%add3A_30, %dma_wait3A] : memref<320000x16xf32, #tpu.memory_space<hbm>> -> memref<80x16xf32, #tpu.memory_space<hbm>>
        %dma_wait3A_35 = arith.constant 0 : i32
        %dma_wait3A_36 = tpu.memref_slice %arg2[%add3A_30, %dma_wait3A_35] : memref<320000x16xf32, #tpu.memory_space<hbm>> -> memref<80x16xf32, #tpu.memory_space<hbm>>
        tpu.wait_dma2 semaphore(%run_scoped3A : memref<!tpu.dma_semaphore, #tpu.memory_space<semaphore_mem>>) src(%dma_wait3A_36 : memref<80x16xf32, #tpu.memory_space<hbm>>) dst(%arg6 : memref<80x16xf32, #tpu.memory_space<vmem>>)
        tpu.yield
      }) : () -> ()
      "tpu.region"() ({
        %run_scoped3A = tpu.sem_alloc : memref<!tpu.dma_semaphore, #tpu.memory_space<semaphore_mem>>
        %dma_start3A = arith.constant 0 : i32
        %dma_start3A_31 = tpu.memref_slice %arg5[%scan3A_25, %dma_start3A] : memref<125x80xi32, #tpu.memory_space<vmem>> -> memref<1x80xi32, #tpu.memory_space<vmem>>
        %dma_start3A_32 = tpu.memref_squeeze %dma_start3A_31 : memref<1x80xi32, #tpu.memory_space<vmem>> -> memref<80xi32, #tpu.memory_space<vmem>>
        %dma_start3A_33 = arith.constant 0 : i32
        %dma_start3A_34 = arith.constant 0 : i32
        %dma_start3A_35 = tpu.memref_slice %arg8[%dma_start3A_33, %dma_start3A_34] : memref<10000x16xf32, #tpu.memory_space<vmem_shared>> -> memref<10000x16xf32, #tpu.memory_space<vmem_shared>>
        tpu.enqueue_indirect_dma source(%arg6 : memref<80x16xf32, #tpu.memory_space<vmem>>) target(%dma_start3A_35 : memref<10000x16xf32, #tpu.memory_space<vmem_shared>>) offsets(%dma_start3A_32 : memref<80xi32, #tpu.memory_space<vmem>>) semaphore(%run_scoped3A : memref<!tpu.dma_semaphore, #tpu.memory_space<semaphore_mem>>) {add = true}
        %dma_wait3A = arith.constant 0 : i32
        %dma_wait3A_36 = tpu.memref_slice %arg5[%scan3A_25, %dma_wait3A] : memref<125x80xi32, #tpu.memory_space<vmem>> -> memref<1x80xi32, #tpu.memory_space<vmem>>
        %dma_wait3A_37 = tpu.memref_squeeze %dma_wait3A_36 : memref<1x80xi32, #tpu.memory_space<vmem>> -> memref<80xi32, #tpu.memory_space<vmem>>
        %dma_wait3A_38 = arith.constant 0 : i32
        %dma_wait3A_39 = arith.constant 0 : i32
        %dma_wait3A_40 = tpu.memref_slice %arg8[%dma_wait3A_38, %dma_wait3A_39] : memref<10000x16xf32, #tpu.memory_space<vmem_shared>> -> memref<10000x16xf32, #tpu.memory_space<vmem_shared>>
        tpu.wait_indirect_dma semaphore(%run_scoped3A : memref<!tpu.dma_semaphore, #tpu.memory_space<semaphore_mem>>) src(%arg6 : memref<80x16xf32, #tpu.memory_space<vmem>>) dst(%dma_wait3A_40 : memref<10000x16xf32, #tpu.memory_space<vmem_shared>>)
        tpu.yield
      }) : () -> ()
    }
    %scan3A_17 = arith.constant 125 : i32
    %barrier3A_18 = arith.constant 0 : index
    tpu.barrier barrier_id(%barrier3A_18)
    %scan3A_19 = arith.constant 0 : i32
    %scan3A_20 = arith.constant 0 : i32
    %scan3A_21 = arith.constant 8 : i32
    %scan3A_22 = arith.addi %scan3A_20, %scan3A_21 : i32
    %scan3A_23 = arith.constant 1 : i32
    scf.for %scan3A_25 = %scan3A_20 to %scan3A_22 step %scan3A_23  : i32 {
      %mul3A_26 = arith.constant 16 : i32
      %mul3A_27 = arith.muli %scan3A_25, %mul3A_26 : i32
      %add3A_28 = arith.addi %arg1, %mul3A_27 : i32
      %lt3A = arith.constant 125 : i32
      %lt3A_29 = arith.cmpi slt, %add3A_28, %lt3A : i32
      %convert_element_type3A = arith.extui %lt3A_29 : i1 to i32
      %cond3A = arith.constant 0 : i32
      %cond3A_30 = arith.cmpi ne, %convert_element_type3A, %cond3A : i32
      scf.if %cond3A_30 {
        %mul3A_31 = arith.constant 80 : i32
        %mul3A_32 = arith.muli %add3A_28, %mul3A_31 : i32
        "tpu.region"() ({
          %run_scoped3A = tpu.sem_alloc : memref<!tpu.dma_semaphore, #tpu.memory_space<semaphore_mem>>
          %dma_start3A = arith.constant 0 : i32
          %dma_start3A_35 = tpu.memref_slice %arg8[%mul3A_32, %dma_start3A] : memref<10000x16xf32, #tpu.memory_space<vmem_shared>> -> memref<80x16xf32, #tpu.memory_space<vmem_shared>>
          %dma_start3A_36 = arith.constant 0 : i32
          %dma_start3A_37 = tpu.memref_slice %arg8[%mul3A_32, %dma_start3A_36] : memref<10000x16xf32, #tpu.memory_space<vmem_shared>> -> memref<80x16xf32, #tpu.memory_space<vmem_shared>>
          tpu.enqueue_dma source(%dma_start3A_37 : memref<80x16xf32, #tpu.memory_space<vmem_shared>>) target(%arg7 : memref<80x16xf32, #tpu.memory_space<vmem>>) target_semaphore(%run_scoped3A : memref<!tpu.dma_semaphore, #tpu.memory_space<semaphore_mem>>)
          %dma_wait3A = arith.constant 0 : i32
          %dma_wait3A_38 = tpu.memref_slice %arg8[%mul3A_32, %dma_wait3A] : memref<10000x16xf32, #tpu.memory_space<vmem_shared>> -> memref<80x16xf32, #tpu.memory_space<vmem_shared>>
          %dma_wait3A_39 = arith.constant 0 : i32
          %dma_wait3A_40 = tpu.memref_slice %arg8[%mul3A_32, %dma_wait3A_39] : memref<10000x16xf32, #tpu.memory_space<vmem_shared>> -> memref<80x16xf32, #tpu.memory_space<vmem_shared>>
          tpu.wait_dma2 semaphore(%run_scoped3A : memref<!tpu.dma_semaphore, #tpu.memory_space<semaphore_mem>>) src(%dma_wait3A_40 : memref<80x16xf32, #tpu.memory_space<vmem_shared>>) dst(%arg7 : memref<80x16xf32, #tpu.memory_space<vmem>>)
          tpu.yield
        }) : () -> ()
        %mul3A_33 = arith.constant 80 : i32
        %mul3A_34 = arith.muli %add3A_28, %mul3A_33 : i32
        "tpu.region"() ({
          %run_scoped3A = tpu.sem_alloc : memref<!tpu.dma_semaphore, #tpu.memory_space<semaphore_mem>>
          %dma_start3A = arith.constant 0 : i32
          %dma_start3A_35 = tpu.memref_slice %arg4[%arg0, %mul3A_34, %dma_start3A] : memref<2x10000x16xf32, #tpu.memory_space<hbm>> -> memref<1x80x16xf32, #tpu.memory_space<hbm>>
          %dma_start3A_36 = tpu.memref_squeeze %dma_start3A_35 : memref<1x80x16xf32, #tpu.memory_space<hbm>> -> memref<80x16xf32, #tpu.memory_space<hbm>>
          %dma_start3A_37 = arith.constant 0 : i32
          %dma_start3A_38 = tpu.memref_slice %arg4[%arg0, %mul3A_34, %dma_start3A_37] : memref<2x10000x16xf32, #tpu.memory_space<hbm>> -> memref<1x80x16xf32, #tpu.memory_space<hbm>>
          %dma_start3A_39 = tpu.memref_squeeze %dma_start3A_38 : memref<1x80x16xf32, #tpu.memory_space<hbm>> -> memref<80x16xf32, #tpu.memory_space<hbm>>
          tpu.enqueue_dma source(%arg7 : memref<80x16xf32, #tpu.memory_space<vmem>>) target(%dma_start3A_39 : memref<80x16xf32, #tpu.memory_space<hbm>>) target_semaphore(%run_scoped3A : memref<!tpu.dma_semaphore, #tpu.memory_space<semaphore_mem>>)
          %dma_wait3A = arith.constant 0 : i32
          %dma_wait3A_40 = tpu.memref_slice %arg4[%arg0, %mul3A_34, %dma_wait3A] : memref<2x10000x16xf32, #tpu.memory_space<hbm>> -> memref<1x80x16xf32, #tpu.memory_space<hbm>>
          %dma_wait3A_41 = tpu.memref_squeeze %dma_wait3A_40 : memref<1x80x16xf32, #tpu.memory_space<hbm>> -> memref<80x16xf32, #tpu.memory_space<hbm>>
          %dma_wait3A_42 = arith.constant 0 : i32
          %dma_wait3A_43 = tpu.memref_slice %arg4[%arg0, %mul3A_34, %dma_wait3A_42] : memref<2x10000x16xf32, #tpu.memory_space<hbm>> -> memref<1x80x16xf32, #tpu.memory_space<hbm>>
          %dma_wait3A_44 = tpu.memref_squeeze %dma_wait3A_43 : memref<1x80x16xf32, #tpu.memory_space<hbm>> -> memref<80x16xf32, #tpu.memory_space<hbm>>
          tpu.wait_dma2 semaphore(%run_scoped3A : memref<!tpu.dma_semaphore, #tpu.memory_space<semaphore_mem>>) src(%arg7 : memref<80x16xf32, #tpu.memory_space<vmem>>) dst(%dma_wait3A_44 : memref<80x16xf32, #tpu.memory_space<hbm>>)
          tpu.yield
        }) : () -> ()
      } else {
      }
    }
    %scan3A_24 = arith.constant 8 : i32
    return
  }
}

#map = affine_map<(d0, d1) -> (0, 0)>
#map1 = affine_map<(d0, d1) -> (0, 0, 0)>
module attributes {stable_mosaic.version = 14 : i64} {
  func.func @k(%arg0: i32, %arg1: i32, %arg2: memref<10000x64xf32, #tpu.memory_space<hbm>>, %arg3: memref<10000x64xf32, #tpu.memory_space<hbm>>, %arg4: memref<32x125x80xi32, #tpu.memory_space<hbm>>, %arg5: memref<32x125x80xi32, #tpu.memory_space<hbm>>, %arg6: memref<320000x64xf32, #tpu.memory_space<hbm>>, %arg7: memref<125x80xi32, #tpu.memory_space<vmem>>, %arg8: memref<125x80xi32, #tpu.memory_space<vmem>>, %arg9: memref<80x64xf32, #tpu.memory_space<vmem>>, %arg10: memref<!tpu.dma_semaphore, #tpu.memory_space<semaphore_mem>>, %arg11: memref<!tpu.dma_semaphore, #tpu.memory_space<semaphore_mem>>) attributes {dimension_semantics = [#tpu.dimension_semantics<core_parallel>, #tpu.dimension_semantics<subcore_parallel>], iteration_bounds = array<i64: 2, 16>, scalar_prefetch = 0 : i64, scratch_operands = 5 : i64, tpu.core_type = #tpu.core_type<sc_vector_subcore>, window_params = [{transform_indices = #map}, {transform_indices = #map}, {transform_indices = #map1}, {transform_indices = #map1}, {transform_indices = #map}]} {
    %mul3A = arith.constant 2 : i32
    %mul3A_0 = arith.muli %arg1, %mul3A : i32
    %add3A = arith.addi %mul3A_0, %arg0 : i32
    "tpu.region"() ({
      %run_scoped3A = tpu.sem_alloc : memref<!tpu.dma_semaphore, #tpu.memory_space<semaphore_mem>>
      %dma_start3A = arith.constant 0 : i32
      %dma_start3A_8 = arith.constant 0 : i32
      %dma_start3A_9 = tpu.memref_slice %arg4[%add3A, %dma_start3A, %dma_start3A_8] : memref<32x125x80xi32, #tpu.memory_space<hbm>> -> memref<1x125x80xi32, #tpu.memory_space<hbm>>
      %dma_start3A_10 = tpu.memref_squeeze %dma_start3A_9 : memref<1x125x80xi32, #tpu.memory_space<hbm>> -> memref<125x80xi32, #tpu.memory_space<hbm>>
      %dma_start3A_11 = arith.constant 0 : i32
      %dma_start3A_12 = arith.constant 0 : i32
      %dma_start3A_13 = tpu.memref_slice %arg4[%add3A, %dma_start3A_11, %dma_start3A_12] : memref<32x125x80xi32, #tpu.memory_space<hbm>> -> memref<1x125x80xi32, #tpu.memory_space<hbm>>
      %dma_start3A_14 = tpu.memref_squeeze %dma_start3A_13 : memref<1x125x80xi32, #tpu.memory_space<hbm>> -> memref<125x80xi32, #tpu.memory_space<hbm>>
      tpu.enqueue_dma source(%dma_start3A_14 : memref<125x80xi32, #tpu.memory_space<hbm>>) target(%arg7 : memref<125x80xi32, #tpu.memory_space<vmem>>) target_semaphore(%run_scoped3A : memref<!tpu.dma_semaphore, #tpu.memory_space<semaphore_mem>>)
      %dma_wait3A = arith.constant 0 : i32
      %dma_wait3A_15 = arith.constant 0 : i32
      %dma_wait3A_16 = tpu.memref_slice %arg4[%add3A, %dma_wait3A, %dma_wait3A_15] : memref<32x125x80xi32, #tpu.memory_space<hbm>> -> memref<1x125x80xi32, #tpu.memory_space<hbm>>
      %dma_wait3A_17 = tpu.memref_squeeze %dma_wait3A_16 : memref<1x125x80xi32, #tpu.memory_space<hbm>> -> memref<125x80xi32, #tpu.memory_space<hbm>>
      %dma_wait3A_18 = arith.constant 0 : i32
      %dma_wait3A_19 = arith.constant 0 : i32
      %dma_wait3A_20 = tpu.memref_slice %arg4[%add3A, %dma_wait3A_18, %dma_wait3A_19] : memref<32x125x80xi32, #tpu.memory_space<hbm>> -> memref<1x125x80xi32, #tpu.memory_space<hbm>>
      %dma_wait3A_21 = tpu.memref_squeeze %dma_wait3A_20 : memref<1x125x80xi32, #tpu.memory_space<hbm>> -> memref<125x80xi32, #tpu.memory_space<hbm>>
      tpu.wait_dma2 semaphore(%run_scoped3A : memref<!tpu.dma_semaphore, #tpu.memory_space<semaphore_mem>>) src(%dma_wait3A_21 : memref<125x80xi32, #tpu.memory_space<hbm>>) dst(%arg7 : memref<125x80xi32, #tpu.memory_space<vmem>>)
      tpu.yield
    }) : () -> ()
    "tpu.region"() ({
      %run_scoped3A = tpu.sem_alloc : memref<!tpu.dma_semaphore, #tpu.memory_space<semaphore_mem>>
      %dma_start3A = arith.constant 0 : i32
      %dma_start3A_8 = arith.constant 0 : i32
      %dma_start3A_9 = tpu.memref_slice %arg5[%add3A, %dma_start3A, %dma_start3A_8] : memref<32x125x80xi32, #tpu.memory_space<hbm>> -> memref<1x125x80xi32, #tpu.memory_space<hbm>>
      %dma_start3A_10 = tpu.memref_squeeze %dma_start3A_9 : memref<1x125x80xi32, #tpu.memory_space<hbm>> -> memref<125x80xi32, #tpu.memory_space<hbm>>
      %dma_start3A_11 = arith.constant 0 : i32
      %dma_start3A_12 = arith.constant 0 : i32
      %dma_start3A_13 = tpu.memref_slice %arg5[%add3A, %dma_start3A_11, %dma_start3A_12] : memref<32x125x80xi32, #tpu.memory_space<hbm>> -> memref<1x125x80xi32, #tpu.memory_space<hbm>>
      %dma_start3A_14 = tpu.memref_squeeze %dma_start3A_13 : memref<1x125x80xi32, #tpu.memory_space<hbm>> -> memref<125x80xi32, #tpu.memory_space<hbm>>
      tpu.enqueue_dma source(%dma_start3A_14 : memref<125x80xi32, #tpu.memory_space<hbm>>) target(%arg8 : memref<125x80xi32, #tpu.memory_space<vmem>>) target_semaphore(%run_scoped3A : memref<!tpu.dma_semaphore, #tpu.memory_space<semaphore_mem>>)
      %dma_wait3A = arith.constant 0 : i32
      %dma_wait3A_15 = arith.constant 0 : i32
      %dma_wait3A_16 = tpu.memref_slice %arg5[%add3A, %dma_wait3A, %dma_wait3A_15] : memref<32x125x80xi32, #tpu.memory_space<hbm>> -> memref<1x125x80xi32, #tpu.memory_space<hbm>>
      %dma_wait3A_17 = tpu.memref_squeeze %dma_wait3A_16 : memref<1x125x80xi32, #tpu.memory_space<hbm>> -> memref<125x80xi32, #tpu.memory_space<hbm>>
      %dma_wait3A_18 = arith.constant 0 : i32
      %dma_wait3A_19 = arith.constant 0 : i32
      %dma_wait3A_20 = tpu.memref_slice %arg5[%add3A, %dma_wait3A_18, %dma_wait3A_19] : memref<32x125x80xi32, #tpu.memory_space<hbm>> -> memref<1x125x80xi32, #tpu.memory_space<hbm>>
      %dma_wait3A_21 = tpu.memref_squeeze %dma_wait3A_20 : memref<1x125x80xi32, #tpu.memory_space<hbm>> -> memref<125x80xi32, #tpu.memory_space<hbm>>
      tpu.wait_dma2 semaphore(%run_scoped3A : memref<!tpu.dma_semaphore, #tpu.memory_space<semaphore_mem>>) src(%dma_wait3A_21 : memref<125x80xi32, #tpu.memory_space<hbm>>) dst(%arg8 : memref<125x80xi32, #tpu.memory_space<vmem>>)
      tpu.yield
    }) : () -> ()
    %mul3A_1 = arith.constant 10000 : i32
    %mul3A_2 = arith.muli %add3A, %mul3A_1 : i32
    %scan3A = arith.constant 0 : i32
    %scan3A_3 = arith.constant 0 : i32
    %scan3A_4 = arith.constant 125 : i32
    %scan3A_5 = arith.addi %scan3A_3, %scan3A_4 : i32
    %scan3A_6 = arith.constant 1 : i32
    scf.for %scan3A_8 = %scan3A_3 to %scan3A_5 step %scan3A_6  : i32 {
      %dma_start3A = arith.constant 0 : i32
      %dma_start3A_9 = tpu.memref_slice %arg7[%scan3A_8, %dma_start3A] : memref<125x80xi32, #tpu.memory_space<vmem>> -> memref<1x80xi32, #tpu.memory_space<vmem>>
      %dma_start3A_10 = tpu.memref_squeeze %dma_start3A_9 : memref<1x80xi32, #tpu.memory_space<vmem>> -> memref<80xi32, #tpu.memory_space<vmem>>
      %dma_start3A_11 = arith.constant 0 : i32
      %dma_start3A_12 = arith.constant 0 : i32
      %dma_start3A_13 = tpu.memref_slice %arg2[%dma_start3A_11, %dma_start3A_12] : memref<10000x64xf32, #tpu.memory_space<hbm>> -> memref<10000x64xf32, #tpu.memory_space<hbm>>
      tpu.enqueue_indirect_dma source(%dma_start3A_13 : memref<10000x64xf32, #tpu.memory_space<hbm>>) target(%arg9 : memref<80x64xf32, #tpu.memory_space<vmem>>) offsets(%dma_start3A_10 : memref<80xi32, #tpu.memory_space<vmem>>) semaphore(%arg10 : memref<!tpu.dma_semaphore, #tpu.memory_space<semaphore_mem>>)
      %dma_wait3A = arith.constant 0 : i32
      %dma_wait3A_14 = tpu.memref_slice %arg7[%scan3A_8, %dma_wait3A] : memref<125x80xi32, #tpu.memory_space<vmem>> -> memref<1x80xi32, #tpu.memory_space<vmem>>
      %dma_wait3A_15 = tpu.memref_squeeze %dma_wait3A_14 : memref<1x80xi32, #tpu.memory_space<vmem>> -> memref<80xi32, #tpu.memory_space<vmem>>
      %dma_wait3A_16 = arith.constant 0 : i32
      %dma_wait3A_17 = arith.constant 0 : i32
      %dma_wait3A_18 = tpu.memref_slice %arg2[%dma_wait3A_16, %dma_wait3A_17] : memref<10000x64xf32, #tpu.memory_space<hbm>> -> memref<10000x64xf32, #tpu.memory_space<hbm>>
      tpu.wait_indirect_dma semaphore(%arg10 : memref<!tpu.dma_semaphore, #tpu.memory_space<semaphore_mem>>) src(%dma_wait3A_18 : memref<10000x64xf32, #tpu.memory_space<hbm>>) dst(%arg9 : memref<80x64xf32, #tpu.memory_space<vmem>>)
      %dma_start3A_19 = arith.constant 0 : i32
      %dma_start3A_20 = tpu.memref_slice %arg8[%scan3A_8, %dma_start3A_19] : memref<125x80xi32, #tpu.memory_space<vmem>> -> memref<1x80xi32, #tpu.memory_space<vmem>>
      %dma_start3A_21 = tpu.memref_squeeze %dma_start3A_20 : memref<1x80xi32, #tpu.memory_space<vmem>> -> memref<80xi32, #tpu.memory_space<vmem>>
      %dma_start3A_22 = arith.constant 0 : i32
      %dma_start3A_23 = arith.constant 0 : i32
      %dma_start3A_24 = tpu.memref_slice %arg3[%dma_start3A_22, %dma_start3A_23] : memref<10000x64xf32, #tpu.memory_space<hbm>> -> memref<10000x64xf32, #tpu.memory_space<hbm>>
      tpu.enqueue_indirect_dma source(%dma_start3A_24 : memref<10000x64xf32, #tpu.memory_space<hbm>>) target(%arg9 : memref<80x64xf32, #tpu.memory_space<vmem>>) offsets(%dma_start3A_21 : memref<80xi32, #tpu.memory_space<vmem>>) semaphore(%arg11 : memref<!tpu.dma_semaphore, #tpu.memory_space<semaphore_mem>>) {add = true}
      %dma_wait3A_25 = arith.constant 0 : i32
      %dma_wait3A_26 = tpu.memref_slice %arg8[%scan3A_8, %dma_wait3A_25] : memref<125x80xi32, #tpu.memory_space<vmem>> -> memref<1x80xi32, #tpu.memory_space<vmem>>
      %dma_wait3A_27 = tpu.memref_squeeze %dma_wait3A_26 : memref<1x80xi32, #tpu.memory_space<vmem>> -> memref<80xi32, #tpu.memory_space<vmem>>
      %dma_wait3A_28 = arith.constant 0 : i32
      %dma_wait3A_29 = arith.constant 0 : i32
      %dma_wait3A_30 = tpu.memref_slice %arg3[%dma_wait3A_28, %dma_wait3A_29] : memref<10000x64xf32, #tpu.memory_space<hbm>> -> memref<10000x64xf32, #tpu.memory_space<hbm>>
      tpu.wait_indirect_dma semaphore(%arg11 : memref<!tpu.dma_semaphore, #tpu.memory_space<semaphore_mem>>) src(%dma_wait3A_30 : memref<10000x64xf32, #tpu.memory_space<hbm>>) dst(%arg9 : memref<80x64xf32, #tpu.memory_space<vmem>>)
      %mul3A_31 = arith.constant 80 : i32
      %mul3A_32 = arith.muli %scan3A_8, %mul3A_31 : i32
      %add3A_33 = arith.addi %mul3A_2, %mul3A_32 : i32
      "tpu.region"() ({
        %run_scoped3A = tpu.sem_alloc : memref<!tpu.dma_semaphore, #tpu.memory_space<semaphore_mem>>
        %dma_start3A_34 = arith.constant 0 : i32
        %dma_start3A_35 = tpu.memref_slice %arg6[%add3A_33, %dma_start3A_34] : memref<320000x64xf32, #tpu.memory_space<hbm>> -> memref<80x64xf32, #tpu.memory_space<hbm>>
        %dma_start3A_36 = arith.constant 0 : i32
        %dma_start3A_37 = tpu.memref_slice %arg6[%add3A_33, %dma_start3A_36] : memref<320000x64xf32, #tpu.memory_space<hbm>> -> memref<80x64xf32, #tpu.memory_space<hbm>>
        tpu.enqueue_dma source(%arg9 : memref<80x64xf32, #tpu.memory_space<vmem>>) target(%dma_start3A_37 : memref<80x64xf32, #tpu.memory_space<hbm>>) target_semaphore(%run_scoped3A : memref<!tpu.dma_semaphore, #tpu.memory_space<semaphore_mem>>)
        %dma_wait3A_38 = arith.constant 0 : i32
        %dma_wait3A_39 = tpu.memref_slice %arg6[%add3A_33, %dma_wait3A_38] : memref<320000x64xf32, #tpu.memory_space<hbm>> -> memref<80x64xf32, #tpu.memory_space<hbm>>
        %dma_wait3A_40 = arith.constant 0 : i32
        %dma_wait3A_41 = tpu.memref_slice %arg6[%add3A_33, %dma_wait3A_40] : memref<320000x64xf32, #tpu.memory_space<hbm>> -> memref<80x64xf32, #tpu.memory_space<hbm>>
        tpu.wait_dma2 semaphore(%run_scoped3A : memref<!tpu.dma_semaphore, #tpu.memory_space<semaphore_mem>>) src(%arg9 : memref<80x64xf32, #tpu.memory_space<vmem>>) dst(%dma_wait3A_41 : memref<80x64xf32, #tpu.memory_space<hbm>>)
        tpu.yield
      }) : () -> ()
    }
    %scan3A_7 = arith.constant 125 : i32
    return
  }
}

#map = affine_map<(d0, d1) -> (0, 0)>
#map1 = affine_map<(d0, d1) -> (0, 0, 0)>
module attributes {stable_mosaic.version = 14 : i64} {
  func.func @k(%arg0: i32, %arg1: i32, %arg2: memref<320000x16xf32, #tpu.memory_space<hbm>>, %arg3: memref<32x125x80xi32, #tpu.memory_space<hbm>>, %arg4: memref<2x10000x16xf32, #tpu.memory_space<hbm>>, %arg5: memref<125x80xi32, #tpu.memory_space<vmem>>, %arg6: memref<80x16xf32, #tpu.memory_space<vmem>>, %arg7: memref<80x16xf32, #tpu.memory_space<vmem>>, %arg8: memref<10000x16xf32, #tpu.memory_space<vmem_shared>>) attributes {dimension_semantics = [#tpu.dimension_semantics<core_parallel>, #tpu.dimension_semantics<subcore_parallel>], iteration_bounds = array<i64: 2, 16>, scalar_prefetch = 0 : i64, scratch_operands = 4 : i64, tpu.core_type = #tpu.core_type<sc_vector_subcore>, window_params = [{transform_indices = #map}, {transform_indices = #map1}, {transform_indices = #map1}]} {
    %mul3A = arith.constant 2 : i32
    %mul3A_0 = arith.muli %arg1, %mul3A : i32
    %add3A = arith.addi %mul3A_0, %arg0 : i32
    %scan3A = arith.constant 0 : i32
    %scan3A_1 = arith.constant 0 : i32
    %scan3A_2 = arith.constant 80 : i32
    %scan3A_3 = arith.addi %scan3A_1, %scan3A_2 : i32
    %scan3A_4 = arith.constant 1 : i32
    scf.for %scan3A_25 = %scan3A_1 to %scan3A_3 step %scan3A_4  : i32 {
      %broadcast_in_dim3A = arith.constant 0.000000e+00 : f32
      %broadcast_in_dim3A_26 = vector.broadcast %broadcast_in_dim3A : f32 to vector<16xf32>
      %swap3A = arith.index_cast %scan3A_25 : i32 to index
      %swap3A_27 = arith.constant 0 : index
      %swap3A_28 = tpu.vector_load %arg7[%swap3A, %swap3A_27] {strides = array<i32>} : memref<80x16xf32, #tpu.memory_space<vmem>>, vector<1x16xf32>,
      %swap3A_29 = vector.shape_cast %swap3A_28 : vector<1x16xf32> to vector<16xf32>
      %swap3A_30 = vector.shape_cast %broadcast_in_dim3A_26 : vector<16xf32> to vector<1x16xf32>
      tpu.vector_store %arg7[%swap3A, %swap3A_27], %swap3A_30 {strides = array<i32>} : memref<80x16xf32, #tpu.memory_space<vmem>>, vector<1x16xf32>,
    }
    %scan3A_5 = arith.constant 80 : i32
    %scan3A_6 = arith.constant 0 : i32
    %scan3A_7 = arith.constant 0 : i32
    %scan3A_8 = arith.constant 8 : i32
    %scan3A_9 = arith.addi %scan3A_7, %scan3A_8 : i32
    %scan3A_10 = arith.constant 1 : i32
    scf.for %scan3A_25 = %scan3A_7 to %scan3A_9 step %scan3A_10  : i32 {
      %mul3A_26 = arith.constant 16 : i32
      %mul3A_27 = arith.muli %scan3A_25, %mul3A_26 : i32
      %add3A_28 = arith.addi %arg1, %mul3A_27 : i32
      %lt3A = arith.constant 125 : i32
      %lt3A_29 = arith.cmpi slt, %add3A_28, %lt3A : i32
      %convert_element_type3A = arith.extui %lt3A_29 : i1 to i32
      %cond3A = arith.constant 0 : i32
      %cond3A_30 = arith.cmpi ne, %convert_element_type3A, %cond3A : i32
      scf.if %cond3A_30 {
        %mul3A_31 = arith.constant 80 : i32
        %mul3A_32 = arith.muli %add3A_28, %mul3A_31 : i32
        "tpu.region"() ({
          %run_scoped3A = tpu.sem_alloc : memref<!tpu.dma_semaphore, #tpu.memory_space<semaphore_mem>>
          %dma_start3A = arith.constant 0 : i32
          %dma_start3A_33 = tpu.memref_slice %arg8[%mul3A_32, %dma_start3A] : memref<10000x16xf32, #tpu.memory_space<vmem_shared>> -> memref<80x16xf32, #tpu.memory_space<vmem_shared>>
          %dma_start3A_34 = arith.constant 0 : i32
          %dma_start3A_35 = tpu.memref_slice %arg8[%mul3A_32, %dma_start3A_34] : memref<10000x16xf32, #tpu.memory_space<vmem_shared>> -> memref<80x16xf32, #tpu.memory_space<vmem_shared>>
          tpu.enqueue_dma source(%arg7 : memref<80x16xf32, #tpu.memory_space<vmem>>) target(%dma_start3A_35 : memref<80x16xf32, #tpu.memory_space<vmem_shared>>) target_semaphore(%run_scoped3A : memref<!tpu.dma_semaphore, #tpu.memory_space<semaphore_mem>>)
          %dma_wait3A = arith.constant 0 : i32
          %dma_wait3A_36 = tpu.memref_slice %arg8[%mul3A_32, %dma_wait3A] : memref<10000x16xf32, #tpu.memory_space<vmem_shared>> -> memref<80x16xf32, #tpu.memory_space<vmem_shared>>
          %dma_wait3A_37 = arith.constant 0 : i32
          %dma_wait3A_38 = tpu.memref_slice %arg8[%mul3A_32, %dma_wait3A_37] : memref<10000x16xf32, #tpu.memory_space<vmem_shared>> -> memref<80x16xf32, #tpu.memory_space<vmem_shared>>
          tpu.wait_dma2 semaphore(%run_scoped3A : memref<!tpu.dma_semaphore, #tpu.memory_space<semaphore_mem>>) src(%arg7 : memref<80x16xf32, #tpu.memory_space<vmem>>) dst(%dma_wait3A_38 : memref<80x16xf32, #tpu.memory_space<vmem_shared>>)
          tpu.yield
        }) : () -> ()
      } else {
      }
    }
    %scan3A_11 = arith.constant 8 : i32
    %barrier3A = arith.constant 0 : index
    tpu.barrier barrier_id(%barrier3A)
    "tpu.region"() ({
      %run_scoped3A = tpu.sem_alloc : memref<!tpu.dma_semaphore, #tpu.memory_space<semaphore_mem>>
      %dma_start3A = arith.constant 0 : i32
      %dma_start3A_25 = arith.constant 0 : i32
      %dma_start3A_26 = tpu.memref_slice %arg3[%add3A, %dma_start3A, %dma_start3A_25] : memref<32x125x80xi32, #tpu.memory_space<hbm>> -> memref<1x125x80xi32, #tpu.memory_space<hbm>>
      %dma_start3A_27 = tpu.memref_squeeze %dma_start3A_26 : memref<1x125x80xi32, #tpu.memory_space<hbm>> -> memref<125x80xi32, #tpu.memory_space<hbm>>
      %dma_start3A_28 = arith.constant 0 : i32
      %dma_start3A_29 = arith.constant 0 : i32
      %dma_start3A_30 = tpu.memref_slice %arg3[%add3A, %dma_start3A_28, %dma_start3A_29] : memref<32x125x80xi32, #tpu.memory_space<hbm>> -> memref<1x125x80xi32, #tpu.memory_space<hbm>>
      %dma_start3A_31 = tpu.memref_squeeze %dma_start3A_30 : memref<1x125x80xi32, #tpu.memory_space<hbm>> -> memref<125x80xi32, #tpu.memory_space<hbm>>
      tpu.enqueue_dma source(%dma_start3A_31 : memref<125x80xi32, #tpu.memory_space<hbm>>) target(%arg5 : memref<125x80xi32, #tpu.memory_space<vmem>>) target_semaphore(%run_scoped3A : memref<!tpu.dma_semaphore, #tpu.memory_space<semaphore_mem>>)
      %dma_wait3A = arith.constant 0 : i32
      %dma_wait3A_32 = arith.constant 0 : i32
      %dma_wait3A_33 = tpu.memref_slice %arg3[%add3A, %dma_wait3A, %dma_wait3A_32] : memref<32x125x80xi32, #tpu.memory_space<hbm>> -> memref<1x125x80xi32, #tpu.memory_space<hbm>>
      %dma_wait3A_34 = tpu.memref_squeeze %dma_wait3A_33 : memref<1x125x80xi32, #tpu.memory_space<hbm>> -> memref<125x80xi32, #tpu.memory_space<hbm>>
      %dma_wait3A_35 = arith.constant 0 : i32
      %dma_wait3A_36 = arith.constant 0 : i32
      %dma_wait3A_37 = tpu.memref_slice %arg3[%add3A, %dma_wait3A_35, %dma_wait3A_36] : memref<32x125x80xi32, #tpu.memory_space<hbm>> -> memref<1x125x80xi32, #tpu.memory_space<hbm>>
      %dma_wait3A_38 = tpu.memref_squeeze %dma_wait3A_37 : memref<1x125x80xi32, #tpu.memory_space<hbm>> -> memref<125x80xi32, #tpu.memory_space<hbm>>
      tpu.wait_dma2 semaphore(%run_scoped3A : memref<!tpu.dma_semaphore, #tpu.memory_space<semaphore_mem>>) src(%dma_wait3A_38 : memref<125x80xi32, #tpu.memory_space<hbm>>) dst(%arg5 : memref<125x80xi32, #tpu.memory_space<vmem>>)
      tpu.yield
    }) : () -> ()
    %scan3A_12 = arith.constant 0 : i32
    %scan3A_13 = arith.constant 0 : i32
    %scan3A_14 = arith.constant 125 : i32
    %scan3A_15 = arith.addi %scan3A_13, %scan3A_14 : i32
    %scan3A_16 = arith.constant 1 : i32
    scf.for %scan3A_25 = %scan3A_13 to %scan3A_15 step %scan3A_16  : i32 {
      %mul3A_26 = arith.constant 10000 : i32
      %mul3A_27 = arith.muli %add3A, %mul3A_26 : i32
      %mul3A_28 = arith.constant 80 : i32
      %mul3A_29 = arith.muli %scan3A_25, %mul3A_28 : i32
      %add3A_30 = arith.addi %mul3A_27, %mul3A_29 : i32
      "tpu.region"() ({
        %run_scoped3A = tpu.sem_alloc : memref<!tpu.dma_semaphore, #tpu.memory_space<semaphore_mem>>
        %dma_start3A = arith.constant 0 : i32
        %dma_start3A_31 = tpu.memref_slice %arg2[%add3A_30, %dma_start3A] : memref<320000x16xf32, #tpu.memory_space<hbm>> -> memref<80x16xf32, #tpu.memory_space<hbm>>
        %dma_start3A_32 = arith.constant 0 : i32
        %dma_start3A_33 = tpu.memref_slice %arg2[%add3A_30, %dma_start3A_32] : memref<320000x16xf32, #tpu.memory_space<hbm>> -> memref<80x16xf32, #tpu.memory_space<hbm>>
        tpu.enqueue_dma source(%dma_start3A_33 : memref<80x16xf32, #tpu.memory_space<hbm>>) target(%arg6 : memref<80x16xf32, #tpu.memory_space<vmem>>) target_semaphore(%run_scoped3A : memref<!tpu.dma_semaphore, #tpu.memory_space<semaphore_mem>>)
        %dma_wait3A = arith.constant 0 : i32
        %dma_wait3A_34 = tpu.memref_slice %arg2[%add3A_30, %dma_wait3A] : memref<320000x16xf32, #tpu.memory_space<hbm>> -> memref<80x16xf32, #tpu.memory_space<hbm>>
        %dma_wait3A_35 = arith.constant 0 : i32
        %dma_wait3A_36 = tpu.memref_slice %arg2[%add3A_30, %dma_wait3A_35] : memref<320000x16xf32, #tpu.memory_space<hbm>> -> memref<80x16xf32, #tpu.memory_space<hbm>>
        tpu.wait_dma2 semaphore(%run_scoped3A : memref<!tpu.dma_semaphore, #tpu.memory_space<semaphore_mem>>) src(%dma_wait3A_36 : memref<80x16xf32, #tpu.memory_space<hbm>>) dst(%arg6 : memref<80x16xf32, #tpu.memory_space<vmem>>)
        tpu.yield
      }) : () -> ()
      "tpu.region"() ({
        %run_scoped3A = tpu.sem_alloc : memref<!tpu.dma_semaphore, #tpu.memory_space<semaphore_mem>>
        %dma_start3A = arith.constant 0 : i32
        %dma_start3A_31 = tpu.memref_slice %arg5[%scan3A_25, %dma_start3A] : memref<125x80xi32, #tpu.memory_space<vmem>> -> memref<1x80xi32, #tpu.memory_space<vmem>>
        %dma_start3A_32 = tpu.memref_squeeze %dma_start3A_31 : memref<1x80xi32, #tpu.memory_space<vmem>> -> memref<80xi32, #tpu.memory_space<vmem>>
        %dma_start3A_33 = arith.constant 0 : i32
        %dma_start3A_34 = arith.constant 0 : i32
        %dma_start3A_35 = tpu.memref_slice %arg8[%dma_start3A_33, %dma_start3A_34] : memref<10000x16xf32, #tpu.memory_space<vmem_shared>> -> memref<10000x16xf32, #tpu.memory_space<vmem_shared>>
        tpu.enqueue_indirect_dma source(%arg6 : memref<80x16xf32, #tpu.memory_space<vmem>>) target(%dma_start3A_35 : memref<10000x16xf32, #tpu.memory_space<vmem_shared>>) offsets(%dma_start3A_32 : memref<80xi32, #tpu.memory_space<vmem>>) semaphore(%run_scoped3A : memref<!tpu.dma_semaphore, #tpu.memory_space<semaphore_mem>>) {add = true}
        %dma_wait3A = arith.constant 0 : i32
        %dma_wait3A_36 = tpu.memref_slice %arg5[%scan3A_25, %dma_wait3A] : memref<125x80xi32, #tpu.memory_space<vmem>> -> memref<1x80xi32, #tpu.memory_space<vmem>>
        %dma_wait3A_37 = tpu.memref_squeeze %dma_wait3A_36 : memref<1x80xi32, #tpu.memory_space<vmem>> -> memref<80xi32, #tpu.memory_space<vmem>>
        %dma_wait3A_38 = arith.constant 0 : i32
        %dma_wait3A_39 = arith.constant 0 : i32
        %dma_wait3A_40 = tpu.memref_slice %arg8[%dma_wait3A_38, %dma_wait3A_39] : memref<10000x16xf32, #tpu.memory_space<vmem_shared>> -> memref<10000x16xf32, #tpu.memory_space<vmem_shared>>
        tpu.wait_indirect_dma semaphore(%run_scoped3A : memref<!tpu.dma_semaphore, #tpu.memory_space<semaphore_mem>>) src(%arg6 : memref<80x16xf32, #tpu.memory_space<vmem>>) dst(%dma_wait3A_40 : memref<10000x16xf32, #tpu.memory_space<vmem_shared>>)
        tpu.yield
      }) : () -> ()
    }
    %scan3A_17 = arith.constant 125 : i32
    %barrier3A_18 = arith.constant 0 : index
    tpu.barrier barrier_id(%barrier3A_18)
    %scan3A_19 = arith.constant 0 : i32
    %scan3A_20 = arith.constant 0 : i32
    %scan3A_21 = arith.constant 8 : i32
    %scan3A_22 = arith.addi %scan3A_20, %scan3A_21 : i32
    %scan3A_23 = arith.constant 1 : i32
    scf.for %scan3A_25 = %scan3A_20 to %scan3A_22 step %scan3A_23  : i32 {
      %mul3A_26 = arith.constant 16 : i32
      %mul3A_27 = arith.muli %scan3A_25, %mul3A_26 : i32
      %add3A_28 = arith.addi %arg1, %mul3A_27 : i32
      %lt3A = arith.constant 125 : i32
      %lt3A_29 = arith.cmpi slt, %add3A_28, %lt3A : i32
      %convert_element_type3A = arith.extui %lt3A_29 : i1 to i32
      %cond3A = arith.constant 0 : i32
      %cond3A_30 = arith.cmpi ne, %convert_element_type3A, %cond3A : i32
      scf.if %cond3A_30 {
        %mul3A_31 = arith.constant 80 : i32
        %mul3A_32 = arith.muli %add3A_28, %mul3A_31 : i32
        "tpu.region"() ({
          %run_scoped3A = tpu.sem_alloc : memref<!tpu.dma_semaphore, #tpu.memory_space<semaphore_mem>>
          %dma_start3A = arith.constant 0 : i32
          %dma_start3A_35 = tpu.memref_slice %arg8[%mul3A_32, %dma_start3A] : memref<10000x16xf32, #tpu.memory_space<vmem_shared>> -> memref<80x16xf32, #tpu.memory_space<vmem_shared>>
          %dma_start3A_36 = arith.constant 0 : i32
          %dma_start3A_37 = tpu.memref_slice %arg8[%mul3A_32, %dma_start3A_36] : memref<10000x16xf32, #tpu.memory_space<vmem_shared>> -> memref<80x16xf32, #tpu.memory_space<vmem_shared>>
          tpu.enqueue_dma source(%dma_start3A_37 : memref<80x16xf32, #tpu.memory_space<vmem_shared>>) target(%arg7 : memref<80x16xf32, #tpu.memory_space<vmem>>) target_semaphore(%run_scoped3A : memref<!tpu.dma_semaphore, #tpu.memory_space<semaphore_mem>>)
          %dma_wait3A = arith.constant 0 : i32
          %dma_wait3A_38 = tpu.memref_slice %arg8[%mul3A_32, %dma_wait3A] : memref<10000x16xf32, #tpu.memory_space<vmem_shared>> -> memref<80x16xf32, #tpu.memory_space<vmem_shared>>
          %dma_wait3A_39 = arith.constant 0 : i32
          %dma_wait3A_40 = tpu.memref_slice %arg8[%mul3A_32, %dma_wait3A_39] : memref<10000x16xf32, #tpu.memory_space<vmem_shared>> -> memref<80x16xf32, #tpu.memory_space<vmem_shared>>
          tpu.wait_dma2 semaphore(%run_scoped3A : memref<!tpu.dma_semaphore, #tpu.memory_space<semaphore_mem>>) src(%dma_wait3A_40 : memref<80x16xf32, #tpu.memory_space<vmem_shared>>) dst(%arg7 : memref<80x16xf32, #tpu.memory_space<vmem>>)
          tpu.yield
        }) : () -> ()
        %mul3A_33 = arith.constant 80 : i32
        %mul3A_34 = arith.muli %add3A_28, %mul3A_33 : i32
        "tpu.region"() ({
          %run_scoped3A = tpu.sem_alloc : memref<!tpu.dma_semaphore, #tpu.memory_space<semaphore_mem>>
          %dma_start3A = arith.constant 0 : i32
          %dma_start3A_35 = tpu.memref_slice %arg4[%arg0, %mul3A_34, %dma_start3A] : memref<2x10000x16xf32, #tpu.memory_space<hbm>> -> memref<1x80x16xf32, #tpu.memory_space<hbm>>
          %dma_start3A_36 = tpu.memref_squeeze %dma_start3A_35 : memref<1x80x16xf32, #tpu.memory_space<hbm>> -> memref<80x16xf32, #tpu.memory_space<hbm>>
          %dma_start3A_37 = arith.constant 0 : i32
          %dma_start3A_38 = tpu.memref_slice %arg4[%arg0, %mul3A_34, %dma_start3A_37] : memref<2x10000x16xf32, #tpu.memory_space<hbm>> -> memref<1x80x16xf32, #tpu.memory_space<hbm>>
          %dma_start3A_39 = tpu.memref_squeeze %dma_start3A_38 : memref<1x80x16xf32, #tpu.memory_space<hbm>> -> memref<80x16xf32, #tpu.memory_space<hbm>>
          tpu.enqueue_dma source(%arg7 : memref<80x16xf32, #tpu.memory_space<vmem>>) target(%dma_start3A_39 : memref<80x16xf32, #tpu.memory_space<hbm>>) target_semaphore(%run_scoped3A : memref<!tpu.dma_semaphore, #tpu.memory_space<semaphore_mem>>)
          %dma_wait3A = arith.constant 0 : i32
          %dma_wait3A_40 = tpu.memref_slice %arg4[%arg0, %mul3A_34, %dma_wait3A] : memref<2x10000x16xf32, #tpu.memory_space<hbm>> -> memref<1x80x16xf32, #tpu.memory_space<hbm>>
          %dma_wait3A_41 = tpu.memref_squeeze %dma_wait3A_40 : memref<1x80x16xf32, #tpu.memory_space<hbm>> -> memref<80x16xf32, #tpu.memory_space<hbm>>
          %dma_wait3A_42 = arith.constant 0 : i32
          %dma_wait3A_43 = tpu.memref_slice %arg4[%arg0, %mul3A_34, %dma_wait3A_42] : memref<2x10000x16xf32, #tpu.memory_space<hbm>> -> memref<1x80x16xf32, #tpu.memory_space<hbm>>
          %dma_wait3A_44 = tpu.memref_squeeze %dma_wait3A_43 : memref<1x80x16xf32, #tpu.memory_space<hbm>> -> memref<80x16xf32, #tpu.memory_space<hbm>>
          tpu.wait_dma2 semaphore(%run_scoped3A : memref<!tpu.dma_semaphore, #tpu.memory_space<semaphore_mem>>) src(%arg7 : memref<80x16xf32, #tpu.memory_space<vmem>>) dst(%dma_wait3A_44 : memref<80x16xf32, #tpu.memory_space<hbm>>)
          tpu.yield
        }) : () -> ()
      } else {
      }
    }
    %scan3A_24 = arith.constant 8 : i32
    return
  }
}

#map = affine_map<(d0, d1) -> (0, 0)>
#map1 = affine_map<(d0, d1) -> (0, 0, 0)>
module attributes {stable_mosaic.version = 14 : i64} {
  func.func @k(%arg0: i32, %arg1: i32, %arg2: memref<10000x64xf32, #tpu.memory_space<hbm>>, %arg3: memref<10000x64xf32, #tpu.memory_space<hbm>>, %arg4: memref<32x125x80xi32, #tpu.memory_space<hbm>>, %arg5: memref<32x125x80xi32, #tpu.memory_space<hbm>>, %arg6: memref<320000x64xf32, #tpu.memory_space<hbm>>, %arg7: memref<125x80xi32, #tpu.memory_space<vmem>>, %arg8: memref<125x80xi32, #tpu.memory_space<vmem>>, %arg9: memref<80x64xf32, #tpu.memory_space<vmem>>, %arg10: memref<!tpu.dma_semaphore, #tpu.memory_space<semaphore_mem>>, %arg11: memref<!tpu.dma_semaphore, #tpu.memory_space<semaphore_mem>>) attributes {dimension_semantics = [#tpu.dimension_semantics<core_parallel>, #tpu.dimension_semantics<subcore_parallel>], iteration_bounds = array<i64: 2, 16>, scalar_prefetch = 0 : i64, scratch_operands = 5 : i64, tpu.core_type = #tpu.core_type<sc_vector_subcore>, window_params = [{transform_indices = #map}, {transform_indices = #map}, {transform_indices = #map1}, {transform_indices = #map1}, {transform_indices = #map}]} {
    %mul3A = arith.constant 2 : i32
    %mul3A_0 = arith.muli %arg1, %mul3A : i32
    %add3A = arith.addi %mul3A_0, %arg0 : i32
    "tpu.region"() ({
      %run_scoped3A = tpu.sem_alloc : memref<!tpu.dma_semaphore, #tpu.memory_space<semaphore_mem>>
      %dma_start3A = arith.constant 0 : i32
      %dma_start3A_8 = arith.constant 0 : i32
      %dma_start3A_9 = tpu.memref_slice %arg4[%add3A, %dma_start3A, %dma_start3A_8] : memref<32x125x80xi32, #tpu.memory_space<hbm>> -> memref<1x125x80xi32, #tpu.memory_space<hbm>>
      %dma_start3A_10 = tpu.memref_squeeze %dma_start3A_9 : memref<1x125x80xi32, #tpu.memory_space<hbm>> -> memref<125x80xi32, #tpu.memory_space<hbm>>
      %dma_start3A_11 = arith.constant 0 : i32
      %dma_start3A_12 = arith.constant 0 : i32
      %dma_start3A_13 = tpu.memref_slice %arg4[%add3A, %dma_start3A_11, %dma_start3A_12] : memref<32x125x80xi32, #tpu.memory_space<hbm>> -> memref<1x125x80xi32, #tpu.memory_space<hbm>>
      %dma_start3A_14 = tpu.memref_squeeze %dma_start3A_13 : memref<1x125x80xi32, #tpu.memory_space<hbm>> -> memref<125x80xi32, #tpu.memory_space<hbm>>
      tpu.enqueue_dma source(%dma_start3A_14 : memref<125x80xi32, #tpu.memory_space<hbm>>) target(%arg7 : memref<125x80xi32, #tpu.memory_space<vmem>>) target_semaphore(%run_scoped3A : memref<!tpu.dma_semaphore, #tpu.memory_space<semaphore_mem>>)
      %dma_wait3A = arith.constant 0 : i32
      %dma_wait3A_15 = arith.constant 0 : i32
      %dma_wait3A_16 = tpu.memref_slice %arg4[%add3A, %dma_wait3A, %dma_wait3A_15] : memref<32x125x80xi32, #tpu.memory_space<hbm>> -> memref<1x125x80xi32, #tpu.memory_space<hbm>>
      %dma_wait3A_17 = tpu.memref_squeeze %dma_wait3A_16 : memref<1x125x80xi32, #tpu.memory_space<hbm>> -> memref<125x80xi32, #tpu.memory_space<hbm>>
      %dma_wait3A_18 = arith.constant 0 : i32
      %dma_wait3A_19 = arith.constant 0 : i32
      %dma_wait3A_20 = tpu.memref_slice %arg4[%add3A, %dma_wait3A_18, %dma_wait3A_19] : memref<32x125x80xi32, #tpu.memory_space<hbm>> -> memref<1x125x80xi32, #tpu.memory_space<hbm>>
      %dma_wait3A_21 = tpu.memref_squeeze %dma_wait3A_20 : memref<1x125x80xi32, #tpu.memory_space<hbm>> -> memref<125x80xi32, #tpu.memory_space<hbm>>
      tpu.wait_dma2 semaphore(%run_scoped3A : memref<!tpu.dma_semaphore, #tpu.memory_space<semaphore_mem>>) src(%dma_wait3A_21 : memref<125x80xi32, #tpu.memory_space<hbm>>) dst(%arg7 : memref<125x80xi32, #tpu.memory_space<vmem>>)
      tpu.yield
    }) : () -> ()
    "tpu.region"() ({
      %run_scoped3A = tpu.sem_alloc : memref<!tpu.dma_semaphore, #tpu.memory_space<semaphore_mem>>
      %dma_start3A = arith.constant 0 : i32
      %dma_start3A_8 = arith.constant 0 : i32
      %dma_start3A_9 = tpu.memref_slice %arg5[%add3A, %dma_start3A, %dma_start3A_8] : memref<32x125x80xi32, #tpu.memory_space<hbm>> -> memref<1x125x80xi32, #tpu.memory_space<hbm>>
      %dma_start3A_10 = tpu.memref_squeeze %dma_start3A_9 : memref<1x125x80xi32, #tpu.memory_space<hbm>> -> memref<125x80xi32, #tpu.memory_space<hbm>>
      %dma_start3A_11 = arith.constant 0 : i32
      %dma_start3A_12 = arith.constant 0 : i32
      %dma_start3A_13 = tpu.memref_slice %arg5[%add3A, %dma_start3A_11, %dma_start3A_12] : memref<32x125x80xi32, #tpu.memory_space<hbm>> -> memref<1x125x80xi32, #tpu.memory_space<hbm>>
      %dma_start3A_14 = tpu.memref_squeeze %dma_start3A_13 : memref<1x125x80xi32, #tpu.memory_space<hbm>> -> memref<125x80xi32, #tpu.memory_space<hbm>>
      tpu.enqueue_dma source(%dma_start3A_14 : memref<125x80xi32, #tpu.memory_space<hbm>>) target(%arg8 : memref<125x80xi32, #tpu.memory_space<vmem>>) target_semaphore(%run_scoped3A : memref<!tpu.dma_semaphore, #tpu.memory_space<semaphore_mem>>)
      %dma_wait3A = arith.constant 0 : i32
      %dma_wait3A_15 = arith.constant 0 : i32
      %dma_wait3A_16 = tpu.memref_slice %arg5[%add3A, %dma_wait3A, %dma_wait3A_15] : memref<32x125x80xi32, #tpu.memory_space<hbm>> -> memref<1x125x80xi32, #tpu.memory_space<hbm>>
      %dma_wait3A_17 = tpu.memref_squeeze %dma_wait3A_16 : memref<1x125x80xi32, #tpu.memory_space<hbm>> -> memref<125x80xi32, #tpu.memory_space<hbm>>
      %dma_wait3A_18 = arith.constant 0 : i32
      %dma_wait3A_19 = arith.constant 0 : i32
      %dma_wait3A_20 = tpu.memref_slice %arg5[%add3A, %dma_wait3A_18, %dma_wait3A_19] : memref<32x125x80xi32, #tpu.memory_space<hbm>> -> memref<1x125x80xi32, #tpu.memory_space<hbm>>
      %dma_wait3A_21 = tpu.memref_squeeze %dma_wait3A_20 : memref<1x125x80xi32, #tpu.memory_space<hbm>> -> memref<125x80xi32, #tpu.memory_space<hbm>>
      tpu.wait_dma2 semaphore(%run_scoped3A : memref<!tpu.dma_semaphore, #tpu.memory_space<semaphore_mem>>) src(%dma_wait3A_21 : memref<125x80xi32, #tpu.memory_space<hbm>>) dst(%arg8 : memref<125x80xi32, #tpu.memory_space<vmem>>)
      tpu.yield
    }) : () -> ()
    %mul3A_1 = arith.constant 10000 : i32
    %mul3A_2 = arith.muli %add3A, %mul3A_1 : i32
    %scan3A = arith.constant 0 : i32
    %scan3A_3 = arith.constant 0 : i32
    %scan3A_4 = arith.constant 125 : i32
    %scan3A_5 = arith.addi %scan3A_3, %scan3A_4 : i32
    %scan3A_6 = arith.constant 1 : i32
    scf.for %scan3A_8 = %scan3A_3 to %scan3A_5 step %scan3A_6  : i32 {
      %dma_start3A = arith.constant 0 : i32
      %dma_start3A_9 = tpu.memref_slice %arg7[%scan3A_8, %dma_start3A] : memref<125x80xi32, #tpu.memory_space<vmem>> -> memref<1x80xi32, #tpu.memory_space<vmem>>
      %dma_start3A_10 = tpu.memref_squeeze %dma_start3A_9 : memref<1x80xi32, #tpu.memory_space<vmem>> -> memref<80xi32, #tpu.memory_space<vmem>>
      %dma_start3A_11 = arith.constant 0 : i32
      %dma_start3A_12 = arith.constant 0 : i32
      %dma_start3A_13 = tpu.memref_slice %arg2[%dma_start3A_11, %dma_start3A_12] : memref<10000x64xf32, #tpu.memory_space<hbm>> -> memref<10000x64xf32, #tpu.memory_space<hbm>>
      tpu.enqueue_indirect_dma source(%dma_start3A_13 : memref<10000x64xf32, #tpu.memory_space<hbm>>) target(%arg9 : memref<80x64xf32, #tpu.memory_space<vmem>>) offsets(%dma_start3A_10 : memref<80xi32, #tpu.memory_space<vmem>>) semaphore(%arg10 : memref<!tpu.dma_semaphore, #tpu.memory_space<semaphore_mem>>)
      %dma_wait3A = arith.constant 0 : i32
      %dma_wait3A_14 = tpu.memref_slice %arg7[%scan3A_8, %dma_wait3A] : memref<125x80xi32, #tpu.memory_space<vmem>> -> memref<1x80xi32, #tpu.memory_space<vmem>>
      %dma_wait3A_15 = tpu.memref_squeeze %dma_wait3A_14 : memref<1x80xi32, #tpu.memory_space<vmem>> -> memref<80xi32, #tpu.memory_space<vmem>>
      %dma_wait3A_16 = arith.constant 0 : i32
      %dma_wait3A_17 = arith.constant 0 : i32
      %dma_wait3A_18 = tpu.memref_slice %arg2[%dma_wait3A_16, %dma_wait3A_17] : memref<10000x64xf32, #tpu.memory_space<hbm>> -> memref<10000x64xf32, #tpu.memory_space<hbm>>
      tpu.wait_indirect_dma semaphore(%arg10 : memref<!tpu.dma_semaphore, #tpu.memory_space<semaphore_mem>>) src(%dma_wait3A_18 : memref<10000x64xf32, #tpu.memory_space<hbm>>) dst(%arg9 : memref<80x64xf32, #tpu.memory_space<vmem>>)
      %dma_start3A_19 = arith.constant 0 : i32
      %dma_start3A_20 = tpu.memref_slice %arg8[%scan3A_8, %dma_start3A_19] : memref<125x80xi32, #tpu.memory_space<vmem>> -> memref<1x80xi32, #tpu.memory_space<vmem>>
      %dma_start3A_21 = tpu.memref_squeeze %dma_start3A_20 : memref<1x80xi32, #tpu.memory_space<vmem>> -> memref<80xi32, #tpu.memory_space<vmem>>
      %dma_start3A_22 = arith.constant 0 : i32
      %dma_start3A_23 = arith.constant 0 : i32
      %dma_start3A_24 = tpu.memref_slice %arg3[%dma_start3A_22, %dma_start3A_23] : memref<10000x64xf32, #tpu.memory_space<hbm>> -> memref<10000x64xf32, #tpu.memory_space<hbm>>
      tpu.enqueue_indirect_dma source(%dma_start3A_24 : memref<10000x64xf32, #tpu.memory_space<hbm>>) target(%arg9 : memref<80x64xf32, #tpu.memory_space<vmem>>) offsets(%dma_start3A_21 : memref<80xi32, #tpu.memory_space<vmem>>) semaphore(%arg11 : memref<!tpu.dma_semaphore, #tpu.memory_space<semaphore_mem>>) {add = true}
      %dma_wait3A_25 = arith.constant 0 : i32
      %dma_wait3A_26 = tpu.memref_slice %arg8[%scan3A_8, %dma_wait3A_25] : memref<125x80xi32, #tpu.memory_space<vmem>> -> memref<1x80xi32, #tpu.memory_space<vmem>>
      %dma_wait3A_27 = tpu.memref_squeeze %dma_wait3A_26 : memref<1x80xi32, #tpu.memory_space<vmem>> -> memref<80xi32, #tpu.memory_space<vmem>>
      %dma_wait3A_28 = arith.constant 0 : i32
      %dma_wait3A_29 = arith.constant 0 : i32
      %dma_wait3A_30 = tpu.memref_slice %arg3[%dma_wait3A_28, %dma_wait3A_29] : memref<10000x64xf32, #tpu.memory_space<hbm>> -> memref<10000x64xf32, #tpu.memory_space<hbm>>
      tpu.wait_indirect_dma semaphore(%arg11 : memref<!tpu.dma_semaphore, #tpu.memory_space<semaphore_mem>>) src(%dma_wait3A_30 : memref<10000x64xf32, #tpu.memory_space<hbm>>) dst(%arg9 : memref<80x64xf32, #tpu.memory_space<vmem>>)
      %mul3A_31 = arith.constant 80 : i32
      %mul3A_32 = arith.muli %scan3A_8, %mul3A_31 : i32
      %add3A_33 = arith.addi %mul3A_2, %mul3A_32 : i32
      "tpu.region"() ({
        %run_scoped3A = tpu.sem_alloc : memref<!tpu.dma_semaphore, #tpu.memory_space<semaphore_mem>>
        %dma_start3A_34 = arith.constant 0 : i32
        %dma_start3A_35 = tpu.memref_slice %arg6[%add3A_33, %dma_start3A_34] : memref<320000x64xf32, #tpu.memory_space<hbm>> -> memref<80x64xf32, #tpu.memory_space<hbm>>
        %dma_start3A_36 = arith.constant 0 : i32
        %dma_start3A_37 = tpu.memref_slice %arg6[%add3A_33, %dma_start3A_36] : memref<320000x64xf32, #tpu.memory_space<hbm>> -> memref<80x64xf32, #tpu.memory_space<hbm>>
        tpu.enqueue_dma source(%arg9 : memref<80x64xf32, #tpu.memory_space<vmem>>) target(%dma_start3A_37 : memref<80x64xf32, #tpu.memory_space<hbm>>) target_semaphore(%run_scoped3A : memref<!tpu.dma_semaphore, #tpu.memory_space<semaphore_mem>>)
        %dma_wait3A_38 = arith.constant 0 : i32
        %dma_wait3A_39 = tpu.memref_slice %arg6[%add3A_33, %dma_wait3A_38] : memref<320000x64xf32, #tpu.memory_space<hbm>> -> memref<80x64xf32, #tpu.memory_space<hbm>>
        %dma_wait3A_40 = arith.constant 0 : i32
        %dma_wait3A_41 = tpu.memref_slice %arg6[%add3A_33, %dma_wait3A_40] : memref<320000x64xf32, #tpu.memory_space<hbm>> -> memref<80x64xf32, #tpu.memory_space<hbm>>
        tpu.wait_dma2 semaphore(%run_scoped3A : memref<!tpu.dma_semaphore, #tpu.memory_space<semaphore_mem>>) src(%arg9 : memref<80x64xf32, #tpu.memory_space<vmem>>) dst(%dma_wait3A_41 : memref<80x64xf32, #tpu.memory_space<hbm>>)
        tpu.yield
      }) : () -> ()
    }
    %scan3A_7 = arith.constant 125 : i32
    return
  }
}

#map = affine_map<(d0, d1) -> (0, 0)>
#map1 = affine_map<(d0, d1) -> (0, 0, 0)>
module attributes {stable_mosaic.version = 14 : i64} {
  func.func @k(%arg0: i32, %arg1: i32, %arg2: memref<10000x64xf32, #tpu.memory_space<hbm>>, %arg3: memref<10000x64xf32, #tpu.memory_space<hbm>>, %arg4: memref<32x125x80xi32, #tpu.memory_space<hbm>>, %arg5: memref<32x125x80xi32, #tpu.memory_space<hbm>>, %arg6: memref<320000x64xf32, #tpu.memory_space<hbm>>, %arg7: memref<125x80xi32, #tpu.memory_space<vmem>>, %arg8: memref<125x80xi32, #tpu.memory_space<vmem>>, %arg9: memref<80x64xf32, #tpu.memory_space<vmem>>, %arg10: memref<!tpu.dma_semaphore, #tpu.memory_space<semaphore_mem>>, %arg11: memref<!tpu.dma_semaphore, #tpu.memory_space<semaphore_mem>>) attributes {dimension_semantics = [#tpu.dimension_semantics<core_parallel>, #tpu.dimension_semantics<subcore_parallel>], iteration_bounds = array<i64: 2, 16>, scalar_prefetch = 0 : i64, scratch_operands = 5 : i64, tpu.core_type = #tpu.core_type<sc_vector_subcore>, window_params = [{transform_indices = #map}, {transform_indices = #map}, {transform_indices = #map1}, {transform_indices = #map1}, {transform_indices = #map}]} {
    %mul3A = arith.constant 2 : i32
    %mul3A_0 = arith.muli %arg1, %mul3A : i32
    %add3A = arith.addi %mul3A_0, %arg0 : i32
    "tpu.region"() ({
      %run_scoped3A = tpu.sem_alloc : memref<!tpu.dma_semaphore, #tpu.memory_space<semaphore_mem>>
      %dma_start3A = arith.constant 0 : i32
      %dma_start3A_8 = arith.constant 0 : i32
      %dma_start3A_9 = tpu.memref_slice %arg4[%add3A, %dma_start3A, %dma_start3A_8] : memref<32x125x80xi32, #tpu.memory_space<hbm>> -> memref<1x125x80xi32, #tpu.memory_space<hbm>>
      %dma_start3A_10 = tpu.memref_squeeze %dma_start3A_9 : memref<1x125x80xi32, #tpu.memory_space<hbm>> -> memref<125x80xi32, #tpu.memory_space<hbm>>
      %dma_start3A_11 = arith.constant 0 : i32
      %dma_start3A_12 = arith.constant 0 : i32
      %dma_start3A_13 = tpu.memref_slice %arg4[%add3A, %dma_start3A_11, %dma_start3A_12] : memref<32x125x80xi32, #tpu.memory_space<hbm>> -> memref<1x125x80xi32, #tpu.memory_space<hbm>>
      %dma_start3A_14 = tpu.memref_squeeze %dma_start3A_13 : memref<1x125x80xi32, #tpu.memory_space<hbm>> -> memref<125x80xi32, #tpu.memory_space<hbm>>
      tpu.enqueue_dma source(%dma_start3A_14 : memref<125x80xi32, #tpu.memory_space<hbm>>) target(%arg7 : memref<125x80xi32, #tpu.memory_space<vmem>>) target_semaphore(%run_scoped3A : memref<!tpu.dma_semaphore, #tpu.memory_space<semaphore_mem>>)
      %dma_wait3A = arith.constant 0 : i32
      %dma_wait3A_15 = arith.constant 0 : i32
      %dma_wait3A_16 = tpu.memref_slice %arg4[%add3A, %dma_wait3A, %dma_wait3A_15] : memref<32x125x80xi32, #tpu.memory_space<hbm>> -> memref<1x125x80xi32, #tpu.memory_space<hbm>>
      %dma_wait3A_17 = tpu.memref_squeeze %dma_wait3A_16 : memref<1x125x80xi32, #tpu.memory_space<hbm>> -> memref<125x80xi32, #tpu.memory_space<hbm>>
      %dma_wait3A_18 = arith.constant 0 : i32
      %dma_wait3A_19 = arith.constant 0 : i32
      %dma_wait3A_20 = tpu.memref_slice %arg4[%add3A, %dma_wait3A_18, %dma_wait3A_19] : memref<32x125x80xi32, #tpu.memory_space<hbm>> -> memref<1x125x80xi32, #tpu.memory_space<hbm>>
      %dma_wait3A_21 = tpu.memref_squeeze %dma_wait3A_20 : memref<1x125x80xi32, #tpu.memory_space<hbm>> -> memref<125x80xi32, #tpu.memory_space<hbm>>
      tpu.wait_dma2 semaphore(%run_scoped3A : memref<!tpu.dma_semaphore, #tpu.memory_space<semaphore_mem>>) src(%dma_wait3A_21 : memref<125x80xi32, #tpu.memory_space<hbm>>) dst(%arg7 : memref<125x80xi32, #tpu.memory_space<vmem>>)
      tpu.yield
    }) : () -> ()
    "tpu.region"() ({
      %run_scoped3A = tpu.sem_alloc : memref<!tpu.dma_semaphore, #tpu.memory_space<semaphore_mem>>
      %dma_start3A = arith.constant 0 : i32
      %dma_start3A_8 = arith.constant 0 : i32
      %dma_start3A_9 = tpu.memref_slice %arg5[%add3A, %dma_start3A, %dma_start3A_8] : memref<32x125x80xi32, #tpu.memory_space<hbm>> -> memref<1x125x80xi32, #tpu.memory_space<hbm>>
      %dma_start3A_10 = tpu.memref_squeeze %dma_start3A_9 : memref<1x125x80xi32, #tpu.memory_space<hbm>> -> memref<125x80xi32, #tpu.memory_space<hbm>>
      %dma_start3A_11 = arith.constant 0 : i32
      %dma_start3A_12 = arith.constant 0 : i32
      %dma_start3A_13 = tpu.memref_slice %arg5[%add3A, %dma_start3A_11, %dma_start3A_12] : memref<32x125x80xi32, #tpu.memory_space<hbm>> -> memref<1x125x80xi32, #tpu.memory_space<hbm>>
      %dma_start3A_14 = tpu.memref_squeeze %dma_start3A_13 : memref<1x125x80xi32, #tpu.memory_space<hbm>> -> memref<125x80xi32, #tpu.memory_space<hbm>>
      tpu.enqueue_dma source(%dma_start3A_14 : memref<125x80xi32, #tpu.memory_space<hbm>>) target(%arg8 : memref<125x80xi32, #tpu.memory_space<vmem>>) target_semaphore(%run_scoped3A : memref<!tpu.dma_semaphore, #tpu.memory_space<semaphore_mem>>)
      %dma_wait3A = arith.constant 0 : i32
      %dma_wait3A_15 = arith.constant 0 : i32
      %dma_wait3A_16 = tpu.memref_slice %arg5[%add3A, %dma_wait3A, %dma_wait3A_15] : memref<32x125x80xi32, #tpu.memory_space<hbm>> -> memref<1x125x80xi32, #tpu.memory_space<hbm>>
      %dma_wait3A_17 = tpu.memref_squeeze %dma_wait3A_16 : memref<1x125x80xi32, #tpu.memory_space<hbm>> -> memref<125x80xi32, #tpu.memory_space<hbm>>
      %dma_wait3A_18 = arith.constant 0 : i32
      %dma_wait3A_19 = arith.constant 0 : i32
      %dma_wait3A_20 = tpu.memref_slice %arg5[%add3A, %dma_wait3A_18, %dma_wait3A_19] : memref<32x125x80xi32, #tpu.memory_space<hbm>> -> memref<1x125x80xi32, #tpu.memory_space<hbm>>
      %dma_wait3A_21 = tpu.memref_squeeze %dma_wait3A_20 : memref<1x125x80xi32, #tpu.memory_space<hbm>> -> memref<125x80xi32, #tpu.memory_space<hbm>>
      tpu.wait_dma2 semaphore(%run_scoped3A : memref<!tpu.dma_semaphore, #tpu.memory_space<semaphore_mem>>) src(%dma_wait3A_21 : memref<125x80xi32, #tpu.memory_space<hbm>>) dst(%arg8 : memref<125x80xi32, #tpu.memory_space<vmem>>)
      tpu.yield
    }) : () -> ()
    %mul3A_1 = arith.constant 10000 : i32
    %mul3A_2 = arith.muli %add3A, %mul3A_1 : i32
    %scan3A = arith.constant 0 : i32
    %scan3A_3 = arith.constant 0 : i32
    %scan3A_4 = arith.constant 125 : i32
    %scan3A_5 = arith.addi %scan3A_3, %scan3A_4 : i32
    %scan3A_6 = arith.constant 1 : i32
    scf.for %scan3A_8 = %scan3A_3 to %scan3A_5 step %scan3A_6  : i32 {
      %dma_start3A = arith.constant 0 : i32
      %dma_start3A_9 = tpu.memref_slice %arg7[%scan3A_8, %dma_start3A] : memref<125x80xi32, #tpu.memory_space<vmem>> -> memref<1x80xi32, #tpu.memory_space<vmem>>
      %dma_start3A_10 = tpu.memref_squeeze %dma_start3A_9 : memref<1x80xi32, #tpu.memory_space<vmem>> -> memref<80xi32, #tpu.memory_space<vmem>>
      %dma_start3A_11 = arith.constant 0 : i32
      %dma_start3A_12 = arith.constant 0 : i32
      %dma_start3A_13 = tpu.memref_slice %arg2[%dma_start3A_11, %dma_start3A_12] : memref<10000x64xf32, #tpu.memory_space<hbm>> -> memref<10000x64xf32, #tpu.memory_space<hbm>>
      tpu.enqueue_indirect_dma source(%dma_start3A_13 : memref<10000x64xf32, #tpu.memory_space<hbm>>) target(%arg9 : memref<80x64xf32, #tpu.memory_space<vmem>>) offsets(%dma_start3A_10 : memref<80xi32, #tpu.memory_space<vmem>>) semaphore(%arg10 : memref<!tpu.dma_semaphore, #tpu.memory_space<semaphore_mem>>)
      %dma_wait3A = arith.constant 0 : i32
      %dma_wait3A_14 = tpu.memref_slice %arg7[%scan3A_8, %dma_wait3A] : memref<125x80xi32, #tpu.memory_space<vmem>> -> memref<1x80xi32, #tpu.memory_space<vmem>>
      %dma_wait3A_15 = tpu.memref_squeeze %dma_wait3A_14 : memref<1x80xi32, #tpu.memory_space<vmem>> -> memref<80xi32, #tpu.memory_space<vmem>>
      %dma_wait3A_16 = arith.constant 0 : i32
      %dma_wait3A_17 = arith.constant 0 : i32
      %dma_wait3A_18 = tpu.memref_slice %arg2[%dma_wait3A_16, %dma_wait3A_17] : memref<10000x64xf32, #tpu.memory_space<hbm>> -> memref<10000x64xf32, #tpu.memory_space<hbm>>
      tpu.wait_indirect_dma semaphore(%arg10 : memref<!tpu.dma_semaphore, #tpu.memory_space<semaphore_mem>>) src(%dma_wait3A_18 : memref<10000x64xf32, #tpu.memory_space<hbm>>) dst(%arg9 : memref<80x64xf32, #tpu.memory_space<vmem>>)
      %dma_start3A_19 = arith.constant 0 : i32
      %dma_start3A_20 = tpu.memref_slice %arg8[%scan3A_8, %dma_start3A_19] : memref<125x80xi32, #tpu.memory_space<vmem>> -> memref<1x80xi32, #tpu.memory_space<vmem>>
      %dma_start3A_21 = tpu.memref_squeeze %dma_start3A_20 : memref<1x80xi32, #tpu.memory_space<vmem>> -> memref<80xi32, #tpu.memory_space<vmem>>
      %dma_start3A_22 = arith.constant 0 : i32
      %dma_start3A_23 = arith.constant 0 : i32
      %dma_start3A_24 = tpu.memref_slice %arg3[%dma_start3A_22, %dma_start3A_23] : memref<10000x64xf32, #tpu.memory_space<hbm>> -> memref<10000x64xf32, #tpu.memory_space<hbm>>
      tpu.enqueue_indirect_dma source(%dma_start3A_24 : memref<10000x64xf32, #tpu.memory_space<hbm>>) target(%arg9 : memref<80x64xf32, #tpu.memory_space<vmem>>) offsets(%dma_start3A_21 : memref<80xi32, #tpu.memory_space<vmem>>) semaphore(%arg11 : memref<!tpu.dma_semaphore, #tpu.memory_space<semaphore_mem>>) {add = true}
      %dma_wait3A_25 = arith.constant 0 : i32
      %dma_wait3A_26 = tpu.memref_slice %arg8[%scan3A_8, %dma_wait3A_25] : memref<125x80xi32, #tpu.memory_space<vmem>> -> memref<1x80xi32, #tpu.memory_space<vmem>>
      %dma_wait3A_27 = tpu.memref_squeeze %dma_wait3A_26 : memref<1x80xi32, #tpu.memory_space<vmem>> -> memref<80xi32, #tpu.memory_space<vmem>>
      %dma_wait3A_28 = arith.constant 0 : i32
      %dma_wait3A_29 = arith.constant 0 : i32
      %dma_wait3A_30 = tpu.memref_slice %arg3[%dma_wait3A_28, %dma_wait3A_29] : memref<10000x64xf32, #tpu.memory_space<hbm>> -> memref<10000x64xf32, #tpu.memory_space<hbm>>
      tpu.wait_indirect_dma semaphore(%arg11 : memref<!tpu.dma_semaphore, #tpu.memory_space<semaphore_mem>>) src(%dma_wait3A_30 : memref<10000x64xf32, #tpu.memory_space<hbm>>) dst(%arg9 : memref<80x64xf32, #tpu.memory_space<vmem>>)
      %mul3A_31 = arith.constant 80 : i32
      %mul3A_32 = arith.muli %scan3A_8, %mul3A_31 : i32
      %add3A_33 = arith.addi %mul3A_2, %mul3A_32 : i32
      "tpu.region"() ({
        %run_scoped3A = tpu.sem_alloc : memref<!tpu.dma_semaphore, #tpu.memory_space<semaphore_mem>>
        %dma_start3A_34 = arith.constant 0 : i32
        %dma_start3A_35 = tpu.memref_slice %arg6[%add3A_33, %dma_start3A_34] : memref<320000x64xf32, #tpu.memory_space<hbm>> -> memref<80x64xf32, #tpu.memory_space<hbm>>
        %dma_start3A_36 = arith.constant 0 : i32
        %dma_start3A_37 = tpu.memref_slice %arg6[%add3A_33, %dma_start3A_36] : memref<320000x64xf32, #tpu.memory_space<hbm>> -> memref<80x64xf32, #tpu.memory_space<hbm>>
        tpu.enqueue_dma source(%arg9 : memref<80x64xf32, #tpu.memory_space<vmem>>) target(%dma_start3A_37 : memref<80x64xf32, #tpu.memory_space<hbm>>) target_semaphore(%run_scoped3A : memref<!tpu.dma_semaphore, #tpu.memory_space<semaphore_mem>>)
        %dma_wait3A_38 = arith.constant 0 : i32
        %dma_wait3A_39 = tpu.memref_slice %arg6[%add3A_33, %dma_wait3A_38] : memref<320000x64xf32, #tpu.memory_space<hbm>> -> memref<80x64xf32, #tpu.memory_space<hbm>>
        %dma_wait3A_40 = arith.constant 0 : i32
        %dma_wait3A_41 = tpu.memref_slice %arg6[%add3A_33, %dma_wait3A_40] : memref<320000x64xf32, #tpu.memory_space<hbm>> -> memref<80x64xf32, #tpu.memory_space<hbm>>
        tpu.wait_dma2 semaphore(%run_scoped3A : memref<!tpu.dma_semaphore, #tpu.memory_space<semaphore_mem>>) src(%arg9 : memref<80x64xf32, #tpu.memory_space<vmem>>) dst(%dma_wait3A_41 : memref<80x64xf32, #tpu.memory_space<hbm>>)
        tpu.yield
      }) : () -> ()
    }
    %scan3A_7 = arith.constant 125 : i32
    return
  }
}

#map = affine_map<(d0, d1) -> (0, 0)>
#map1 = affine_map<(d0, d1) -> (0, 0, 0)>
module attributes {stable_mosaic.version = 14 : i64} {
  func.func @k(%arg0: i32, %arg1: i32, %arg2: memref<320000x16xf32, #tpu.memory_space<hbm>>, %arg3: memref<32x125x80xi32, #tpu.memory_space<hbm>>, %arg4: memref<2x10000x16xf32, #tpu.memory_space<hbm>>, %arg5: memref<125x80xi32, #tpu.memory_space<vmem>>, %arg6: memref<80x16xf32, #tpu.memory_space<vmem>>, %arg7: memref<80x16xf32, #tpu.memory_space<vmem>>, %arg8: memref<10000x16xf32, #tpu.memory_space<vmem_shared>>) attributes {dimension_semantics = [#tpu.dimension_semantics<core_parallel>, #tpu.dimension_semantics<subcore_parallel>], iteration_bounds = array<i64: 2, 16>, scalar_prefetch = 0 : i64, scratch_operands = 4 : i64, tpu.core_type = #tpu.core_type<sc_vector_subcore>, window_params = [{transform_indices = #map}, {transform_indices = #map1}, {transform_indices = #map1}]} {
    %mul3A = arith.constant 2 : i32
    %mul3A_0 = arith.muli %arg1, %mul3A : i32
    %add3A = arith.addi %mul3A_0, %arg0 : i32
    %scan3A = arith.constant 0 : i32
    %scan3A_1 = arith.constant 0 : i32
    %scan3A_2 = arith.constant 80 : i32
    %scan3A_3 = arith.addi %scan3A_1, %scan3A_2 : i32
    %scan3A_4 = arith.constant 1 : i32
    scf.for %scan3A_25 = %scan3A_1 to %scan3A_3 step %scan3A_4  : i32 {
      %broadcast_in_dim3A = arith.constant 0.000000e+00 : f32
      %broadcast_in_dim3A_26 = vector.broadcast %broadcast_in_dim3A : f32 to vector<16xf32>
      %swap3A = arith.index_cast %scan3A_25 : i32 to index
      %swap3A_27 = arith.constant 0 : index
      %swap3A_28 = tpu.vector_load %arg7[%swap3A, %swap3A_27] {strides = array<i32>} : memref<80x16xf32, #tpu.memory_space<vmem>>, vector<1x16xf32>,
      %swap3A_29 = vector.shape_cast %swap3A_28 : vector<1x16xf32> to vector<16xf32>
      %swap3A_30 = vector.shape_cast %broadcast_in_dim3A_26 : vector<16xf32> to vector<1x16xf32>
      tpu.vector_store %arg7[%swap3A, %swap3A_27], %swap3A_30 {strides = array<i32>} : memref<80x16xf32, #tpu.memory_space<vmem>>, vector<1x16xf32>,
    }
    %scan3A_5 = arith.constant 80 : i32
    %scan3A_6 = arith.constant 0 : i32
    %scan3A_7 = arith.constant 0 : i32
    %scan3A_8 = arith.constant 8 : i32
    %scan3A_9 = arith.addi %scan3A_7, %scan3A_8 : i32
    %scan3A_10 = arith.constant 1 : i32
    scf.for %scan3A_25 = %scan3A_7 to %scan3A_9 step %scan3A_10  : i32 {
      %mul3A_26 = arith.constant 16 : i32
      %mul3A_27 = arith.muli %scan3A_25, %mul3A_26 : i32
      %add3A_28 = arith.addi %arg1, %mul3A_27 : i32
      %lt3A = arith.constant 125 : i32
      %lt3A_29 = arith.cmpi slt, %add3A_28, %lt3A : i32
      %convert_element_type3A = arith.extui %lt3A_29 : i1 to i32
      %cond3A = arith.constant 0 : i32
      %cond3A_30 = arith.cmpi ne, %convert_element_type3A, %cond3A : i32
      scf.if %cond3A_30 {
        %mul3A_31 = arith.constant 80 : i32
        %mul3A_32 = arith.muli %add3A_28, %mul3A_31 : i32
        "tpu.region"() ({
          %run_scoped3A = tpu.sem_alloc : memref<!tpu.dma_semaphore, #tpu.memory_space<semaphore_mem>>
          %dma_start3A = arith.constant 0 : i32
          %dma_start3A_33 = tpu.memref_slice %arg8[%mul3A_32, %dma_start3A] : memref<10000x16xf32, #tpu.memory_space<vmem_shared>> -> memref<80x16xf32, #tpu.memory_space<vmem_shared>>
          %dma_start3A_34 = arith.constant 0 : i32
          %dma_start3A_35 = tpu.memref_slice %arg8[%mul3A_32, %dma_start3A_34] : memref<10000x16xf32, #tpu.memory_space<vmem_shared>> -> memref<80x16xf32, #tpu.memory_space<vmem_shared>>
          tpu.enqueue_dma source(%arg7 : memref<80x16xf32, #tpu.memory_space<vmem>>) target(%dma_start3A_35 : memref<80x16xf32, #tpu.memory_space<vmem_shared>>) target_semaphore(%run_scoped3A : memref<!tpu.dma_semaphore, #tpu.memory_space<semaphore_mem>>)
          %dma_wait3A = arith.constant 0 : i32
          %dma_wait3A_36 = tpu.memref_slice %arg8[%mul3A_32, %dma_wait3A] : memref<10000x16xf32, #tpu.memory_space<vmem_shared>> -> memref<80x16xf32, #tpu.memory_space<vmem_shared>>
          %dma_wait3A_37 = arith.constant 0 : i32
          %dma_wait3A_38 = tpu.memref_slice %arg8[%mul3A_32, %dma_wait3A_37] : memref<10000x16xf32, #tpu.memory_space<vmem_shared>> -> memref<80x16xf32, #tpu.memory_space<vmem_shared>>
          tpu.wait_dma2 semaphore(%run_scoped3A : memref<!tpu.dma_semaphore, #tpu.memory_space<semaphore_mem>>) src(%arg7 : memref<80x16xf32, #tpu.memory_space<vmem>>) dst(%dma_wait3A_38 : memref<80x16xf32, #tpu.memory_space<vmem_shared>>)
          tpu.yield
        }) : () -> ()
      } else {
      }
    }
    %scan3A_11 = arith.constant 8 : i32
    %barrier3A = arith.constant 0 : index
    tpu.barrier barrier_id(%barrier3A)
    "tpu.region"() ({
      %run_scoped3A = tpu.sem_alloc : memref<!tpu.dma_semaphore, #tpu.memory_space<semaphore_mem>>
      %dma_start3A = arith.constant 0 : i32
      %dma_start3A_25 = arith.constant 0 : i32
      %dma_start3A_26 = tpu.memref_slice %arg3[%add3A, %dma_start3A, %dma_start3A_25] : memref<32x125x80xi32, #tpu.memory_space<hbm>> -> memref<1x125x80xi32, #tpu.memory_space<hbm>>
      %dma_start3A_27 = tpu.memref_squeeze %dma_start3A_26 : memref<1x125x80xi32, #tpu.memory_space<hbm>> -> memref<125x80xi32, #tpu.memory_space<hbm>>
      %dma_start3A_28 = arith.constant 0 : i32
      %dma_start3A_29 = arith.constant 0 : i32
      %dma_start3A_30 = tpu.memref_slice %arg3[%add3A, %dma_start3A_28, %dma_start3A_29] : memref<32x125x80xi32, #tpu.memory_space<hbm>> -> memref<1x125x80xi32, #tpu.memory_space<hbm>>
      %dma_start3A_31 = tpu.memref_squeeze %dma_start3A_30 : memref<1x125x80xi32, #tpu.memory_space<hbm>> -> memref<125x80xi32, #tpu.memory_space<hbm>>
      tpu.enqueue_dma source(%dma_start3A_31 : memref<125x80xi32, #tpu.memory_space<hbm>>) target(%arg5 : memref<125x80xi32, #tpu.memory_space<vmem>>) target_semaphore(%run_scoped3A : memref<!tpu.dma_semaphore, #tpu.memory_space<semaphore_mem>>)
      %dma_wait3A = arith.constant 0 : i32
      %dma_wait3A_32 = arith.constant 0 : i32
      %dma_wait3A_33 = tpu.memref_slice %arg3[%add3A, %dma_wait3A, %dma_wait3A_32] : memref<32x125x80xi32, #tpu.memory_space<hbm>> -> memref<1x125x80xi32, #tpu.memory_space<hbm>>
      %dma_wait3A_34 = tpu.memref_squeeze %dma_wait3A_33 : memref<1x125x80xi32, #tpu.memory_space<hbm>> -> memref<125x80xi32, #tpu.memory_space<hbm>>
      %dma_wait3A_35 = arith.constant 0 : i32
      %dma_wait3A_36 = arith.constant 0 : i32
      %dma_wait3A_37 = tpu.memref_slice %arg3[%add3A, %dma_wait3A_35, %dma_wait3A_36] : memref<32x125x80xi32, #tpu.memory_space<hbm>> -> memref<1x125x80xi32, #tpu.memory_space<hbm>>
      %dma_wait3A_38 = tpu.memref_squeeze %dma_wait3A_37 : memref<1x125x80xi32, #tpu.memory_space<hbm>> -> memref<125x80xi32, #tpu.memory_space<hbm>>
      tpu.wait_dma2 semaphore(%run_scoped3A : memref<!tpu.dma_semaphore, #tpu.memory_space<semaphore_mem>>) src(%dma_wait3A_38 : memref<125x80xi32, #tpu.memory_space<hbm>>) dst(%arg5 : memref<125x80xi32, #tpu.memory_space<vmem>>)
      tpu.yield
    }) : () -> ()
    %scan3A_12 = arith.constant 0 : i32
    %scan3A_13 = arith.constant 0 : i32
    %scan3A_14 = arith.constant 125 : i32
    %scan3A_15 = arith.addi %scan3A_13, %scan3A_14 : i32
    %scan3A_16 = arith.constant 1 : i32
    scf.for %scan3A_25 = %scan3A_13 to %scan3A_15 step %scan3A_16  : i32 {
      %mul3A_26 = arith.constant 10000 : i32
      %mul3A_27 = arith.muli %add3A, %mul3A_26 : i32
      %mul3A_28 = arith.constant 80 : i32
      %mul3A_29 = arith.muli %scan3A_25, %mul3A_28 : i32
      %add3A_30 = arith.addi %mul3A_27, %mul3A_29 : i32
      "tpu.region"() ({
        %run_scoped3A = tpu.sem_alloc : memref<!tpu.dma_semaphore, #tpu.memory_space<semaphore_mem>>
        %dma_start3A = arith.constant 0 : i32
        %dma_start3A_31 = tpu.memref_slice %arg2[%add3A_30, %dma_start3A] : memref<320000x16xf32, #tpu.memory_space<hbm>> -> memref<80x16xf32, #tpu.memory_space<hbm>>
        %dma_start3A_32 = arith.constant 0 : i32
        %dma_start3A_33 = tpu.memref_slice %arg2[%add3A_30, %dma_start3A_32] : memref<320000x16xf32, #tpu.memory_space<hbm>> -> memref<80x16xf32, #tpu.memory_space<hbm>>
        tpu.enqueue_dma source(%dma_start3A_33 : memref<80x16xf32, #tpu.memory_space<hbm>>) target(%arg6 : memref<80x16xf32, #tpu.memory_space<vmem>>) target_semaphore(%run_scoped3A : memref<!tpu.dma_semaphore, #tpu.memory_space<semaphore_mem>>)
        %dma_wait3A = arith.constant 0 : i32
        %dma_wait3A_34 = tpu.memref_slice %arg2[%add3A_30, %dma_wait3A] : memref<320000x16xf32, #tpu.memory_space<hbm>> -> memref<80x16xf32, #tpu.memory_space<hbm>>
        %dma_wait3A_35 = arith.constant 0 : i32
        %dma_wait3A_36 = tpu.memref_slice %arg2[%add3A_30, %dma_wait3A_35] : memref<320000x16xf32, #tpu.memory_space<hbm>> -> memref<80x16xf32, #tpu.memory_space<hbm>>
        tpu.wait_dma2 semaphore(%run_scoped3A : memref<!tpu.dma_semaphore, #tpu.memory_space<semaphore_mem>>) src(%dma_wait3A_36 : memref<80x16xf32, #tpu.memory_space<hbm>>) dst(%arg6 : memref<80x16xf32, #tpu.memory_space<vmem>>)
        tpu.yield
      }) : () -> ()
      "tpu.region"() ({
        %run_scoped3A = tpu.sem_alloc : memref<!tpu.dma_semaphore, #tpu.memory_space<semaphore_mem>>
        %dma_start3A = arith.constant 0 : i32
        %dma_start3A_31 = tpu.memref_slice %arg5[%scan3A_25, %dma_start3A] : memref<125x80xi32, #tpu.memory_space<vmem>> -> memref<1x80xi32, #tpu.memory_space<vmem>>
        %dma_start3A_32 = tpu.memref_squeeze %dma_start3A_31 : memref<1x80xi32, #tpu.memory_space<vmem>> -> memref<80xi32, #tpu.memory_space<vmem>>
        %dma_start3A_33 = arith.constant 0 : i32
        %dma_start3A_34 = arith.constant 0 : i32
        %dma_start3A_35 = tpu.memref_slice %arg8[%dma_start3A_33, %dma_start3A_34] : memref<10000x16xf32, #tpu.memory_space<vmem_shared>> -> memref<10000x16xf32, #tpu.memory_space<vmem_shared>>
        tpu.enqueue_indirect_dma source(%arg6 : memref<80x16xf32, #tpu.memory_space<vmem>>) target(%dma_start3A_35 : memref<10000x16xf32, #tpu.memory_space<vmem_shared>>) offsets(%dma_start3A_32 : memref<80xi32, #tpu.memory_space<vmem>>) semaphore(%run_scoped3A : memref<!tpu.dma_semaphore, #tpu.memory_space<semaphore_mem>>) {add = true}
        %dma_wait3A = arith.constant 0 : i32
        %dma_wait3A_36 = tpu.memref_slice %arg5[%scan3A_25, %dma_wait3A] : memref<125x80xi32, #tpu.memory_space<vmem>> -> memref<1x80xi32, #tpu.memory_space<vmem>>
        %dma_wait3A_37 = tpu.memref_squeeze %dma_wait3A_36 : memref<1x80xi32, #tpu.memory_space<vmem>> -> memref<80xi32, #tpu.memory_space<vmem>>
        %dma_wait3A_38 = arith.constant 0 : i32
        %dma_wait3A_39 = arith.constant 0 : i32
        %dma_wait3A_40 = tpu.memref_slice %arg8[%dma_wait3A_38, %dma_wait3A_39] : memref<10000x16xf32, #tpu.memory_space<vmem_shared>> -> memref<10000x16xf32, #tpu.memory_space<vmem_shared>>
        tpu.wait_indirect_dma semaphore(%run_scoped3A : memref<!tpu.dma_semaphore, #tpu.memory_space<semaphore_mem>>) src(%arg6 : memref<80x16xf32, #tpu.memory_space<vmem>>) dst(%dma_wait3A_40 : memref<10000x16xf32, #tpu.memory_space<vmem_shared>>)
        tpu.yield
      }) : () -> ()
    }
    %scan3A_17 = arith.constant 125 : i32
    %barrier3A_18 = arith.constant 0 : index
    tpu.barrier barrier_id(%barrier3A_18)
    %scan3A_19 = arith.constant 0 : i32
    %scan3A_20 = arith.constant 0 : i32
    %scan3A_21 = arith.constant 8 : i32
    %scan3A_22 = arith.addi %scan3A_20, %scan3A_21 : i32
    %scan3A_23 = arith.constant 1 : i32
    scf.for %scan3A_25 = %scan3A_20 to %scan3A_22 step %scan3A_23  : i32 {
      %mul3A_26 = arith.constant 16 : i32
      %mul3A_27 = arith.muli %scan3A_25, %mul3A_26 : i32
      %add3A_28 = arith.addi %arg1, %mul3A_27 : i32
      %lt3A = arith.constant 125 : i32
      %lt3A_29 = arith.cmpi slt, %add3A_28, %lt3A : i32
      %convert_element_type3A = arith.extui %lt3A_29 : i1 to i32
      %cond3A = arith.constant 0 : i32
      %cond3A_30 = arith.cmpi ne, %convert_element_type3A, %cond3A : i32
      scf.if %cond3A_30 {
        %mul3A_31 = arith.constant 80 : i32
        %mul3A_32 = arith.muli %add3A_28, %mul3A_31 : i32
        "tpu.region"() ({
          %run_scoped3A = tpu.sem_alloc : memref<!tpu.dma_semaphore, #tpu.memory_space<semaphore_mem>>
          %dma_start3A = arith.constant 0 : i32
          %dma_start3A_35 = tpu.memref_slice %arg8[%mul3A_32, %dma_start3A] : memref<10000x16xf32, #tpu.memory_space<vmem_shared>> -> memref<80x16xf32, #tpu.memory_space<vmem_shared>>
          %dma_start3A_36 = arith.constant 0 : i32
          %dma_start3A_37 = tpu.memref_slice %arg8[%mul3A_32, %dma_start3A_36] : memref<10000x16xf32, #tpu.memory_space<vmem_shared>> -> memref<80x16xf32, #tpu.memory_space<vmem_shared>>
          tpu.enqueue_dma source(%dma_start3A_37 : memref<80x16xf32, #tpu.memory_space<vmem_shared>>) target(%arg7 : memref<80x16xf32, #tpu.memory_space<vmem>>) target_semaphore(%run_scoped3A : memref<!tpu.dma_semaphore, #tpu.memory_space<semaphore_mem>>)
          %dma_wait3A = arith.constant 0 : i32
          %dma_wait3A_38 = tpu.memref_slice %arg8[%mul3A_32, %dma_wait3A] : memref<10000x16xf32, #tpu.memory_space<vmem_shared>> -> memref<80x16xf32, #tpu.memory_space<vmem_shared>>
          %dma_wait3A_39 = arith.constant 0 : i32
          %dma_wait3A_40 = tpu.memref_slice %arg8[%mul3A_32, %dma_wait3A_39] : memref<10000x16xf32, #tpu.memory_space<vmem_shared>> -> memref<80x16xf32, #tpu.memory_space<vmem_shared>>
          tpu.wait_dma2 semaphore(%run_scoped3A : memref<!tpu.dma_semaphore, #tpu.memory_space<semaphore_mem>>) src(%dma_wait3A_40 : memref<80x16xf32, #tpu.memory_space<vmem_shared>>) dst(%arg7 : memref<80x16xf32, #tpu.memory_space<vmem>>)
          tpu.yield
        }) : () -> ()
        %mul3A_33 = arith.constant 80 : i32
        %mul3A_34 = arith.muli %add3A_28, %mul3A_33 : i32
        "tpu.region"() ({
          %run_scoped3A = tpu.sem_alloc : memref<!tpu.dma_semaphore, #tpu.memory_space<semaphore_mem>>
          %dma_start3A = arith.constant 0 : i32
          %dma_start3A_35 = tpu.memref_slice %arg4[%arg0, %mul3A_34, %dma_start3A] : memref<2x10000x16xf32, #tpu.memory_space<hbm>> -> memref<1x80x16xf32, #tpu.memory_space<hbm>>
          %dma_start3A_36 = tpu.memref_squeeze %dma_start3A_35 : memref<1x80x16xf32, #tpu.memory_space<hbm>> -> memref<80x16xf32, #tpu.memory_space<hbm>>
          %dma_start3A_37 = arith.constant 0 : i32
          %dma_start3A_38 = tpu.memref_slice %arg4[%arg0, %mul3A_34, %dma_start3A_37] : memref<2x10000x16xf32, #tpu.memory_space<hbm>> -> memref<1x80x16xf32, #tpu.memory_space<hbm>>
          %dma_start3A_39 = tpu.memref_squeeze %dma_start3A_38 : memref<1x80x16xf32, #tpu.memory_space<hbm>> -> memref<80x16xf32, #tpu.memory_space<hbm>>
          tpu.enqueue_dma source(%arg7 : memref<80x16xf32, #tpu.memory_space<vmem>>) target(%dma_start3A_39 : memref<80x16xf32, #tpu.memory_space<hbm>>) target_semaphore(%run_scoped3A : memref<!tpu.dma_semaphore, #tpu.memory_space<semaphore_mem>>)
          %dma_wait3A = arith.constant 0 : i32
          %dma_wait3A_40 = tpu.memref_slice %arg4[%arg0, %mul3A_34, %dma_wait3A] : memref<2x10000x16xf32, #tpu.memory_space<hbm>> -> memref<1x80x16xf32, #tpu.memory_space<hbm>>
          %dma_wait3A_41 = tpu.memref_squeeze %dma_wait3A_40 : memref<1x80x16xf32, #tpu.memory_space<hbm>> -> memref<80x16xf32, #tpu.memory_space<hbm>>
          %dma_wait3A_42 = arith.constant 0 : i32
          %dma_wait3A_43 = tpu.memref_slice %arg4[%arg0, %mul3A_34, %dma_wait3A_42] : memref<2x10000x16xf32, #tpu.memory_space<hbm>> -> memref<1x80x16xf32, #tpu.memory_space<hbm>>
          %dma_wait3A_44 = tpu.memref_squeeze %dma_wait3A_43 : memref<1x80x16xf32, #tpu.memory_space<hbm>> -> memref<80x16xf32, #tpu.memory_space<hbm>>
          tpu.wait_dma2 semaphore(%run_scoped3A : memref<!tpu.dma_semaphore, #tpu.memory_space<semaphore_mem>>) src(%arg7 : memref<80x16xf32, #tpu.memory_space<vmem>>) dst(%dma_wait3A_44 : memref<80x16xf32, #tpu.memory_space<hbm>>)
          tpu.yield
        }) : () -> ()
      } else {
      }
    }
    %scan3A_24 = arith.constant 8 : i32
    return
  }
}

module attributes {stable_mosaic.version = 14 : i64} {
  func.func @body(%arg0: memref<10000x128xf32, #tpu.memory_space<vmem>>, %arg1: memref<128x64xf32, #tpu.memory_space<vmem>>, %arg2: memref<128x64xf32, #tpu.memory_space<vmem>>, %arg3: memref<10000x64xf32, #tpu.memory_space<vmem>>, %arg4: memref<10000x64xf32, #tpu.memory_space<vmem>>) attributes {dimension_semantics = [], scalar_prefetch = 0 : i64, scratch_operands = 0 : i64, tpu.core_type = #tpu.core_type<tc>} {
    %get3A = arith.constant 0 : index
    %get3A_0 = arith.constant 0 : index
    %get3A_1 = vector.load %arg0[%get3A, %get3A_0] : memref<10000x128xf32, #tpu.memory_space<vmem>>, vector<10000x128xf32>
    %get3A_2 = arith.constant 0 : index
    %get3A_3 = arith.constant 0 : index
    %get3A_4 = vector.load %arg1[%get3A_2, %get3A_3] : memref<128x64xf32, #tpu.memory_space<vmem>>, vector<128x64xf32>
    %dot_general3A = arith.constant dense<0.000000e+00> : vector<10000x64xf32>
    %dot_general3A_5 = tpu.matmul %get3A_1, %get3A_4, %dot_general3A {dimension_numbers = #tpu.dot_dimension_numbers<[1], [0], [0], [1], [0, 0, 1, 1], [], []>, transpose_lhs_hint = false} : vector<10000x128xf32>, vector<128x64xf32>, vector<10000x64xf32> -> vector<10000x64xf32>
    %swap3A = arith.constant 0 : index
    %swap3A_6 = arith.constant 0 : index
    %swap3A_7 = vector.load %arg3[%swap3A, %swap3A_6] : memref<10000x64xf32, #tpu.memory_space<vmem>>, vector<10000x64xf32>
    tpu.vector_store %arg3[%swap3A, %swap3A_6], %dot_general3A_5 {strides = array<i32>} : memref<10000x64xf32, #tpu.memory_space<vmem>>, vector<10000x64xf32>,
    %get3A_8 = arith.constant 0 : index
    %get3A_9 = arith.constant 0 : index
    %get3A_10 = vector.load %arg2[%get3A_8, %get3A_9] : memref<128x64xf32, #tpu.memory_space<vmem>>, vector<128x64xf32>
    %dot_general3A_11 = arith.constant dense<0.000000e+00> : vector<10000x64xf32>
    %dot_general3A_12 = tpu.matmul %get3A_1, %get3A_10, %dot_general3A_11 {dimension_numbers = #tpu.dot_dimension_numbers<[1], [0], [0], [1], [0, 0, 1, 1], [], []>, transpose_lhs_hint = false} : vector<10000x128xf32>, vector<128x64xf32>, vector<10000x64xf32> -> vector<10000x64xf32>
    %swap3A_13 = arith.constant 0 : index
    %swap3A_14 = arith.constant 0 : index
    %swap3A_15 = vector.load %arg4[%swap3A_13, %swap3A_14] : memref<10000x64xf32, #tpu.memory_space<vmem>>, vector<10000x64xf32>
    tpu.vector_store %arg4[%swap3A_13, %swap3A_14], %dot_general3A_12 {strides = array<i32>} : memref<10000x64xf32, #tpu.memory_space<vmem>>, vector<10000x64xf32>,
    return
  }
}

module attributes {stable_mosaic.version = 14 : i64} {
  func.func @body(%arg0: i32, %arg1: memref<8000x64xf32, #tpu.memory_space<vmem>>, %arg2: memref<8000x16xf32, #tpu.memory_space<vmem>>, %arg3: memref<1x64xf32, #tpu.memory_space<vmem>>, %arg4: memref<64x64xf32, #tpu.memory_space<vmem>>, %arg5: memref<1x64xf32, #tpu.memory_space<vmem>>, %arg6: memref<16x64xf32, #tpu.memory_space<vmem>>, %arg7: memref<64x16xf32, #tpu.memory_space<vmem>>, %arg8: memref<1x16xf32, #tpu.memory_space<vmem>>, %arg9: memref<8000x16xf32, #tpu.memory_space<vmem>>) attributes {dimension_semantics = [#tpu.dimension_semantics<arbitrary>], iteration_bounds = array<i64: 40>, scalar_prefetch = 0 : i64, scratch_operands = 0 : i64, tpu.core_type = #tpu.core_type<tc>, window_params = [{transform_indices = @transform_0, window_bounds = array<i64: 8000, 64>}, {transform_indices = @transform_1, window_bounds = array<i64: 8000, 16>}, {pipeline_mode = #tpu.pipeline_mode<synchronous>, transform_indices = @transform_2, window_bounds = array<i64: 1, 64>}, {pipeline_mode = #tpu.pipeline_mode<synchronous>, transform_indices = @transform_3, window_bounds = array<i64: 64, 64>}, {pipeline_mode = #tpu.pipeline_mode<synchronous>, transform_indices = @transform_4, window_bounds = array<i64: 1, 64>}, {pipeline_mode = #tpu.pipeline_mode<synchronous>, transform_indices = @transform_5, window_bounds = array<i64: 16, 64>}, {pipeline_mode = #tpu.pipeline_mode<synchronous>, transform_indices = @transform_6, window_bounds = array<i64: 64, 16>}, {pipeline_mode = #tpu.pipeline_mode<synchronous>, transform_indices = @transform_7, window_bounds = array<i64: 1, 16>}, {transform_indices = @transform_8, window_bounds = array<i64: 8000, 16>}]} {
    %get3A = arith.constant 0 : index
    %get3A_0 = arith.constant 0 : index
    %get3A_1 = vector.load %arg3[%get3A, %get3A_0] : memref<1x64xf32, #tpu.memory_space<vmem>>, vector<1x64xf32>
    %get3A_2 = arith.constant 0 : index
    %get3A_3 = arith.constant 0 : index
    %get3A_4 = vector.load %arg4[%get3A_2, %get3A_3] : memref<64x64xf32, #tpu.memory_space<vmem>>, vector<64x64xf32>
    %dot_general3A = arith.constant dense<0.000000e+00> : vector<1x64xf32>
    %dot_general3A_5 = tpu.matmul %get3A_1, %get3A_4, %dot_general3A {dimension_numbers = #tpu.dot_dimension_numbers<[1], [0], [0], [1], [0, 0, 1, 1], [], []>, transpose_lhs_hint = false} : vector<1x64xf32>, vector<64x64xf32>, vector<1x64xf32> -> vector<1x64xf32>
    %get3A_6 = arith.constant 0 : index
    %get3A_7 = arith.constant 0 : index
    %get3A_8 = vector.load %arg5[%get3A_6, %get3A_7] : memref<1x64xf32, #tpu.memory_space<vmem>>, vector<1x64xf32>
    %add3A = arith.addf %dot_general3A_5, %get3A_8 : vector<1x64xf32>
    %get3A_9 = arith.constant 0 : index
    %get3A_10 = arith.constant 0 : index
    %get3A_11 = vector.load %arg1[%get3A_9, %get3A_10] : memref<8000x64xf32, #tpu.memory_space<vmem>>, vector<8000x64xf32>
    %get3A_12 = arith.constant 0 : index
    %get3A_13 = arith.constant 0 : index
    %get3A_14 = vector.load %arg2[%get3A_12, %get3A_13] : memref<8000x16xf32, #tpu.memory_space<vmem>>, vector<8000x16xf32>
    %get3A_15 = arith.constant 0 : index
    %get3A_16 = arith.constant 0 : index
    %get3A_17 = vector.load %arg6[%get3A_15, %get3A_16] : memref<16x64xf32, #tpu.memory_space<vmem>>, vector<16x64xf32>
    %dot_general3A_18 = arith.constant dense<0.000000e+00> : vector<8000x64xf32>
    %dot_general3A_19 = tpu.matmul %get3A_14, %get3A_17, %dot_general3A_18 {dimension_numbers = #tpu.dot_dimension_numbers<[1], [0], [0], [1], [0, 0, 1, 1], [], []>, transpose_lhs_hint = false} : vector<8000x16xf32>, vector<16x64xf32>, vector<8000x64xf32> -> vector<8000x64xf32>
    %add3A_20 = arith.addf %get3A_11, %dot_general3A_19 : vector<8000x64xf32>
    %add3A_21 = vector.broadcast %add3A : vector<1x64xf32> to vector<8000x64xf32>
    %add3A_22 = arith.addf %add3A_20, %add3A_21 : vector<8000x64xf32>
    %max3A = arith.constant 0.000000e+00 : f32
    %max3A_23 = vector.broadcast %max3A : f32 to vector<8000x64xf32>
    %max3A_24 = arith.maximumf %add3A_22, %max3A_23 : vector<8000x64xf32>
    %get3A_25 = arith.constant 0 : index
    %get3A_26 = arith.constant 0 : index
    %get3A_27 = vector.load %arg7[%get3A_25, %get3A_26] : memref<64x16xf32, #tpu.memory_space<vmem>>, vector<64x16xf32>
    %dot_general3A_28 = arith.constant dense<0.000000e+00> : vector<8000x16xf32>
    %dot_general3A_29 = tpu.matmul %max3A_24, %get3A_27, %dot_general3A_28 {dimension_numbers = #tpu.dot_dimension_numbers<[1], [0], [0], [1], [0, 0, 1, 1], [], []>, transpose_lhs_hint = false} : vector<8000x64xf32>, vector<64x16xf32>, vector<8000x16xf32> -> vector<8000x16xf32>
    %get3A_30 = arith.constant 0 : index
    %get3A_31 = arith.constant 0 : index
    %get3A_32 = vector.load %arg8[%get3A_30, %get3A_31] : memref<1x16xf32, #tpu.memory_space<vmem>>, vector<1x16xf32>
    %add3A_33 = vector.broadcast %get3A_32 : vector<1x16xf32> to vector<8000x16xf32>
    %add3A_34 = arith.addf %dot_general3A_29, %add3A_33 : vector<8000x16xf32>
    %swap3A = arith.constant 0 : index
    %swap3A_35 = arith.constant 0 : index
    %swap3A_36 = vector.load %arg9[%swap3A, %swap3A_35] : memref<8000x16xf32, #tpu.memory_space<vmem>>, vector<8000x16xf32>
    tpu.vector_store %arg9[%swap3A, %swap3A_35], %add3A_34 {strides = array<i32>} : memref<8000x16xf32, #tpu.memory_space<vmem>>, vector<8000x16xf32>,
    return
  }
  func.func @transform_0(%arg0: i32) -> (i32, i32) {
    %c0_i32 = arith.constant 0 : i32
    %c0_i32_0 = arith.constant 0 : i32
    return %arg0, %c0_i32 : i32, i32
  }
  func.func @transform_1(%arg0: i32) -> (i32, i32) {
    %c0_i32 = arith.constant 0 : i32
    %c0_i32_0 = arith.constant 0 : i32
    return %arg0, %c0_i32 : i32, i32
  }
  func.func @transform_2(%arg0: i32) -> (i32, i32) {
    %c0_i32 = arith.constant 0 : i32
    %c0_i32_0 = arith.constant 0 : i32
    %c0_i32_1 = arith.constant 0 : i32
    return %c0_i32, %c0_i32_0 : i32, i32
  }
  func.func @transform_3(%arg0: i32) -> (i32, i32) {
    %c0_i32 = arith.constant 0 : i32
    %c0_i32_0 = arith.constant 0 : i32
    %c0_i32_1 = arith.constant 0 : i32
    return %c0_i32, %c0_i32_0 : i32, i32
  }
  func.func @transform_4(%arg0: i32) -> (i32, i32) {
    %c0_i32 = arith.constant 0 : i32
    %c0_i32_0 = arith.constant 0 : i32
    %c0_i32_1 = arith.constant 0 : i32
    return %c0_i32, %c0_i32_0 : i32, i32
  }
  func.func @transform_5(%arg0: i32) -> (i32, i32) {
    %c0_i32 = arith.constant 0 : i32
    %c0_i32_0 = arith.constant 0 : i32
    %c0_i32_1 = arith.constant 0 : i32
    return %c0_i32, %c0_i32_0 : i32, i32
  }
  func.func @transform_6(%arg0: i32) -> (i32, i32) {
    %c0_i32 = arith.constant 0 : i32
    %c0_i32_0 = arith.constant 0 : i32
    %c0_i32_1 = arith.constant 0 : i32
    return %c0_i32, %c0_i32_0 : i32, i32
  }
  func.func @transform_7(%arg0: i32) -> (i32, i32) {
    %c0_i32 = arith.constant 0 : i32
    %c0_i32_0 = arith.constant 0 : i32
    %c0_i32_1 = arith.constant 0 : i32
    return %c0_i32, %c0_i32_0 : i32, i32
  }
  func.func @transform_8(%arg0: i32) -> (i32, i32) {
    %c0_i32 = arith.constant 0 : i32
    %c0_i32_0 = arith.constant 0 : i32
    return %arg0, %c0_i32 : i32, i32
  }
}

module attributes {stable_mosaic.version = 14 : i64} {
  func.func @body(%arg0: memref<10000x128xf32, #tpu.memory_space<vmem>>, %arg1: memref<2x10000x16xf32, #tpu.memory_space<vmem>>, %arg2: memref<1x64xf32, #tpu.memory_space<vmem>>, %arg3: memref<128x64xf32, #tpu.memory_space<vmem>>, %arg4: memref<16x64xf32, #tpu.memory_space<vmem>>, %arg5: memref<64x64xf32, #tpu.memory_space<vmem>>, %arg6: memref<1x64xf32, #tpu.memory_space<vmem>>, %arg7: memref<64x128xf32, #tpu.memory_space<vmem>>, %arg8: memref<1x128xf32, #tpu.memory_space<vmem>>, %arg9: memref<128x64xf32, #tpu.memory_space<vmem>>, %arg10: memref<16x64xf32, #tpu.memory_space<vmem>>, %arg11: memref<64x64xf32, #tpu.memory_space<vmem>>, %arg12: memref<1x64xf32, #tpu.memory_space<vmem>>, %arg13: memref<64x64xf32, #tpu.memory_space<vmem>>, %arg14: memref<1x64xf32, #tpu.memory_space<vmem>>, %arg15: memref<128x64xf32, #tpu.memory_space<vmem>>, %arg16: memref<128x64xf32, #tpu.memory_space<vmem>>, %arg17: memref<10000x128xf32, #tpu.memory_space<vmem>>, %arg18: memref<1x64xf32, #tpu.memory_space<vmem>>, %arg19: memref<10000x64xf32, #tpu.memory_space<vmem>>, %arg20: memref<10000x64xf32, #tpu.memory_space<vmem>>) attributes {dimension_semantics = [], scalar_prefetch = 0 : i64, scratch_operands = 0 : i64, tpu.core_type = #tpu.core_type<tc>} {
    %get3A = arith.constant 0 : index
    %get3A_0 = arith.constant 0 : index
    %get3A_1 = arith.constant 0 : index
    %get3A_2 = vector.load %arg1[%get3A, %get3A_0, %get3A_1] : memref<2x10000x16xf32, #tpu.memory_space<vmem>>, vector<1x10000x16xf32>
    %get3A_3 = vector.shape_cast %get3A_2 : vector<1x10000x16xf32> to vector<10000x16xf32>
    %get3A_4 = arith.constant 1 : index
    %get3A_5 = arith.constant 0 : index
    %get3A_6 = arith.constant 0 : index
    %get3A_7 = vector.load %arg1[%get3A_4, %get3A_5, %get3A_6] : memref<2x10000x16xf32, #tpu.memory_space<vmem>>, vector<1x10000x16xf32>
    %get3A_8 = vector.shape_cast %get3A_7 : vector<1x10000x16xf32> to vector<10000x16xf32>
    %add3A = arith.addf %get3A_3, %get3A_8 : vector<10000x16xf32>
    %get3A_9 = arith.constant 0 : index
    %get3A_10 = arith.constant 0 : index
    %get3A_11 = vector.load %arg2[%get3A_9, %get3A_10] : memref<1x64xf32, #tpu.memory_space<vmem>>, vector<1x64xf32>
    %get3A_12 = arith.constant 0 : index
    %get3A_13 = arith.constant 0 : index
    %get3A_14 = vector.load %arg5[%get3A_12, %get3A_13] : memref<64x64xf32, #tpu.memory_space<vmem>>, vector<64x64xf32>
    %dot_general3A = arith.constant dense<0.000000e+00> : vector<1x64xf32>
    %dot_general3A_15 = tpu.matmul %get3A_11, %get3A_14, %dot_general3A {dimension_numbers = #tpu.dot_dimension_numbers<[1], [0], [0], [1], [0, 0, 1, 1], [], []>, transpose_lhs_hint = false} : vector<1x64xf32>, vector<64x64xf32>, vector<1x64xf32> -> vector<1x64xf32>
    %get3A_16 = arith.constant 0 : index
    %get3A_17 = arith.constant 0 : index
    %get3A_18 = vector.load %arg6[%get3A_16, %get3A_17] : memref<1x64xf32, #tpu.memory_space<vmem>>, vector<1x64xf32>
    %add3A_19 = arith.addf %dot_general3A_15, %get3A_18 : vector<1x64xf32>
    %get3A_20 = arith.constant 0 : index
    %get3A_21 = arith.constant 0 : index
    %get3A_22 = vector.load %arg0[%get3A_20, %get3A_21] : memref<10000x128xf32, #tpu.memory_space<vmem>>, vector<10000x128xf32>
    %get3A_23 = arith.constant 0 : index
    %get3A_24 = arith.constant 0 : index
    %get3A_25 = vector.load %arg3[%get3A_23, %get3A_24] : memref<128x64xf32, #tpu.memory_space<vmem>>, vector<128x64xf32>
    %dot_general3A_26 = arith.constant dense<0.000000e+00> : vector<10000x64xf32>
    %dot_general3A_27 = tpu.matmul %get3A_22, %get3A_25, %dot_general3A_26 {dimension_numbers = #tpu.dot_dimension_numbers<[1], [0], [0], [1], [0, 0, 1, 1], [], []>, transpose_lhs_hint = false} : vector<10000x128xf32>, vector<128x64xf32>, vector<10000x64xf32> -> vector<10000x64xf32>
    %get3A_28 = arith.constant 0 : index
    %get3A_29 = arith.constant 0 : index
    %get3A_30 = vector.load %arg4[%get3A_28, %get3A_29] : memref<16x64xf32, #tpu.memory_space<vmem>>, vector<16x64xf32>
    %dot_general3A_31 = arith.constant dense<0.000000e+00> : vector<10000x64xf32>
    %dot_general3A_32 = tpu.matmul %add3A, %get3A_30, %dot_general3A_31 {dimension_numbers = #tpu.dot_dimension_numbers<[1], [0], [0], [1], [0, 0, 1, 1], [], []>, transpose_lhs_hint = false} : vector<10000x16xf32>, vector<16x64xf32>, vector<10000x64xf32> -> vector<10000x64xf32>
    %add3A_33 = arith.addf %dot_general3A_27, %dot_general3A_32 : vector<10000x64xf32>
    %add3A_34 = vector.broadcast %add3A_19 : vector<1x64xf32> to vector<10000x64xf32>
    %add3A_35 = arith.addf %add3A_33, %add3A_34 : vector<10000x64xf32>
    %max3A = arith.constant 0.000000e+00 : f32
    %max3A_36 = vector.broadcast %max3A : f32 to vector<10000x64xf32>
    %max3A_37 = arith.maximumf %add3A_35, %max3A_36 : vector<10000x64xf32>
    %get3A_38 = arith.constant 0 : index
    %get3A_39 = arith.constant 0 : index
    %get3A_40 = vector.load %arg7[%get3A_38, %get3A_39] : memref<64x128xf32, #tpu.memory_space<vmem>>, vector<64x128xf32>
    %dot_general3A_41 = arith.constant dense<0.000000e+00> : vector<10000x128xf32>
    %dot_general3A_42 = tpu.matmul %max3A_37, %get3A_40, %dot_general3A_41 {dimension_numbers = #tpu.dot_dimension_numbers<[1], [0], [0], [1], [0, 0, 1, 1], [], []>, transpose_lhs_hint = false} : vector<10000x64xf32>, vector<64x128xf32>, vector<10000x128xf32> -> vector<10000x128xf32>
    %get3A_43 = arith.constant 0 : index
    %get3A_44 = arith.constant 0 : index
    %get3A_45 = vector.load %arg8[%get3A_43, %get3A_44] : memref<1x128xf32, #tpu.memory_space<vmem>>, vector<1x128xf32>
    %add3A_46 = vector.broadcast %get3A_45 : vector<1x128xf32> to vector<10000x128xf32>
    %add3A_47 = arith.addf %dot_general3A_42, %add3A_46 : vector<10000x128xf32>
    %swap3A = arith.constant 0 : index
    %swap3A_48 = arith.constant 0 : index
    %swap3A_49 = vector.load %arg17[%swap3A, %swap3A_48] : memref<10000x128xf32, #tpu.memory_space<vmem>>, vector<10000x128xf32>
    tpu.vector_store %arg17[%swap3A, %swap3A_48], %add3A_47 {strides = array<i32>} : memref<10000x128xf32, #tpu.memory_space<vmem>>, vector<10000x128xf32>,
    %reduce_sum3A = arith.constant dense<0.000000e+00> : vector<128xf32>
    %reduce_sum3A_50 = vector.multi_reduction <add>, %add3A_47, %reduce_sum3A [0] : vector<10000x128xf32> to vector<128xf32>
    %broadcast_in_dim3A = vector.shape_cast %reduce_sum3A_50 : vector<128xf32> to vector<1x128xf32>
    %div3A = arith.constant 1.000000e+04 : f32
    %div3A_51 = vector.broadcast %div3A : f32 to vector<1x128xf32>
    %div3A_52 = arith.divf %broadcast_in_dim3A, %div3A_51 : vector<1x128xf32>
    %reduce_sum3A_53 = arith.constant dense<0.000000e+00> : vector<16xf32>
    %reduce_sum3A_54 = vector.multi_reduction <add>, %add3A, %reduce_sum3A_53 [0] : vector<10000x16xf32> to vector<16xf32>
    %broadcast_in_dim3A_55 = vector.shape_cast %reduce_sum3A_54 : vector<16xf32> to vector<1x16xf32>
    %mul3A = arith.constant 3.125000e-06 : f32
    %mul3A_56 = vector.broadcast %mul3A : f32 to vector<1x16xf32>
    %mul3A_57 = arith.mulf %broadcast_in_dim3A_55, %mul3A_56 : vector<1x16xf32>
    %get3A_58 = arith.constant 0 : index
    %get3A_59 = arith.constant 0 : index
    %get3A_60 = vector.load %arg9[%get3A_58, %get3A_59] : memref<128x64xf32, #tpu.memory_space<vmem>>, vector<128x64xf32>
    %dot_general3A_61 = arith.constant dense<0.000000e+00> : vector<1x64xf32>
    %dot_general3A_62 = tpu.matmul %div3A_52, %get3A_60, %dot_general3A_61 {dimension_numbers = #tpu.dot_dimension_numbers<[1], [0], [0], [1], [0, 0, 1, 1], [], []>, transpose_lhs_hint = false} : vector<1x128xf32>, vector<128x64xf32>, vector<1x64xf32> -> vector<1x64xf32>
    %get3A_63 = arith.constant 0 : index
    %get3A_64 = arith.constant 0 : index
    %get3A_65 = vector.load %arg10[%get3A_63, %get3A_64] : memref<16x64xf32, #tpu.memory_space<vmem>>, vector<16x64xf32>
    %dot_general3A_66 = arith.constant dense<0.000000e+00> : vector<1x64xf32>
    %dot_general3A_67 = tpu.matmul %mul3A_57, %get3A_65, %dot_general3A_66 {dimension_numbers = #tpu.dot_dimension_numbers<[1], [0], [0], [1], [0, 0, 1, 1], [], []>, transpose_lhs_hint = false} : vector<1x16xf32>, vector<16x64xf32>, vector<1x64xf32> -> vector<1x64xf32>
    %add3A_68 = arith.addf %dot_general3A_62, %dot_general3A_67 : vector<1x64xf32>
    %get3A_69 = arith.constant 0 : index
    %get3A_70 = arith.constant 0 : index
    %get3A_71 = vector.load %arg11[%get3A_69, %get3A_70] : memref<64x64xf32, #tpu.memory_space<vmem>>, vector<64x64xf32>
    %dot_general3A_72 = arith.constant dense<0.000000e+00> : vector<1x64xf32>
    %dot_general3A_73 = tpu.matmul %get3A_11, %get3A_71, %dot_general3A_72 {dimension_numbers = #tpu.dot_dimension_numbers<[1], [0], [0], [1], [0, 0, 1, 1], [], []>, transpose_lhs_hint = false} : vector<1x64xf32>, vector<64x64xf32>, vector<1x64xf32> -> vector<1x64xf32>
    %add3A_74 = arith.addf %add3A_68, %dot_general3A_73 : vector<1x64xf32>
    %get3A_75 = arith.constant 0 : index
    %get3A_76 = arith.constant 0 : index
    %get3A_77 = vector.load %arg12[%get3A_75, %get3A_76] : memref<1x64xf32, #tpu.memory_space<vmem>>, vector<1x64xf32>
    %add3A_78 = arith.addf %add3A_74, %get3A_77 : vector<1x64xf32>
    %max3A_79 = arith.constant 0.000000e+00 : f32
    %max3A_80 = vector.broadcast %max3A_79 : f32 to vector<1x64xf32>
    %max3A_81 = arith.maximumf %add3A_78, %max3A_80 : vector<1x64xf32>
    %get3A_82 = arith.constant 0 : index
    %get3A_83 = arith.constant 0 : index
    %get3A_84 = vector.load %arg13[%get3A_82, %get3A_83] : memref<64x64xf32, #tpu.memory_space<vmem>>, vector<64x64xf32>
    %dot_general3A_85 = arith.constant dense<0.000000e+00> : vector<1x64xf32>
    %dot_general3A_86 = tpu.matmul %max3A_81, %get3A_84, %dot_general3A_85 {dimension_numbers = #tpu.dot_dimension_numbers<[1], [0], [0], [1], [0, 0, 1, 1], [], []>, transpose_lhs_hint = false} : vector<1x64xf32>, vector<64x64xf32>, vector<1x64xf32> -> vector<1x64xf32>
    %get3A_87 = arith.constant 0 : index
    %get3A_88 = arith.constant 0 : index
    %get3A_89 = vector.load %arg14[%get3A_87, %get3A_88] : memref<1x64xf32, #tpu.memory_space<vmem>>, vector<1x64xf32>
    %add3A_90 = arith.addf %dot_general3A_86, %get3A_89 : vector<1x64xf32>
    %swap3A_91 = arith.constant 0 : index
    %swap3A_92 = arith.constant 0 : index
    %swap3A_93 = vector.load %arg18[%swap3A_91, %swap3A_92] : memref<1x64xf32, #tpu.memory_space<vmem>>, vector<1x64xf32>
    tpu.vector_store %arg18[%swap3A_91, %swap3A_92], %add3A_90 {strides = array<i32>} : memref<1x64xf32, #tpu.memory_space<vmem>>, vector<1x64xf32>,
    %get3A_94 = arith.constant 0 : index
    %get3A_95 = arith.constant 0 : index
    %get3A_96 = vector.load %arg15[%get3A_94, %get3A_95] : memref<128x64xf32, #tpu.memory_space<vmem>>, vector<128x64xf32>
    %dot_general3A_97 = arith.constant dense<0.000000e+00> : vector<10000x64xf32>
    %dot_general3A_98 = tpu.matmul %add3A_47, %get3A_96, %dot_general3A_97 {dimension_numbers = #tpu.dot_dimension_numbers<[1], [0], [0], [1], [0, 0, 1, 1], [], []>, transpose_lhs_hint = false} : vector<10000x128xf32>, vector<128x64xf32>, vector<10000x64xf32> -> vector<10000x64xf32>
    %swap3A_99 = arith.constant 0 : index
    %swap3A_100 = arith.constant 0 : index
    %swap3A_101 = vector.load %arg19[%swap3A_99, %swap3A_100] : memref<10000x64xf32, #tpu.memory_space<vmem>>, vector<10000x64xf32>
    tpu.vector_store %arg19[%swap3A_99, %swap3A_100], %dot_general3A_98 {strides = array<i32>} : memref<10000x64xf32, #tpu.memory_space<vmem>>, vector<10000x64xf32>,
    %get3A_102 = arith.constant 0 : index
    %get3A_103 = arith.constant 0 : index
    %get3A_104 = vector.load %arg16[%get3A_102, %get3A_103] : memref<128x64xf32, #tpu.memory_space<vmem>>, vector<128x64xf32>
    %dot_general3A_105 = arith.constant dense<0.000000e+00> : vector<10000x64xf32>
    %dot_general3A_106 = tpu.matmul %add3A_47, %get3A_104, %dot_general3A_105 {dimension_numbers = #tpu.dot_dimension_numbers<[1], [0], [0], [1], [0, 0, 1, 1], [], []>, transpose_lhs_hint = false} : vector<10000x128xf32>, vector<128x64xf32>, vector<10000x64xf32> -> vector<10000x64xf32>
    %swap3A_107 = arith.constant 0 : index
    %swap3A_108 = arith.constant 0 : index
    %swap3A_109 = vector.load %arg20[%swap3A_107, %swap3A_108] : memref<10000x64xf32, #tpu.memory_space<vmem>>, vector<10000x64xf32>
    tpu.vector_store %arg20[%swap3A_107, %swap3A_108], %dot_general3A_106 {strides = array<i32>} : memref<10000x64xf32, #tpu.memory_space<vmem>>, vector<10000x64xf32>,
    return
  }
}

module attributes {stable_mosaic.version = 14 : i64} {
  func.func @body(%arg0: memref<10000x128xf32, #tpu.memory_space<vmem>>, %arg1: memref<2x10000x16xf32, #tpu.memory_space<vmem>>, %arg2: memref<1x64xf32, #tpu.memory_space<vmem>>, %arg3: memref<128x64xf32, #tpu.memory_space<vmem>>, %arg4: memref<16x64xf32, #tpu.memory_space<vmem>>, %arg5: memref<64x64xf32, #tpu.memory_space<vmem>>, %arg6: memref<1x64xf32, #tpu.memory_space<vmem>>, %arg7: memref<64x128xf32, #tpu.memory_space<vmem>>, %arg8: memref<1x128xf32, #tpu.memory_space<vmem>>, %arg9: memref<128x64xf32, #tpu.memory_space<vmem>>, %arg10: memref<16x64xf32, #tpu.memory_space<vmem>>, %arg11: memref<64x64xf32, #tpu.memory_space<vmem>>, %arg12: memref<1x64xf32, #tpu.memory_space<vmem>>, %arg13: memref<64x64xf32, #tpu.memory_space<vmem>>, %arg14: memref<1x64xf32, #tpu.memory_space<vmem>>, %arg15: memref<10000x128xf32, #tpu.memory_space<vmem>>, %arg16: memref<1x64xf32, #tpu.memory_space<vmem>>) attributes {dimension_semantics = [], scalar_prefetch = 0 : i64, scratch_operands = 0 : i64, tpu.core_type = #tpu.core_type<tc>} {
    %get3A = arith.constant 0 : index
    %get3A_0 = arith.constant 0 : index
    %get3A_1 = arith.constant 0 : index
    %get3A_2 = vector.load %arg1[%get3A, %get3A_0, %get3A_1] : memref<2x10000x16xf32, #tpu.memory_space<vmem>>, vector<1x10000x16xf32>
    %get3A_3 = vector.shape_cast %get3A_2 : vector<1x10000x16xf32> to vector<10000x16xf32>
    %get3A_4 = arith.constant 1 : index
    %get3A_5 = arith.constant 0 : index
    %get3A_6 = arith.constant 0 : index
    %get3A_7 = vector.load %arg1[%get3A_4, %get3A_5, %get3A_6] : memref<2x10000x16xf32, #tpu.memory_space<vmem>>, vector<1x10000x16xf32>
    %get3A_8 = vector.shape_cast %get3A_7 : vector<1x10000x16xf32> to vector<10000x16xf32>
    %add3A = arith.addf %get3A_3, %get3A_8 : vector<10000x16xf32>
    %get3A_9 = arith.constant 0 : index
    %get3A_10 = arith.constant 0 : index
    %get3A_11 = vector.load %arg2[%get3A_9, %get3A_10] : memref<1x64xf32, #tpu.memory_space<vmem>>, vector<1x64xf32>
    %get3A_12 = arith.constant 0 : index
    %get3A_13 = arith.constant 0 : index
    %get3A_14 = vector.load %arg5[%get3A_12, %get3A_13] : memref<64x64xf32, #tpu.memory_space<vmem>>, vector<64x64xf32>
    %dot_general3A = arith.constant dense<0.000000e+00> : vector<1x64xf32>
    %dot_general3A_15 = tpu.matmul %get3A_11, %get3A_14, %dot_general3A {dimension_numbers = #tpu.dot_dimension_numbers<[1], [0], [0], [1], [0, 0, 1, 1], [], []>, transpose_lhs_hint = false} : vector<1x64xf32>, vector<64x64xf32>, vector<1x64xf32> -> vector<1x64xf32>
    %get3A_16 = arith.constant 0 : index
    %get3A_17 = arith.constant 0 : index
    %get3A_18 = vector.load %arg6[%get3A_16, %get3A_17] : memref<1x64xf32, #tpu.memory_space<vmem>>, vector<1x64xf32>
    %add3A_19 = arith.addf %dot_general3A_15, %get3A_18 : vector<1x64xf32>
    %get3A_20 = arith.constant 0 : index
    %get3A_21 = arith.constant 0 : index
    %get3A_22 = vector.load %arg0[%get3A_20, %get3A_21] : memref<10000x128xf32, #tpu.memory_space<vmem>>, vector<10000x128xf32>
    %get3A_23 = arith.constant 0 : index
    %get3A_24 = arith.constant 0 : index
    %get3A_25 = vector.load %arg3[%get3A_23, %get3A_24] : memref<128x64xf32, #tpu.memory_space<vmem>>, vector<128x64xf32>
    %dot_general3A_26 = arith.constant dense<0.000000e+00> : vector<10000x64xf32>
    %dot_general3A_27 = tpu.matmul %get3A_22, %get3A_25, %dot_general3A_26 {dimension_numbers = #tpu.dot_dimension_numbers<[1], [0], [0], [1], [0, 0, 1, 1], [], []>, transpose_lhs_hint = false} : vector<10000x128xf32>, vector<128x64xf32>, vector<10000x64xf32> -> vector<10000x64xf32>
    %get3A_28 = arith.constant 0 : index
    %get3A_29 = arith.constant 0 : index
    %get3A_30 = vector.load %arg4[%get3A_28, %get3A_29] : memref<16x64xf32, #tpu.memory_space<vmem>>, vector<16x64xf32>
    %dot_general3A_31 = arith.constant dense<0.000000e+00> : vector<10000x64xf32>
    %dot_general3A_32 = tpu.matmul %add3A, %get3A_30, %dot_general3A_31 {dimension_numbers = #tpu.dot_dimension_numbers<[1], [0], [0], [1], [0, 0, 1, 1], [], []>, transpose_lhs_hint = false} : vector<10000x16xf32>, vector<16x64xf32>, vector<10000x64xf32> -> vector<10000x64xf32>
    %add3A_33 = arith.addf %dot_general3A_27, %dot_general3A_32 : vector<10000x64xf32>
    %add3A_34 = vector.broadcast %add3A_19 : vector<1x64xf32> to vector<10000x64xf32>
    %add3A_35 = arith.addf %add3A_33, %add3A_34 : vector<10000x64xf32>
    %max3A = arith.constant 0.000000e+00 : f32
    %max3A_36 = vector.broadcast %max3A : f32 to vector<10000x64xf32>
    %max3A_37 = arith.maximumf %add3A_35, %max3A_36 : vector<10000x64xf32>
    %get3A_38 = arith.constant 0 : index
    %get3A_39 = arith.constant 0 : index
    %get3A_40 = vector.load %arg7[%get3A_38, %get3A_39] : memref<64x128xf32, #tpu.memory_space<vmem>>, vector<64x128xf32>
    %dot_general3A_41 = arith.constant dense<0.000000e+00> : vector<10000x128xf32>
    %dot_general3A_42 = tpu.matmul %max3A_37, %get3A_40, %dot_general3A_41 {dimension_numbers = #tpu.dot_dimension_numbers<[1], [0], [0], [1], [0, 0, 1, 1], [], []>, transpose_lhs_hint = false} : vector<10000x64xf32>, vector<64x128xf32>, vector<10000x128xf32> -> vector<10000x128xf32>
    %get3A_43 = arith.constant 0 : index
    %get3A_44 = arith.constant 0 : index
    %get3A_45 = vector.load %arg8[%get3A_43, %get3A_44] : memref<1x128xf32, #tpu.memory_space<vmem>>, vector<1x128xf32>
    %add3A_46 = vector.broadcast %get3A_45 : vector<1x128xf32> to vector<10000x128xf32>
    %add3A_47 = arith.addf %dot_general3A_42, %add3A_46 : vector<10000x128xf32>
    %swap3A = arith.constant 0 : index
    %swap3A_48 = arith.constant 0 : index
    %swap3A_49 = vector.load %arg15[%swap3A, %swap3A_48] : memref<10000x128xf32, #tpu.memory_space<vmem>>, vector<10000x128xf32>
    tpu.vector_store %arg15[%swap3A, %swap3A_48], %add3A_47 {strides = array<i32>} : memref<10000x128xf32, #tpu.memory_space<vmem>>, vector<10000x128xf32>,
    %reduce_sum3A = arith.constant dense<0.000000e+00> : vector<128xf32>
    %reduce_sum3A_50 = vector.multi_reduction <add>, %add3A_47, %reduce_sum3A [0] : vector<10000x128xf32> to vector<128xf32>
    %broadcast_in_dim3A = vector.shape_cast %reduce_sum3A_50 : vector<128xf32> to vector<1x128xf32>
    %div3A = arith.constant 1.000000e+04 : f32
    %div3A_51 = vector.broadcast %div3A : f32 to vector<1x128xf32>
    %div3A_52 = arith.divf %broadcast_in_dim3A, %div3A_51 : vector<1x128xf32>
    %reduce_sum3A_53 = arith.constant dense<0.000000e+00> : vector<16xf32>
    %reduce_sum3A_54 = vector.multi_reduction <add>, %add3A, %reduce_sum3A_53 [0] : vector<10000x16xf32> to vector<16xf32>
    %broadcast_in_dim3A_55 = vector.shape_cast %reduce_sum3A_54 : vector<16xf32> to vector<1x16xf32>
    %mul3A = arith.constant 3.125000e-06 : f32
    %mul3A_56 = vector.broadcast %mul3A : f32 to vector<1x16xf32>
    %mul3A_57 = arith.mulf %broadcast_in_dim3A_55, %mul3A_56 : vector<1x16xf32>
    %get3A_58 = arith.constant 0 : index
    %get3A_59 = arith.constant 0 : index
    %get3A_60 = vector.load %arg9[%get3A_58, %get3A_59] : memref<128x64xf32, #tpu.memory_space<vmem>>, vector<128x64xf32>
    %dot_general3A_61 = arith.constant dense<0.000000e+00> : vector<1x64xf32>
    %dot_general3A_62 = tpu.matmul %div3A_52, %get3A_60, %dot_general3A_61 {dimension_numbers = #tpu.dot_dimension_numbers<[1], [0], [0], [1], [0, 0, 1, 1], [], []>, transpose_lhs_hint = false} : vector<1x128xf32>, vector<128x64xf32>, vector<1x64xf32> -> vector<1x64xf32>
    %get3A_63 = arith.constant 0 : index
    %get3A_64 = arith.constant 0 : index
    %get3A_65 = vector.load %arg10[%get3A_63, %get3A_64] : memref<16x64xf32, #tpu.memory_space<vmem>>, vector<16x64xf32>
    %dot_general3A_66 = arith.constant dense<0.000000e+00> : vector<1x64xf32>
    %dot_general3A_67 = tpu.matmul %mul3A_57, %get3A_65, %dot_general3A_66 {dimension_numbers = #tpu.dot_dimension_numbers<[1], [0], [0], [1], [0, 0, 1, 1], [], []>, transpose_lhs_hint = false} : vector<1x16xf32>, vector<16x64xf32>, vector<1x64xf32> -> vector<1x64xf32>
    %add3A_68 = arith.addf %dot_general3A_62, %dot_general3A_67 : vector<1x64xf32>
    %get3A_69 = arith.constant 0 : index
    %get3A_70 = arith.constant 0 : index
    %get3A_71 = vector.load %arg11[%get3A_69, %get3A_70] : memref<64x64xf32, #tpu.memory_space<vmem>>, vector<64x64xf32>
    %dot_general3A_72 = arith.constant dense<0.000000e+00> : vector<1x64xf32>
    %dot_general3A_73 = tpu.matmul %get3A_11, %get3A_71, %dot_general3A_72 {dimension_numbers = #tpu.dot_dimension_numbers<[1], [0], [0], [1], [0, 0, 1, 1], [], []>, transpose_lhs_hint = false} : vector<1x64xf32>, vector<64x64xf32>, vector<1x64xf32> -> vector<1x64xf32>
    %add3A_74 = arith.addf %add3A_68, %dot_general3A_73 : vector<1x64xf32>
    %get3A_75 = arith.constant 0 : index
    %get3A_76 = arith.constant 0 : index
    %get3A_77 = vector.load %arg12[%get3A_75, %get3A_76] : memref<1x64xf32, #tpu.memory_space<vmem>>, vector<1x64xf32>
    %add3A_78 = arith.addf %add3A_74, %get3A_77 : vector<1x64xf32>
    %max3A_79 = arith.constant 0.000000e+00 : f32
    %max3A_80 = vector.broadcast %max3A_79 : f32 to vector<1x64xf32>
    %max3A_81 = arith.maximumf %add3A_78, %max3A_80 : vector<1x64xf32>
    %get3A_82 = arith.constant 0 : index
    %get3A_83 = arith.constant 0 : index
    %get3A_84 = vector.load %arg13[%get3A_82, %get3A_83] : memref<64x64xf32, #tpu.memory_space<vmem>>, vector<64x64xf32>
    %dot_general3A_85 = arith.constant dense<0.000000e+00> : vector<1x64xf32>
    %dot_general3A_86 = tpu.matmul %max3A_81, %get3A_84, %dot_general3A_85 {dimension_numbers = #tpu.dot_dimension_numbers<[1], [0], [0], [1], [0, 0, 1, 1], [], []>, transpose_lhs_hint = false} : vector<1x64xf32>, vector<64x64xf32>, vector<1x64xf32> -> vector<1x64xf32>
    %get3A_87 = arith.constant 0 : index
    %get3A_88 = arith.constant 0 : index
    %get3A_89 = vector.load %arg14[%get3A_87, %get3A_88] : memref<1x64xf32, #tpu.memory_space<vmem>>, vector<1x64xf32>
    %add3A_90 = arith.addf %dot_general3A_86, %get3A_89 : vector<1x64xf32>
    %swap3A_91 = arith.constant 0 : index
    %swap3A_92 = arith.constant 0 : index
    %swap3A_93 = vector.load %arg16[%swap3A_91, %swap3A_92] : memref<1x64xf32, #tpu.memory_space<vmem>>, vector<1x64xf32>
    tpu.vector_store %arg16[%swap3A_91, %swap3A_92], %add3A_90 {strides = array<i32>} : memref<1x64xf32, #tpu.memory_space<vmem>>, vector<1x64xf32>,
    return
  }
}

</mosaic_0001>

<sc_bundles>
// kernel: kernel.15.cloned.1.call-start
scs
__scs_entry_jumppad:
0x0: {  	(pc) =	sbr.rel $0x88, $3  }
0x1: {  	(tag) =	ssettag $0x0;
	lr =	simm.s32 $0x1  }
0x2: {  	[smem:$0x3F79] =	sst lr;
	_ =	strace $0xD0000000  }
0x3: {  	_ = 	snop  }
0x4: {  	_ = 	snop  }
0x5: {  	_ = 	snop  }
0x6: {  	_ = 	snop  }
0x7: {  	_ = 	snop  }
__scs_overlays_trampoline_lowered:
0x8: {  	[smem:$0x3F88] =	sst s0  }
0x9: {  	[smem:$0x3F89] =	sst s1  }
0xa: {  	[smem:$0x3F8A] =	sst s2  }
0xb: {  	[smem:$0x3F8B] =	sst s3  }
0xc: {  	[smem:$0x3F8C] =	sst s4  }
0xd: {  	[smem:$0x3F8D] =	sst s5  }
0xe: {  	[smem:$0x3F8E] =	sst s6  }
0xf: {  	[smem:$0x3F8F] =	sst s7  }
0x10: {  	[smem:$0x3F90] =	sst s8  }
0x11: {  	[smem:$0x3F91] =	sst s9;
	s0 =	simm.s32 @!p0 $0x0  }
0x12: {  	s1 =	sld [smem:$0x3F77];
	s0 =	simm.s32 @p0 $0x1  }
0x13: {  	[smem:$0x3F92] =	sst s0;
	s0 =	simm.s32 @!p1 $0x0  }
0x14: {  	s2 =	sld [smem:$0x3F76];
	s0 =	simm.s32 @p1 $0x1  }
0x15: {  	[smem:$0x3F93] =	sst s0;
	s0 =	simm.s32 @!p2 $0x0  }
0x16: {  	s3 =	sld [smem:$0x3FDB];
	s0 =	simm.s32 @p2 $0x1  }
0x17: {  	s4 =	simm.s32 $0x1BF5;
	[smem:$0x3F95] =	sst s0  }
0x18: {  	s0 =	sld [smem:$0x3F78];
	_ =	swait.ge [sflag:s4], $0x0  }
0x19: {  	s7 =	sld [smem:$0x3F79]  }
0x1a: {  	s8 =	sadd.s32 $0xFFFFE003, lr  }
0x1b: {  	s9 =	sadd.s32 $0xFFFFFEF7, lr;
	s5 =	simm.s32 $0xFFFFFFFF;
	p2 =	slt.u32 s8, $0xFFFFF086  }
0x1c: {  	p1 =	slt.u32 s9, $0xF7A;
	s5 =	simm.s32 @!p2 $0x0  }
0x1d: {  	s5 =	simm.s32 @p1 $0x1;
	p0 =	seq.s32 s7, s2  }
0x1e: {  	s7 =	smul.u32 @!p0 $0xF7A, s2;
	p2 =	seq.s32 @!p0 s5, $0x0  }
0x1f: {  	s9 =	smul.u32 $0xF7A, s1;
	s8 =	simm.s32 @!p0 $0x1BF5;
	p2 =	por !p2, p0  }
0x20: {  	[sflag:s8] =	ssyncset.s32 @!p0 $0xFFFFF086;
	s6 =	sadd.s32 @!p0 s3, s7;
	s7 =	simm.s32 @!p0 $0x108  }
0x21: {  	s3 =	sadd.s32 s3, s9;
	s6 =	sadd.s32 @!p0 $0x88, s6;
	s7 =	simm.s32 @p2 $0x1082  }
0x22: {  	[simem:s7], [sflag:s8] =	dma.local @!p0 [hbm:s6], $0xF7A  }
0x23: {  	s9 =	sor.u32 $0xD0000000, s2;
	s6 =	simm.s32 $0x108;
	_ =	swait.ge @!p0 [sflag:s8], $0x0  }
0x24: {  	s3 =	sadd.s32 $0x88, s3;
	s6 =	simm.s32 @!p1 $0x1082;
	[sflag:s4] =	ssyncset.s32 $0xFFFFF086  }
0x25: {  	[simem:s6], [sflag:s4] =	dma.local [hbm:s3], $0xF7A  }
0x26: {  	[smem:$0x3F79] =	sst s1;
	(tag) =	ssettag s2;
	_ =	strace s9  }
0x27: {  	s1 =	sld [smem:$0x3F89]  }
0x28: {  	s2 =	sld [smem:$0x3F8A]  }
0x29: {  	s4 =	sld [smem:$0x3F8C]  }
0x2a: {  	p0 =	seq.s32 s5, $0x0;
	s5 =	sld [smem:$0x3F8D]  }
0x2b: {  	s6 =	sld [smem:$0x3F8E]  }
0x2c: {  	s7 =	sld [smem:$0x3F8F]  }
0x2d: {  	s3 =	simm.s32 $0x108;
	s8 =	sld [smem:$0x3F90]  }
0x2e: {  	s3 =	simm.s32 @!p0 $0x1082;
	s9 =	sld [smem:$0x3F91]  }
0x2f: {  	lr =	sadd.s32 s0, s3;
	s0 =	sld [smem:$0x3F88]  }
0x30: {  	s3 =	sld [smem:$0x3F8B]  }
0x31: {  	[smem:$0x3F94] =	sst s10  }
0x32: {  	s10 =	sld [smem:$0x3F92];
	_ =	sdelay $0x3  }
0x33: {  	p0 =	seq.s32 s10, $0x1;
	s10 =	sld [smem:$0x3F94];
	_ =	sdelay $0x3  }
0x34: {  	[smem:$0x3F94] =	sst s10  }
0x35: {  	s10 =	sld [smem:$0x3F93];
	_ =	sdelay $0x3  }
0x36: {  	p1 =	seq.s32 s10, $0x1;
	s10 =	sld [smem:$0x3F94];
	_ =	sdelay $0x3  }
0x37: {  	[smem:$0x3F94] =	sst s10  }
0x38: {  	s10 =	sld [smem:$0x3F95]  }
0x39: {  	_ = 	snop;
	(pc) =	sbr.ind lr, $3  }
0x3a: {  	_ = 	snop  }
0x3b: {  	_ = 	snop  }
0x3c: {  	p2 =	seq.s32 s10, $0x1;
	s10 =	sld [smem:$0x3F94]  }
0x3d: {  	_ =	shalt  }
0x3e: {  	_ =	shalt  }
0x3f: {  	_ =	shalt  }
0x40: {  	_ =	shalt  }
0x41: {  	_ =	shalt  }
0x42: {  	_ =	shalt  }
0x43: {  	_ =	shalt  }
0x44: {  	_ =	shalt  }
0x45: {  	_ =	shalt  }
0x46: {  	_ =	shalt  }
0x47: {  	_ =	shalt  }
0x48: {  	_ =	shalt  }
0x49: {  	_ =	shalt  }
0x4a: {  	_ =	shalt  }
0x4b: {  	_ =	shalt  }
0x4c: {  	_ =	shalt  }
0x4d: {  	_ =	shalt  }
0x4e: {  	_ =	shalt  }
0x4f: {  	_ =	shalt  }
0x50: {  	_ =	shalt  }
0x51: {  	_ =	shalt  }
0x52: {  	_ =	shalt  }
0x53: {  	_ =	shalt  }
0x54: {  	_ =	shalt  }
0x55: {  	_ =	shalt  }
0x56: {  	_ =	shalt  }
0x57: {  	_ =	shalt  }
0x58: {  	_ =	shalt  }
0x59: {  	_ =	shalt  }
0x5a: {  	_ =	shalt  }
0x5b: {  	_ =	shalt  }
0x5c: {  	_ =	shalt  }
0x5d: {  	_ =	shalt  }
0x5e: {  	_ =	shalt  }
0x5f: {  	_ =	shalt  }
0x60: {  	_ =	shalt  }
0x61: {  	_ =	shalt  }
0x62: {  	_ =	shalt  }
0x63: {  	_ =	shalt  }
0x64: {  	_ =	shalt  }
0x65: {  	_ =	shalt  }
0x66: {  	_ =	shalt  }
0x67: {  	_ =	shalt  }
0x68: {  	_ =	shalt  }
0x69: {  	_ =	shalt  }
0x6a: {  	_ =	shalt  }
0x6b: {  	_ =	shalt  }
0x6c: {  	_ =	shalt  }
0x6d: {  	_ =	shalt  }
0x6e: {  	_ =	shalt  }
0x6f: {  	_ =	shalt  }
0x70: {  	_ =	shalt  }
0x71: {  	_ =	shalt  }
0x72: {  	_ =	shalt  }
0x73: {  	_ =	shalt  }
0x74: {  	_ =	shalt  }
0x75: {  	_ =	shalt  }
0x76: {  	_ =	shalt  }
0x77: {  	_ =	shalt  }
0x78: {  	_ =	shalt  }
0x79: {  	_ =	shalt  }
0x7a: {  	_ =	shalt  }
0x7b: {  	_ =	shalt  }
0x7c: {  	_ =	shalt  }
0x7d: {  	_ =	shalt  }
0x7e: {  	_ =	shalt  }
0x7f: {  	_ =	shalt  }
0x80: {  	_ =	shalt  }
0x81: {  	_ =	shalt  }
0x82: {  	_ =	shalt  }
0x83: {  	_ =	shalt  }
0x84: {  	_ =	shalt  }
0x85: {  	_ =	shalt  }
0x86: {  	_ =	shalt  }
0x87: {  	_ =	shalt  }
.Lfunc_end0:
.L_simem_size_0:
called_computation_lowered:
.L_overlay_start_0:
0x88: {  	s2 =	sld [smem:$0x3FD9]  }
0x89: {  	s3 =	sld [smem:$0x3FFE];
	_ =	sdelay $0x1  }
0x8a: {  	s1 =	srdreg.scid  }
0x8b: {  	s0 =	sand.u32 $0x1, s1  }
0x8c: {  	s14 =	sshll.u32 s0, $0xA;
	s2 =	sadd.s32 s3, s2  }
0x8d: {  	s2 =	sadd.s32 s2, s14  }
0x8e: {  	[smem:$0x3FA0] =	sst s2  }
0x8f: {  	_ = 	snop  }
0x90: {  	s2 =	sld [smem:$0x3FD0];
	_ =	sdelay $0x2  }
0x91: {  	s15 =	simm.s32 $0xA;
	s4 =	simm.s32 $0x10  }
0x92: {  	[smem:s4], [sflag:s15] =	dma.local [hbm:s2], $0x1  }
0x93: {  	_ =	swait.eq [sflag:s15], $0x1  }
0x94: {  	[sflag:s15] =	ssyncset.done $0x0  }
0x95: {  	s16 =	sld [smem:$0x10];
	[sflag:s15] =	ssyncadd.s32 $0xFFFFFFFF  }
0x96: {  	s17 =	sld [smem:$0x11];
	(tm) =	ssettm $0x1  }
0x97: {  	s18 =	sld [smem:$0x3FFB];
	_ =	sdelay $0x3  }
0x98: {  	_ =	strace s18  }
0x99: {  	s4 =	sld [smem:$0x3FFC];
	_ =	sdelay $0x3  }
0x9a: {  	_ =	strace s4  }
0x9b: {  	s4 =	sld [smem:$0x3FFD];
	_ =	sdelay $0x3  }
0x9c: {  	_ =	strace s4  }
0x9d: {  	_ =	strace $0x8FFFFFFF  }
0x9e: {  	s19 =	sld [smem:$0x3FDB];
	_ =	sdelay $0x1  }
0x9f: {  	s5 =	simm.s32 $_scs_section_size  }
0xa0: {  	s6 =	simm.s32 $_size__tile_overlayer_lowered;
	s7 =	simm.s32 $_tile_overlayer_lowered  }
0xa1: {  	s22 =	simm.s32 $0x1BFF;
	s21 =	sshll.u32 s7, $0x1;
	s4 =	sadd.s32 s5, s19  }
0xa2: {  	s8 =	simm.s32 $0x0;
	s20 =	sshll.u32 s6, $0x1;
	s6 =	sadd.s32 s21, s4  }
0xa3: {  	[timem:s8], [sflag:s22] =	dma.local [hbm:s6], s20  }
0xa4: {  	_ =	swait.ge [sflag:s22], s20  }
0xa5: {  	s5 =	ssub.s32 $0x0, s20;
	[sflag:s22] =	ssyncset.done $0x0  }
0xa6: {  	[sflag:s22] =	ssyncadd.s32 s5;
	_ =	sdelay $0x1  }
0xa7: {  	s23 =	simm.s32 $0x1B8B  }
0xa8: {  	_ =	swait.ge [sflag:s23], $0x1  }
0xa9: {  	[sflag:s23] =	ssyncset.done $0x0  }
0xaa: {  	s25 =	simm.s32 $0x1B8E;
	s24 =	sld [smem:$0x3FFE];
	[sflag:s23] =	ssyncadd.s32 $0xFFFFFFFF  }
0xab: {  	s26 =	simm.s32 $execute0_lowered;
	[smem:$0x3FD2] =	sst s25  }
0xac: {  	s6 =	sshll.u32 s26, $0x1;
	_ =	strace $0x80000046;
	[dreg:$0x1] =	wrdreg $0xFFFFFFFF  }
0xad: {  	s28 =	simm.s32 $_size_execute0_lowered;
	s4 =	sadd.s32 s4, s6;
	[dreg:$0x0] =	wrdreg $0x0  }
0xae: {  	s6 =	sshll.u32 s28, $0x1;
	[dreg:$0x2] =	wrdreg s4  }
0xaf: {  	[dreg:$0x3] =	wrdreg s6  }
0xb0: {  	[dreg:$0x4] =	wrdreg $0xC0  }
0xb1: {  	_ =	task [dreg:s8], $0x5FFFF  }
0xb2: {  	[dreg:$0x1] =	wrdreg $0xFFFFFFFF  }
0xb3: {  	[dreg:$0x0] =	wrdreg $0x60  }
0xb4: {  	[dreg:$0x2] =	wrdreg s16  }
0xb5: {  	[dreg:$0x3] =	wrdreg s17  }
0xb6: {  	[dreg:$0x4] =	wrdreg s24  }
0xb7: {  	[dreg:$0x5] =	wrdreg $0x9  }
0xb8: {  	_ =	task.clear_ibuf [dreg:s8], $0x6FFFF;
	_ =	strace $0x90000046  }
0xb9: {  	s29 =	simm.s32 $0x9;
	_ =	strace $0x80000048  }
0xba: {  	_ =	swait.ge [sflag:s29], $0x1  }
0xbb: {  	[sflag:s29] =	ssyncadd.s32 $0xFFFFFFFF  }
0xbc: {  	_ =	strace $0x90000048  }
0xbd: {  	_ =	sfence  }
0xbe: {  	s30 =	sld [smem:$0x0];
	_ =	sdelay $0x2  }
0xbf: {  	s31 =	sshll.u32 s1, $0xD;
	s1 =	sshrl.u32 s1, $0x2  }
0xc0: {  	s3 =	sand.u32 $0x4000, s31;
	s1 =	sadd.s32 s1, s30  }
0xc1: {  	s0 =	sor.u32 s3, s0;
	s1 =	sshll.u32 s1, $0x11  }
0xc2: {  	s0 =	sor.u32 s1, s0  }
0xc3: {  	s0 =	sadd.s32 $0x8F2B, s0  }
0xc4: {  	[sflag:s0] =	ssyncadd.remote.s32 $0x1  }
0xc5: {  	_ =	sfence.sel $0xFFFF  }
0xc6: {  	[dreg:$0x0] =	wrdreg $0xFFFFFFFF;
	(pc) =	sbr.abs _section_cstart, $3  }
0xc7: {  	[dreg:$0x1] =	wrdreg $0xFFFFFFFF  }
0xc8: {  	_ =	task.clear_ibuf [dreg:s8], $0x2FFFF;
	_ =	strace $0x9FFFFFFF  }
0xc9: {  	(tm) =	ssettm $0x7FFFFFFF  }
tec
execute0_lowered:
.L_overlay_start_1:
0x0: {  	(tag) =	ssettag $0x1  }
0x1: {  	s1 =	rddreg [dreg:$0x0]  }
0x2: {  	s3 =	rddreg [dreg:$0x1];
	s2 =	srdreg.scid  }
0x3: {  	s0 =	stileid.u32;
	s5 =	rddreg [dreg:$0x2];
	s4 =	simm.s32 $0x0  }
0x4: {  	s12 =	simm.s32 $0x4E20;
	s13 =	simm.s32 $0x1;
	s14 =	simm.s32 $0x2  }
0x5: {  	s15 =	simm.s32 $0x0;
	s6 =	sand.u32 $0x1, s2;
	s2 =	rddreg [dreg:$0x3]  }
0x6: {  	s7 =	sshll.u32 s0, $0x1;
	[smem:$0x7FF] =	sst s4;
	s8 =	smul.u32 $0x27100, s0  }
0x7: {  	s7 =	sor.u32 s6, s7;
	s9 =	ssub.s32 $0x2, s6;
	s11 =	smul.u32 $0x13880, s6  }
0x8: {  	s7 =	smul.u32 $0x2710, s7;
	s10 =	sshrl.u32 s9, $0x1;
	s29 =	sadd.s32 s8, s5  }
0x9: {  	_ =	strace $0x80000047;
	s30 =	ssub.s32 s9, s10;
	s31 =	sadd.s32 s11, s29  }
0xa: {  	s9 =	simm.s32 $0x3;
	s10 =	simm.s32 $0x2710;
	s7 =	sshrl.u32 s7, $0x3  }
0xb: {  	s11 =	simm.s32 $0x50;
	s8 =	sadd.s32 $0x21000, s31;
	s28 =	sadd.s32 s7, s5  }
0xc: {  	s7 =	smax.u32 s30, $0x1;
	s5 =	sadd.s32 $0xD400, s28;
	s6 =	sadd.s32 $0x17200, s28  }
.LBB2_1:
0xd: {  	[tilespmem:s4], [sflag:$0x3] =	stream.linear.gather [hbm4b:s5+s4], $0x2710, $0x38;
	[tilespmem:$0x6220] =	vst v63  }
0xe: {  	_ =	swait.ge [sflag:s9], $0x2710  }
0xf: {  	[sflag:s9] =	ssyncset.done $0x0  }
0x10: {  	[sflag:s9] =	ssyncadd.s32 $0xFFFFD8F0  }
0x11: {  	[tilespmem:s10], [sflag:$0x3] =	stream.linear.gather [hbm4b:s6+s4], $0x2710, $0x38;
	[tilespmem:$0x6220] =	vst v63  }
0x12: {  	_ =	swait.ge [sflag:s9], $0x2710  }
0x13: {  	[sflag:s9] =	ssyncset.done $0x0  }
0x14: {  	s16 =	simm.s32 $0x0;
	[sflag:s9] =	ssyncadd.s32 $0xFFFFD8F0  }
0x15: {  	[tilespmem:s12], [sflag:$0x1] =	stream.indirect.gather [hbm4b:s1+s11], $0x40, s16, s11, $0xb8;
	[tilespmem:$0x6220] =	vst v63  }
0x16: {  	_ =	swait.ge [sflag:s13], $0x1400  }
0x17: {  	[sflag:s13] =	ssyncset.done $0x0  }
0x18: {  	s31 =	simm.s32 $0x2710;
	[sflag:s13] =	ssyncadd.s32 $0xFFFFEC00  }
0x19: {  	[tilespmem:s12], [sflag:$0x2] =	stream.indirect.gather.add.f32 [hbm:s3], $0x40, s31, s11, $0xb8;
	[tilespmem:$0x6220] =	vst v63  }
0x1a: {  	_ =	swait.ge [sflag:s14], $0x1400  }
0x1b: {  	[sflag:s14] =	ssyncset.done $0x0  }
0x1c: {  	[sflag:s14] =	ssyncadd.s32 $0xFFFFEC00  }
0x1d: {  	[hbm4b:s8+s4] =	stream.linear.scatter [tilespmem:s12], [sflag:$0x3], $0x1400, $0x38;
	[tilespmem:$0x6220] =	vst v63  }
0x1e: {  	s17 =	simm.s32 $0x140;
	_ =	swait.ge [sflag:s9], $0x1400  }
0x1f: {  	s18 =	simm.s32 $0x280;
	s16 =	sadd.s32 $0x280, s8;
	[sflag:s9] =	ssyncset.done $0x0  }
.LBB2_2:
0x20: {  	s19 =	sshra.s32 s17, $0x2  }
0x21: {  	[sflag:s9] =	ssyncadd.s32 $0xFFFFEC00;
	s17 =	smov.u32 s18;
	s20 =	sadd.s32 $0x140, s18  }
0x22: {  	[tilespmem:s12], [sflag:$0x1] =	stream.indirect.gather [hbm4b:s1+s11], $0x40, s19, s11, $0xb8;
	[tilespmem:$0x6220] =	vst v63  }
0x23: {  	p0 =	sne.s32 s18, $0x9B00;
	_ =	swait.ge [sflag:s13], $0x1400  }
0x24: {  	[sflag:s13] =	ssyncset.done $0x0  }
0x25: {  	s18 =	sadd.s32 $0x2710, s19;
	[sflag:s13] =	ssyncadd.s32 $0xFFFFEC00  }
0x26: {  	[tilespmem:s12], [sflag:$0x2] =	stream.indirect.gather.add.f32 [hbm:s3], $0x40, s18, s11, $0xb8;
	[tilespmem:$0x6220] =	vst v63  }
0x27: {  	_ =	swait.ge [sflag:s14], $0x1400  }
.Ltmp0:
0x28: {  	[sflag:s14] =	ssyncset.done $0x0;
	(pc) =	sbr.rel @p0 .LBB2_2-.Ltmp0, $4  }
0x29: {  	[sflag:s14] =	ssyncadd.s32 $0xFFFFEC00  }
0x2a: {  	[hbm4b:s16+s4] =	stream.linear.scatter [tilespmem:s12], [sflag:$0x3], $0x1400, $0x38;
	[tilespmem:$0x6220] =	vst v63  }
0x2b: {  	_ =	swait.ge [sflag:s9], $0x1400  }
0x2c: {  	s18 =	smov.u32 s20;
	s16 =	sadd.s32 $0x280, s16;
	[sflag:s9] =	ssyncset.done $0x0  }
0x2d: {  	s17 =	sshra.s32 s17, $0x2;
	[sflag:s9] =	ssyncadd.s32 $0xFFFFEC00  }
0x2e: {  	[tilespmem:s12], [sflag:$0x1] =	stream.indirect.gather [hbm4b:s1+s11], $0x40, s17, s11, $0xb8;
	[tilespmem:$0x6220] =	vst v63  }
0x2f: {  	_ =	swait.ge [sflag:s13], $0x1400  }
0x30: {  	[sflag:s13] =	ssyncset.done $0x0  }
0x31: {  	s17 =	sadd.s32 $0x2710, s17;
	[sflag:s13] =	ssyncadd.s32 $0xFFFFEC00  }
0x32: {  	[tilespmem:s12], [sflag:$0x2] =	stream.indirect.gather.add.f32 [hbm:s3], $0x40, s17, s11, $0xb8;
	[tilespmem:$0x6220] =	vst v63  }
0x33: {  	s15 =	sadd.s32 $0x1, s15;
	_ =	swait.ge [sflag:s14], $0x1400  }
0x34: {  	p0 =	sne.s32 s15, s7;
	[sflag:s14] =	ssyncset.done $0x0  }
.Ltmp1:
0x35: {  	[sflag:s14] =	ssyncadd.s32 $0xFFFFEC00;
	(pc) =	sbr.rel @p0 .LBB2_1-.Ltmp1, $4  }
0x36: {  	[hbm4b:s16+s4] =	stream.linear.scatter [tilespmem:s12], [sflag:$0x3], $0x1400, $0x38;
	[tilespmem:$0x6220] =	vst v63  }
0x37: {  	_ =	swait.ge [sflag:s9], $0x1400  }
0x38: {  	[sflag:s9] =	ssyncset.done $0x0  }
0x39: {  	[sflag:s9] =	ssyncadd.s32 $0xFFFFEC00  }
0x3a: {  	_ =	sfence.sel $0x180000  }
0x3b: {  	[bflag:$0x0] =	sbarrier.arrive $0xFFFF  }
0x3c: {  	p0 =	sne.s32 s0, $0x0;
	_ =	strace $0x90000047  }
0x3d: {  	s0 =	sadd.s32 @!p0 $0x100000, s2;
	[bflag:$0x2] =	sbarrier.arrive $0xFFFF  }
0x3e: {  	[sflag:s0] =	ssyncadd.tile.s32 @!p0 $0x1;
	_ =	shalt  }
.Lfunc_end2:
_tile_overlayer_lowered:
.L_overlay_start_2:
0x3f: {  	(tag) =	ssettag $0x2  }
0x40: {  	s0 =	rddreg [dreg:$0x0];
	s2 =	stileid.u32  }
0x41: {  	s1 =	rddreg [dreg:$0x1];
	p0 =	sne.s32 s2, $0x0  }
0x42: {  	s3 =	rddreg [dreg:$0x2];
	[bflag:$0x3] =	sbarrier.arrive $0xFFFF;
	s2 =	simm.s32 @!p0 $0x1C03  }
0x43: {  	[timem:s3], [sflag:s2] =	dma.local @!p0 [hbm:s0], s1  }
0x44: {  	s0 =	simm.s32 @!p0 $0x3  }
0x45: {  	_ =	swait.ge @!p0 [sflag:s0], s1  }
0x46: {  	s1 =	ssub.s32 @!p0 $0x0, s1;
	[sflag:s0] =	ssyncset.done @!p0 $0x0  }
0x47: {  	[sflag:s0] =	ssyncadd.s32 @!p0 s1  }
0x48: {  	[bflag:$0x3] =	sbarrier.arrive $0xFFFF  }
0x49: {  	_ =	shalt  }

// kernel: kernel.18.cloned.1.call-start
scs
__scs_entry_jumppad:
0x0: {  	(pc) =	sbr.rel $0x88, $3  }
0x1: {  	(tag) =	ssettag $0x0;
	lr =	simm.s32 $0x1  }
0x2: {  	[smem:$0x3F79] =	sst lr;
	_ =	strace $0xD0000000  }
0x3: {  	_ = 	snop  }
0x4: {  	_ = 	snop  }
0x5: {  	_ = 	snop  }
0x6: {  	_ = 	snop  }
0x7: {  	_ = 	snop  }
__scs_overlays_trampoline_lowered:
0x8: {  	[smem:$0x3F88] =	sst s0  }
0x9: {  	[smem:$0x3F89] =	sst s1  }
0xa: {  	[smem:$0x3F8A] =	sst s2  }
0xb: {  	[smem:$0x3F8B] =	sst s3  }
0xc: {  	[smem:$0x3F8C] =	sst s4  }
0xd: {  	[smem:$0x3F8D] =	sst s5  }
0xe: {  	[smem:$0x3F8E] =	sst s6  }
0xf: {  	[smem:$0x3F8F] =	sst s7  }
0x10: {  	[smem:$0x3F90] =	sst s8  }
0x11: {  	[smem:$0x3F91] =	sst s9;
	s0 =	simm.s32 @!p0 $0x0  }
0x12: {  	s1 =	sld [smem:$0x3F77];
	s0 =	simm.s32 @p0 $0x1  }
0x13: {  	[smem:$0x3F92] =	sst s0;
	s0 =	simm.s32 @!p1 $0x0  }
0x14: {  	s2 =	sld [smem:$0x3F76];
	s0 =	simm.s32 @p1 $0x1  }
0x15: {  	[smem:$0x3F93] =	sst s0;
	s0 =	simm.s32 @!p2 $0x0  }
0x16: {  	s3 =	sld [smem:$0x3FDB];
	s0 =	simm.s32 @p2 $0x1  }
0x17: {  	s4 =	simm.s32 $0x1BF5;
	[smem:$0x3F95] =	sst s0  }
0x18: {  	s0 =	sld [smem:$0x3F78];
	_ =	swait.ge [sflag:s4], $0x0  }
0x19: {  	s7 =	sld [smem:$0x3F79]  }
0x1a: {  	s8 =	sadd.s32 $0xFFFFE003, lr  }
0x1b: {  	s9 =	sadd.s32 $0xFFFFFEF7, lr;
	s5 =	simm.s32 $0xFFFFFFFF;
	p2 =	slt.u32 s8, $0xFFFFF086  }
0x1c: {  	p1 =	slt.u32 s9, $0xF7A;
	s5 =	simm.s32 @!p2 $0x0  }
0x1d: {  	s5 =	simm.s32 @p1 $0x1;
	p0 =	seq.s32 s7, s2  }
0x1e: {  	s7 =	smul.u32 @!p0 $0xF7A, s2;
	p2 =	seq.s32 @!p0 s5, $0x0  }
0x1f: {  	s9 =	smul.u32 $0xF7A, s1;
	s8 =	simm.s32 @!p0 $0x1BF5;
	p2 =	por !p2, p0  }
0x20: {  	[sflag:s8] =	ssyncset.s32 @!p0 $0xFFFFF086;
	s6 =	sadd.s32 @!p0 s3, s7;
	s7 =	simm.s32 @!p0 $0x108  }
0x21: {  	s3 =	sadd.s32 s3, s9;
	s6 =	sadd.s32 @!p0 $0x88, s6;
	s7 =	simm.s32 @p2 $0x1082  }
0x22: {  	[simem:s7], [sflag:s8] =	dma.local @!p0 [hbm:s6], $0xF7A  }
0x23: {  	s9 =	sor.u32 $0xD0000000, s2;
	s6 =	simm.s32 $0x108;
	_ =	swait.ge @!p0 [sflag:s8], $0x0  }
0x24: {  	s3 =	sadd.s32 $0x88, s3;
	s6 =	simm.s32 @!p1 $0x1082;
	[sflag:s4] =	ssyncset.s32 $0xFFFFF086  }
0x25: {  	[simem:s6], [sflag:s4] =	dma.local [hbm:s3], $0xF7A  }
0x26: {  	[smem:$0x3F79] =	sst s1;
	(tag) =	ssettag s2;
	_ =	strace s9  }
0x27: {  	s1 =	sld [smem:$0x3F89]  }
0x28: {  	s2 =	sld [smem:$0x3F8A]  }
0x29: {  	s4 =	sld [smem:$0x3F8C]  }
0x2a: {  	p0 =	seq.s32 s5, $0x0;
	s5 =	sld [smem:$0x3F8D]  }
0x2b: {  	s6 =	sld [smem:$0x3F8E]  }
0x2c: {  	s7 =	sld [smem:$0x3F8F]  }
0x2d: {  	s3 =	simm.s32 $0x108;
	s8 =	sld [smem:$0x3F90]  }
0x2e: {  	s3 =	simm.s32 @!p0 $0x1082;
	s9 =	sld [smem:$0x3F91]  }
0x2f: {  	lr =	sadd.s32 s0, s3;
	s0 =	sld [smem:$0x3F88]  }
0x30: {  	s3 =	sld [smem:$0x3F8B]  }
0x31: {  	[smem:$0x3F94] =	sst s10  }
0x32: {  	s10 =	sld [smem:$0x3F92];
	_ =	sdelay $0x3  }
0x33: {  	p0 =	seq.s32 s10, $0x1;
	s10 =	sld [smem:$0x3F94];
	_ =	sdelay $0x3  }
0x34: {  	[smem:$0x3F94] =	sst s10  }
0x35: {  	s10 =	sld [smem:$0x3F93];
	_ =	sdelay $0x3  }
0x36: {  	p1 =	seq.s32 s10, $0x1;
	s10 =	sld [smem:$0x3F94];
	_ =	sdelay $0x3  }
0x37: {  	[smem:$0x3F94] =	sst s10  }
0x38: {  	s10 =	sld [smem:$0x3F95]  }
0x39: {  	_ = 	snop;
	(pc) =	sbr.ind lr, $3  }
0x3a: {  	_ = 	snop  }
0x3b: {  	_ = 	snop  }
0x3c: {  	p2 =	seq.s32 s10, $0x1;
	s10 =	sld [smem:$0x3F94]  }
0x3d: {  	_ =	shalt  }
0x3e: {  	_ =	shalt  }
0x3f: {  	_ =	shalt  }
0x40: {  	_ =	shalt  }
0x41: {  	_ =	shalt  }
0x42: {  	_ =	shalt  }
0x43: {  	_ =	shalt  }
0x44: {  	_ =	shalt  }
0x45: {  	_ =	shalt  }
0x46: {  	_ =	shalt  }
0x47: {  	_ =	shalt  }
0x48: {  	_ =	shalt  }
0x49: {  	_ =	shalt  }
0x4a: {  	_ =	shalt  }
0x4b: {  	_ =	shalt  }
0x4c: {  	_ =	shalt  }
0x4d: {  	_ =	shalt  }
0x4e: {  	_ =	shalt  }
0x4f: {  	_ =	shalt  }
0x50: {  	_ =	shalt  }
0x51: {  	_ =	shalt  }
0x52: {  	_ =	shalt  }
0x53: {  	_ =	shalt  }
0x54: {  	_ =	shalt  }
0x55: {  	_ =	shalt  }
0x56: {  	_ =	shalt  }
0x57: {  	_ =	shalt  }
0x58: {  	_ =	shalt  }
0x59: {  	_ =	shalt  }
0x5a: {  	_ =	shalt  }
0x5b: {  	_ =	shalt  }
0x5c: {  	_ =	shalt  }
0x5d: {  	_ =	shalt  }
0x5e: {  	_ =	shalt  }
0x5f: {  	_ =	shalt  }
0x60: {  	_ =	shalt  }
0x61: {  	_ =	shalt  }
0x62: {  	_ =	shalt  }
0x63: {  	_ =	shalt  }
0x64: {  	_ =	shalt  }
0x65: {  	_ =	shalt  }
0x66: {  	_ =	shalt  }
0x67: {  	_ =	shalt  }
0x68: {  	_ =	shalt  }
0x69: {  	_ =	shalt  }
0x6a: {  	_ =	shalt  }
0x6b: {  	_ =	shalt  }
0x6c: {  	_ =	shalt  }
0x6d: {  	_ =	shalt  }
0x6e: {  	_ =	shalt  }
0x6f: {  	_ =	shalt  }
0x70: {  	_ =	shalt  }
0x71: {  	_ =	shalt  }
0x72: {  	_ =	shalt  }
0x73: {  	_ =	shalt  }
0x74: {  	_ =	shalt  }
0x75: {  	_ =	shalt  }
0x76: {  	_ =	shalt  }
0x77: {  	_ =	shalt  }
0x78: {  	_ =	shalt  }
0x79: {  	_ =	shalt  }
0x7a: {  	_ =	shalt  }
0x7b: {  	_ =	shalt  }
0x7c: {  	_ =	shalt  }
0x7d: {  	_ =	shalt  }
0x7e: {  	_ =	shalt  }
0x7f: {  	_ =	shalt  }
0x80: {  	_ =	shalt  }
0x81: {  	_ =	shalt  }
0x82: {  	_ =	shalt  }
0x83: {  	_ =	shalt  }
0x84: {  	_ =	shalt  }
0x85: {  	_ =	shalt  }
0x86: {  	_ =	shalt  }
0x87: {  	_ =	shalt  }
.Lfunc_end0:
.L_simem_size_0:
called_computation.1_lowered:
.L_overlay_start_0:
0x88: {  	s2 =	sld [smem:$0x3FD9]  }
0x89: {  	s3 =	sld [smem:$0x3FFE];
	_ =	sdelay $0x1  }
0x8a: {  	s1 =	srdreg.scid  }
0x8b: {  	s0 =	sand.u32 $0x1, s1  }
0x8c: {  	s14 =	sshll.u32 s0, $0xA;
	s2 =	sadd.s32 s3, s2  }
0x8d: {  	s2 =	sadd.s32 s2, s14  }
0x8e: {  	[smem:$0x3FA0] =	sst s2  }
0x8f: {  	_ = 	snop  }
0x90: {  	s2 =	sld [smem:$0x3FD0];
	_ =	sdelay $0x2  }
0x91: {  	s15 =	simm.s32 $0xA;
	s4 =	simm.s32 $0x10  }
0x92: {  	[smem:s4], [sflag:s15] =	dma.local [hbm:s2], $0x1  }
0x93: {  	_ =	swait.eq [sflag:s15], $0x1  }
0x94: {  	[sflag:s15] =	ssyncset.done $0x0  }
0x95: {  	s16 =	sld [smem:$0x10];
	[sflag:s15] =	ssyncadd.s32 $0xFFFFFFFF  }
0x96: {  	s17 =	sld [smem:$0x11];
	(tm) =	ssettm $0x1  }
0x97: {  	s18 =	sld [smem:$0x3FFB];
	_ =	sdelay $0x3  }
0x98: {  	_ =	strace s18  }
0x99: {  	s4 =	sld [smem:$0x3FFC];
	_ =	sdelay $0x3  }
0x9a: {  	_ =	strace s4  }
0x9b: {  	s4 =	sld [smem:$0x3FFD];
	_ =	sdelay $0x3  }
0x9c: {  	_ =	strace s4  }
0x9d: {  	_ =	strace $0x8FFFFFFF  }
0x9e: {  	s19 =	sld [smem:$0x3FDB];
	_ =	sdelay $0x1  }
0x9f: {  	s5 =	simm.s32 $_scs_section_size  }
0xa0: {  	s6 =	simm.s32 $_size__tile_overlayer_lowered;
	s7 =	simm.s32 $_tile_overlayer_lowered  }
0xa1: {  	s22 =	simm.s32 $0x1BFF;
	s21 =	sshll.u32 s7, $0x1;
	s4 =	sadd.s32 s5, s19  }
0xa2: {  	s8 =	simm.s32 $0x0;
	s20 =	sshll.u32 s6, $0x1;
	s6 =	sadd.s32 s21, s4  }
0xa3: {  	[timem:s8], [sflag:s22] =	dma.local [hbm:s6], s20  }
0xa4: {  	_ =	swait.ge [sflag:s22], s20  }
0xa5: {  	s5 =	ssub.s32 $0x0, s20;
	[sflag:s22] =	ssyncset.done $0x0  }
0xa6: {  	[sflag:s22] =	ssyncadd.s32 s5;
	_ =	sdelay $0x1  }
0xa7: {  	s23 =	simm.s32 $0x1B8B  }
0xa8: {  	_ =	swait.ge [sflag:s23], $0x1  }
0xa9: {  	[sflag:s23] =	ssyncset.done $0x0  }
0xaa: {  	s25 =	simm.s32 $0x1B8E;
	s24 =	sld [smem:$0x3FFE];
	[sflag:s23] =	ssyncadd.s32 $0xFFFFFFFF  }
0xab: {  	s26 =	simm.s32 $execute0_lowered;
	[smem:$0x3FD2] =	sst s25  }
0xac: {  	s6 =	sshll.u32 s26, $0x1;
	_ =	strace $0x80000049;
	[dreg:$0x1] =	wrdreg $0xFFFFFFFF  }
0xad: {  	s28 =	simm.s32 $_size_execute0_lowered;
	s4 =	sadd.s32 s4, s6;
	[dreg:$0x0] =	wrdreg $0x0  }
0xae: {  	s6 =	sshll.u32 s28, $0x1;
	[dreg:$0x2] =	wrdreg s4  }
0xaf: {  	[dreg:$0x3] =	wrdreg s6  }
0xb0: {  	[dreg:$0x4] =	wrdreg $0xC0  }
0xb1: {  	_ =	task [dreg:s8], $0x5FFFF  }
0xb2: {  	[dreg:$0x1] =	wrdreg $0xFFFFFFFF  }
0xb3: {  	[dreg:$0x0] =	wrdreg $0x60  }
0xb4: {  	[dreg:$0x2] =	wrdreg s17  }
0xb5: {  	[dreg:$0x3] =	wrdreg s24  }
0xb6: {  	[dreg:$0x4] =	wrdreg s16  }
0xb7: {  	[dreg:$0x5] =	wrdreg $0x31100  }
0xb8: {  	[dreg:$0x6] =	wrdreg $0x9  }
0xb9: {  	_ =	task.clear_ibuf [dreg:s8], $0x7FFFF;
	_ =	strace $0x90000049  }
0xba: {  	s29 =	simm.s32 $0x9;
	_ =	strace $0x8000004B  }
0xbb: {  	_ =	swait.ge [sflag:s29], $0x1  }
0xbc: {  	[sflag:s29] =	ssyncadd.s32 $0xFFFFFFFF  }
0xbd: {  	_ =	strace $0x9000004B  }
0xbe: {  	_ =	sfence  }
0xbf: {  	s30 =	sld [smem:$0x0];
	_ =	sdelay $0x2  }
0xc0: {  	s31 =	sshll.u32 s1, $0xD;
	s1 =	sshrl.u32 s1, $0x2  }
0xc1: {  	s3 =	sand.u32 $0x4000, s31;
	s1 =	sadd.s32 s1, s30  }
0xc2: {  	s0 =	sor.u32 s3, s0;
	s1 =	sshll.u32 s1, $0x11  }
0xc3: {  	s0 =	sor.u32 s1, s0  }
0xc4: {  	s0 =	sadd.s32 $0x8F2B, s0  }
0xc5: {  	[sflag:s0] =	ssyncadd.remote.s32 $0x1  }
0xc6: {  	_ =	sfence.sel $0xFFFF  }
0xc7: {  	[dreg:$0x0] =	wrdreg $0xFFFFFFFF;
	(pc) =	sbr.abs _section_cstart, $3  }
0xc8: {  	[dreg:$0x1] =	wrdreg $0xFFFFFFFF  }
0xc9: {  	_ =	task.clear_ibuf [dreg:s8], $0x2FFFF;
	_ =	strace $0x9FFFFFFF  }
0xca: {  	(tm) =	ssettm $0x7FFFFFFF  }
0xcb: {  	_ =	shalt  }
tec
execute0_lowered:
.L_overlay_start_1:
0x0: {  	(tag) =	ssettag $0x1  }
0x1: {  	s0 =	srdreg.scid  }
0x2: {  	s14 =	stileid.u32;
	s4 =	sand.u32 $0x1, s0  }
0x3: {  	s16 =	sor.u32 $0x30, s14;
	s8 =	smul.u32 $0x27100, s4  }
0x4: {  	s17 =	sor.u32 $0x40, s14;
	s26 =	smul.u32 $0x500, s16  }
0x5: {  	s2 =	rddreg [dreg:$0x1];
	s18 =	sor.u32 $0x50, s14;
	s28 =	smul.u32 $0x500, s17  }
0x6: {  	s5 =	rddreg [dreg:$0x2];
	s19 =	sor.u32 $0x60, s14;
	s29 =	smul.u32 $0x500, s18  }
0x7: {  	s9 =	sshll.u32 s14, $0x1;
	s20 =	sor.u32 $0x70, s14;
	s30 =	smul.u32 $0x500, s19  }
0x8: {  	s1 =	simm.s32 $0x0;
	s0 =	sor.u32 s4, s9;
	s31 =	smul.u32 $0x500, s20  }
0x9: {  	[smem:$0x7FF] =	sst s1;
	s3 =	ssub.s32 $0x2, s4;
	s0 =	smul.u32 $0x2710, s0  }
0xa: {  	s15 =	sor.u32 $0x20, s14;
	s4 =	smul.u32 $0x4E20, s4;
	s10 =	sshrl.u32 s3, $0x1  }
0xb: {  	s7 =	ssub.s32 s3, s10;
	s3 =	smul.u32 $0x500, s15;
	s0 =	sshrl.u32 s0, $0x3  }
0xc: {  	s9 =	sor.u32 $0x10, s14;
	s6 =	sadd.s32 s0, s2;
	s0 =	smul.u32 $0x500, s14  }
0xd: {  	p0 =	sgt.u32 s20, $0x7C;
	s21 =	sadd.s32 s8, s26;
	s2 =	smul.u32 $0x500, s9  }
0xe: {  	s24 =	sadd.s32 s8, s29;
	s25 =	sadd.s32 s8, s30;
	s11 =	sadd.s32 s8, s0  }
0xf: {  	s13 =	sadd.s32 s8, s3;
	s10 =	sshrl.u32 s11, $0x3;
	s11 =	sadd.s32 s8, s2  }
0x10: {  	s6 =	sadd.s32 $0x17200, s6;
	s10 =	sadd.s32 s5, s10;
	s12 =	sshrl.u32 s11, $0x3  }
0x11: {  	s11 =	sshrl.u32 s21, $0x3;
	[dreg:$0x5] =	wrdreg s10;
	s10 =	sadd.s32 s5, s12  }
0x12: {  	s12 =	sadd.s32 s8, s28;
	s22 =	sadd.s32 s5, s11;
	s11 =	sshrl.u32 s24, $0x3  }
0x13: {  	s8 =	sadd.s32 s8, s31;
	s24 =	smul.u32 $0x1400, s9;
	[dreg:$0x6] =	wrdreg s10  }
0x14: {  	s9 =	smul.u32 $0x1400, s16;
	s10 =	sshrl.u32 s13, $0x3;
	[dreg:$0x8] =	wrdreg s22  }
0x15: {  	s23 =	sshrl.u32 s12, $0x3;
	s13 =	sshrl.u32 s25, $0x3;
	s22 =	rddreg [dreg:$0x0]  }
0x16: {  	s25 =	smul.u32 $0x1400, s14;
	s10 =	sadd.s32 s5, s10;
	s21 =	sadd.s32 s5, s13  }
0x17: {  	s13 =	smul.u32 $0x9C40, s14;
	s14 =	smax.u32 s7, $0x1;
	[dreg:$0x7] =	wrdreg s10  }
0x18: {  	s7 =	smul.u32 $0x1400, s15;
	s10 =	sadd.s32 s5, s23;
	[dreg:$0xb] =	wrdreg s21  }
0x19: {  	s8 =	sshrl.u32 s8, $0x3;
	s21 =	smul.u32 $0x1400, s18;
	[dreg:$0x9] =	wrdreg s10  }
0x1a: {  	s10 =	sadd.s32 s5, s11;
	s5 =	sadd.s32 s5, s8;
	s11 =	rddreg [dreg:$0x3]  }
0x1b: {  	s23 =	sadd.s32 s13, s22;
	s8 =	sshrl.u32 s24, $0x2;
	s13 =	sshrl.u32 s9, $0x2  }
0x1c: {  	s22 =	smul.u32 $0x1400, s19;
	s9 =	simm.s32 $0x2C10;
	[dreg:$0xa] =	wrdreg s10  }
0x1d: {  	[dreg:$0xc] =	wrdreg s5;
	s12 =	sadd.s32 s4, s23;
	s4 =	sshrl.u32 s25, $0x2  }
0x1e: {  	s16 =	sadd.s32 s8, s11;
	s10 =	smul.u32 $0x1400, s17;
	s5 =	sshrl.u32 s7, $0x2  }
0x1f: {  	s18 =	sadd.s32 s13, s11;
	s23 =	smul.u32 $0x1400, s20;
	s24 =	sshrl.u32 s21, $0x2  }
0x20: {  	s26 =	sadd.s32 s26, s11;
	s28 =	sadd.s32 s28, s11;
	s29 =	sadd.s32 s29, s11  }
0x21: {  	s30 =	sadd.s32 s30, s11;
	s31 =	sadd.s32 s31, s11;
	_ =	strace $0x8000004A  }
0x22: {  	[dreg:$0xd] =	wrdreg s6;
	s15 =	sadd.s32 s4, s11;
	s17 =	sadd.s32 s5, s11  }
0x23: {  	s5 =	sshrl.u32 s22, $0x2;
	s20 =	sadd.s32 s24, s11;
	s24 =	sadd.s32 s2, s11  }
0x24: {  	s2 =	simm.s32 $0x2710;
	s4 =	sshrl.u32 s10, $0x2;
	s21 =	sadd.s32 s5, s11  }
0x25: {  	s25 =	sshrl.u32 s23, $0x2;
	s23 =	sadd.s32 s0, s11;
	s0 =	simm.s32 $0x1  }
0x26: {  	s5 =	simm.s32 $0x0;
	s19 =	sadd.s32 s4, s11;
	s22 =	sadd.s32 s25, s11  }
0x27: {  	v0 =	vimm.f32 $0.0e+00;
	s25 =	sadd.s32 s3, s11;
	s3 =	simm.s32 $0x50;
	s4 =	simm.s32 $0x2  }
.LBB2_1:
0x28: {  	s6 =	simm.s32 $0x40;
	s7 =	simm.s32 $0x0  }
.LBB2_2:
0x29: {  	p1 =	sne.s32 s6, $0x13C0;
	[tilespmem:s7+$0x2C10] =	vst v0;
	s7 =	smov.u32 s6;
	s6 =	sadd.s32 $0x40, s6  }
.Ltmp0:
0x2a: {  	(pc) =	sbr.rel @p1 .LBB2_2-.Ltmp0, $2  }
0x2b: {  	_ =	sdelay $0x2  }
0x2c: {  	s7 =	sshra.s32 s7, $0x2  }
0x2d: {  	[tilespmem:s7+$0x2C10] =	vst v0  }
0x2e: {  	[spmem:s15] =	stream.linear.scatter [tilespmem:s9], [sflag:$0x1], $0x500, $0x38;
	[tilespmem:$0x5820] =	vst v63  }
0x2f: {  	_ =	swait.ge [sflag:s0], $0x500  }
0x30: {  	[sflag:s0] =	ssyncset.done $0x0  }
0x31: {  	[sflag:s0] =	ssyncadd.s32 $0xFFFFFB00  }
0x32: {  	[spmem:s16] =	stream.linear.scatter [tilespmem:s9], [sflag:$0x1], $0x500, $0x38;
	[tilespmem:$0x5820] =	vst v63  }
0x33: {  	_ =	swait.ge [sflag:s0], $0x500  }
0x34: {  	[sflag:s0] =	ssyncset.done $0x0  }
0x35: {  	[sflag:s0] =	ssyncadd.s32 $0xFFFFFB00  }
0x36: {  	[spmem:s17] =	stream.linear.scatter [tilespmem:s9], [sflag:$0x1], $0x500, $0x38;
	[tilespmem:$0x5820] =	vst v63  }
0x37: {  	_ =	swait.ge [sflag:s0], $0x500  }
0x38: {  	[sflag:s0] =	ssyncset.done $0x0  }
0x39: {  	[sflag:s0] =	ssyncadd.s32 $0xFFFFFB00  }
0x3a: {  	[spmem:s18] =	stream.linear.scatter [tilespmem:s9], [sflag:$0x1], $0x500, $0x38;
	[tilespmem:$0x5820] =	vst v63  }
0x3b: {  	_ =	swait.ge [sflag:s0], $0x500  }
0x3c: {  	[sflag:s0] =	ssyncset.done $0x0  }
0x3d: {  	[sflag:s0] =	ssyncadd.s32 $0xFFFFFB00  }
0x3e: {  	[spmem:s19] =	stream.linear.scatter [tilespmem:s9], [sflag:$0x1], $0x500, $0x38;
	[tilespmem:$0x5820] =	vst v63  }
0x3f: {  	_ =	swait.ge [sflag:s0], $0x500  }
0x40: {  	[sflag:s0] =	ssyncset.done $0x0  }
0x41: {  	[sflag:s0] =	ssyncadd.s32 $0xFFFFFB00  }
0x42: {  	[spmem:s20] =	stream.linear.scatter [tilespmem:s9], [sflag:$0x1], $0x500, $0x38;
	[tilespmem:$0x5820] =	vst v63  }
0x43: {  	_ =	swait.ge [sflag:s0], $0x500  }
0x44: {  	[sflag:s0] =	ssyncset.done $0x0  }
0x45: {  	[sflag:s0] =	ssyncadd.s32 $0xFFFFFB00  }
0x46: {  	[spmem:s21] =	stream.linear.scatter [tilespmem:s9], [sflag:$0x1], $0x500, $0x38;
	[tilespmem:$0x5820] =	vst v63  }
0x47: {  	_ =	swait.ge [sflag:s0], $0x500  }
0x48: {  	[sflag:s0] =	ssyncset.done $0x0  }
0x49: {  	s6 =	simm.s32 @!p0 $0x2C10;
	[sflag:s0] =	ssyncadd.s32 $0xFFFFFB00  }
0x4a: {  	[spmem:s22] =	stream.linear.scatter @!p0 [tilespmem:s6], [sflag:$0x1], $0x500, $0x38;
	[tilespmem:$0x5820] =	vst v63  }
0x4b: {  	s6 =	simm.s32 @!p0 $0x1  }
0x4c: {  	_ =	swait.ge @!p0 [sflag:s6], $0x500  }
0x4d: {  	[sflag:s6] =	ssyncset.done @!p0 $0x0  }
0x4e: {  	[sflag:s6] =	ssyncadd.s32 @!p0 $0xFFFFFB00  }
0x4f: {  	[bflag:$0x0] =	sbarrier.arrive $0xFFFF  }
0x50: {  	s8 =	simm.s32 $0x0;
	s10 =	rddreg [dreg:$0xd]  }
0x51: {  	[tilespmem:s8], [sflag:$0x1] =	stream.linear.gather [hbm4b:s10+s8], $0x2710, $0x38;
	[tilespmem:$0x5820] =	vst v63  }
0x52: {  	_ =	swait.ge [sflag:s0], $0x2710  }
0x53: {  	[sflag:s0] =	ssyncset.done $0x0  }
0x54: {  	s13 =	sadd.s32 $0x0, s12;
	[sflag:s0] =	ssyncadd.s32 $0xFFFFD8F0  }
0x55: {  	[tilespmem:s2], [sflag:$0x1] =	stream.linear.gather [hbm4b:s13+s1], $0x500, $0x38;
	[tilespmem:$0x5820] =	vst v63  }
0x56: {  	_ =	swait.ge [sflag:s0], $0x500  }
0x57: {  	[sflag:s0] =	ssyncset.done $0x0  }
0x58: {  	[sflag:s0] =	ssyncadd.s32 $0xFFFFFB00  }
0x59: {  	[spmem:s11] =	stream.indirect.scatter.add.f32 [tilespmem:s2], [sflag:$0x1], $0x10, s8, s3, $0xb8;
	[tilespmem:$0x5820] =	vst v63  }
0x5a: {  	s7 =	simm.s32 $0xA0;
	_ =	swait.ge [sflag:s0], $0x500  }
0x5b: {  	s6 =	simm.s32 $0x50;
	s8 =	simm.s32 $0x140;
	[sflag:s0] =	ssyncset.done $0x0  }
.LBB2_4:
0x5c: {  	s10 =	sadd.s32 s7, s12  }
0x5d: {  	[sflag:s0] =	ssyncadd.s32 $0xFFFFFB00;
	s7 =	smov.u32 s8;
	s13 =	sadd.s32 $0xA0, s8  }
0x5e: {  	[tilespmem:s2], [sflag:$0x1] =	stream.linear.gather [hbm4b:s10+s1], $0x500, $0x38;
	[tilespmem:$0x5820] =	vst v63  }
0x5f: {  	p1 =	sne.s32 s8, $0x4D80;
	_ =	swait.ge [sflag:s0], $0x500  }
.Ltmp1:
0x60: {  	[sflag:s0] =	ssyncset.done $0x0;
	(pc) =	sbr.rel @p1 .LBB2_4-.Ltmp1, $4  }
0x61: {  	[sflag:s0] =	ssyncadd.s32 $0xFFFFFB00  }
0x62: {  	[spmem:s11] =	stream.indirect.scatter.add.f32 [tilespmem:s2], [sflag:$0x1], $0x10, s6, s3, $0xb8;
	[tilespmem:$0x5820] =	vst v63  }
0x63: {  	_ =	swait.ge [sflag:s0], $0x500  }
0x64: {  	s8 =	smov.u32 s13;
	s6 =	sadd.s32 $0x50, s6;
	[sflag:s0] =	ssyncset.done $0x0  }
0x65: {  	s7 =	sadd.s32 s7, s12;
	[sflag:s0] =	ssyncadd.s32 $0xFFFFFB00  }
0x66: {  	[tilespmem:s2], [sflag:$0x1] =	stream.linear.gather [hbm4b:s7+s1], $0x500, $0x38;
	[tilespmem:$0x5820] =	vst v63  }
0x67: {  	_ =	swait.ge [sflag:s0], $0x500  }
0x68: {  	[sflag:s0] =	ssyncset.done $0x0  }
0x69: {  	[sflag:s0] =	ssyncadd.s32 $0xFFFFFB00  }
0x6a: {  	[spmem:s11] =	stream.indirect.scatter.add.f32 [tilespmem:s2], [sflag:$0x1], $0x10, s6, s3, $0xb8;
	[tilespmem:$0x5820] =	vst v63  }
0x6b: {  	_ =	swait.ge [sflag:s0], $0x500  }
0x6c: {  	[sflag:s0] =	ssyncset.done $0x0  }
0x6d: {  	[sflag:s0] =	ssyncadd.s32 $0xFFFFFB00  }
0x6e: {  	[bflag:$0x0] =	sbarrier.arrive $0xFFFF  }
0x6f: {  	[tilespmem:s9], [sflag:$0x2] =	stream.linear.gather [spmem:s23], $0x500, $0x38;
	[tilespmem:$0x5820] =	vst v63  }
0x70: {  	_ =	swait.ge [sflag:s4], $0x500  }
0x71: {  	[sflag:s4] =	ssyncset.done $0x0  }
0x72: {  	s8 =	rddreg [dreg:$0x5];
	[sflag:s4] =	ssyncadd.s32 $0xFFFFFB00  }
0x73: {  	[hbm4b:s8+s1] =	stream.linear.scatter [tilespmem:s9], [sflag:$0x1], $0x500, $0x38;
	[tilespmem:$0x5820] =	vst v63  }
0x74: {  	_ =	swait.ge [sflag:s0], $0x500  }
0x75: {  	[sflag:s0] =	ssyncset.done $0x0  }
0x76: {  	[sflag:s0] =	ssyncadd.s32 $0xFFFFFB00  }
0x77: {  	[tilespmem:s9], [sflag:$0x2] =	stream.linear.gather [spmem:s24], $0x500, $0x38;
	[tilespmem:$0x5820] =	vst v63  }
0x78: {  	_ =	swait.ge [sflag:s4], $0x500  }
0x79: {  	[sflag:s4] =	ssyncset.done $0x0  }
0x7a: {  	s10 =	rddreg [dreg:$0x6];
	[sflag:s4] =	ssyncadd.s32 $0xFFFFFB00  }
0x7b: {  	[hbm4b:s10+s1] =	stream.linear.scatter [tilespmem:s9], [sflag:$0x1], $0x500, $0x38;
	[tilespmem:$0x5820] =	vst v63  }
0x7c: {  	_ =	swait.ge [sflag:s0], $0x500  }
0x7d: {  	[sflag:s0] =	ssyncset.done $0x0  }
0x7e: {  	[sflag:s0] =	ssyncadd.s32 $0xFFFFFB00  }
0x7f: {  	[tilespmem:s9], [sflag:$0x2] =	stream.linear.gather [spmem:s25], $0x500, $0x38;
	[tilespmem:$0x5820] =	vst v63  }
0x80: {  	_ =	swait.ge [sflag:s4], $0x500  }
0x81: {  	[sflag:s4] =	ssyncset.done $0x0  }
0x82: {  	s13 =	rddreg [dreg:$0x7];
	[sflag:s4] =	ssyncadd.s32 $0xFFFFFB00  }
0x83: {  	[hbm4b:s13+s1] =	stream.linear.scatter [tilespmem:s9], [sflag:$0x1], $0x500, $0x38;
	[tilespmem:$0x5820] =	vst v63  }
0x84: {  	_ =	swait.ge [sflag:s0], $0x500  }
0x85: {  	[sflag:s0] =	ssyncset.done $0x0  }
0x86: {  	[sflag:s0] =	ssyncadd.s32 $0xFFFFFB00  }
0x87: {  	[tilespmem:s9], [sflag:$0x2] =	stream.linear.gather [spmem:s26], $0x500, $0x38;
	[tilespmem:$0x5820] =	vst v63  }
0x88: {  	_ =	swait.ge [sflag:s4], $0x500  }
0x89: {  	[sflag:s4] =	ssyncset.done $0x0  }
0x8a: {  	s7 =	rddreg [dreg:$0x8];
	[sflag:s4] =	ssyncadd.s32 $0xFFFFFB00  }
0x8b: {  	[hbm4b:s7+s1] =	stream.linear.scatter [tilespmem:s9], [sflag:$0x1], $0x500, $0x38;
	[tilespmem:$0x5820] =	vst v63  }
0x8c: {  	_ =	swait.ge [sflag:s0], $0x500  }
0x8d: {  	[sflag:s0] =	ssyncset.done $0x0  }
0x8e: {  	[sflag:s0] =	ssyncadd.s32 $0xFFFFFB00  }
0x8f: {  	[tilespmem:s9], [sflag:$0x2] =	stream.linear.gather [spmem:s28], $0x500, $0x38;
	[tilespmem:$0x5820] =	vst v63  }
0x90: {  	_ =	swait.ge [sflag:s4], $0x500  }
0x91: {  	[sflag:s4] =	ssyncset.done $0x0  }
0x92: {  	s8 =	rddreg [dreg:$0x9];
	[sflag:s4] =	ssyncadd.s32 $0xFFFFFB00  }
0x93: {  	[hbm4b:s8+s1] =	stream.linear.scatter [tilespmem:s9], [sflag:$0x1], $0x500, $0x38;
	[tilespmem:$0x5820] =	vst v63  }
0x94: {  	_ =	swait.ge [sflag:s0], $0x500  }
0x95: {  	[sflag:s0] =	ssyncset.done $0x0  }
0x96: {  	[sflag:s0] =	ssyncadd.s32 $0xFFFFFB00  }
0x97: {  	[tilespmem:s9], [sflag:$0x2] =	stream.linear.gather [spmem:s29], $0x500, $0x38;
	[tilespmem:$0x5820] =	vst v63  }
0x98: {  	_ =	swait.ge [sflag:s4], $0x500  }
0x99: {  	[sflag:s4] =	ssyncset.done $0x0  }
0x9a: {  	s10 =	rddreg [dreg:$0xa];
	[sflag:s4] =	ssyncadd.s32 $0xFFFFFB00  }
0x9b: {  	[hbm4b:s10+s1] =	stream.linear.scatter [tilespmem:s9], [sflag:$0x1], $0x500, $0x38;
	[tilespmem:$0x5820] =	vst v63  }
0x9c: {  	_ =	swait.ge [sflag:s0], $0x500  }
0x9d: {  	[sflag:s0] =	ssyncset.done $0x0  }
0x9e: {  	[sflag:s0] =	ssyncadd.s32 $0xFFFFFB00  }
0x9f: {  	[tilespmem:s9], [sflag:$0x2] =	stream.linear.gather [spmem:s30], $0x500, $0x38;
	[tilespmem:$0x5820] =	vst v63  }
0xa0: {  	_ =	swait.ge [sflag:s4], $0x500  }
0xa1: {  	[sflag:s4] =	ssyncset.done $0x0  }
0xa2: {  	s13 =	rddreg [dreg:$0xb];
	[sflag:s4] =	ssyncadd.s32 $0xFFFFFB00  }
0xa3: {  	[hbm4b:s13+s1] =	stream.linear.scatter [tilespmem:s9], [sflag:$0x1], $0x500, $0x38;
	[tilespmem:$0x5820] =	vst v63  }
0xa4: {  	_ =	swait.ge [sflag:s0], $0x500  }
0xa5: {  	[sflag:s0] =	ssyncset.done $0x0  }
0xa6: {  	s6 =	simm.s32 @!p0 $0x2C10;
	s7 =	simm.s32 @!p0 $0x2;
	[sflag:s0] =	ssyncadd.s32 $0xFFFFFB00  }
0xa7: {  	[tilespmem:s6], [sflag:$0x2] =	stream.linear.gather @!p0 [spmem:s31], $0x500, $0x38;
	[tilespmem:$0x5820] =	vst v63  }
0xa8: {  	s5 =	sadd.s32 $0x1, s5;
	_ =	swait.ge @!p0 [sflag:s7], $0x500  }
0xa9: {  	p1 =	sne.s32 s5, s14;
	[sflag:s7] =	ssyncset.done @!p0 $0x0  }
0xaa: {  	s8 =	rddreg [dreg:$0xc];
	[sflag:s7] =	ssyncadd.s32 @!p0 $0xFFFFFB00;
	s7 =	simm.s32 @!p0 $0x0  }
0xab: {  	[hbm4b:s8+s7] =	stream.linear.scatter @!p0 [tilespmem:s6], [sflag:$0x1], $0x500, $0x38;
	[tilespmem:$0x5820] =	vst v63  }
.Ltmp2:
0xac: {  	_ = 	snop;
	(pc) =	sbr.rel @p1 .LBB2_1-.Ltmp2, $4  }
0xad: {  	s6 =	simm.s32 @!p0 $0x1  }
0xae: {  	_ =	swait.ge @!p0 [sflag:s6], $0x500  }
0xaf: {  	[sflag:s6] =	ssyncset.done @!p0 $0x0  }
0xb0: {  	[sflag:s6] =	ssyncadd.s32 @!p0 $0xFFFFFB00  }
0xb1: {  	_ =	sfence.sel $0x180000  }
0xb2: {  	[bflag:$0x0] =	sbarrier.arrive $0xFFFF  }
0xb3: {  	_ =	strace $0x9000004A  }
0xb4: {  	s0 =	stileid.u32;
	[bflag:$0x2] =	sbarrier.arrive $0xFFFF  }
0xb5: {  	p0 =	sne.s32 s0, $0x0;
	s0 =	rddreg [dreg:$0x4]  }
0xb6: {  	s0 =	sadd.s32 @!p0 $0x100000, s0  }
0xb7: {  	[sflag:s0] =	ssyncadd.tile.s32 @!p0 $0x1;
	_ =	shalt  }
.Lfunc_end2:
_tile_overlayer_lowered:
.L_overlay_start_2:
0xb8: {  	(tag) =	ssettag $0x2  }
0xb9: {  	s0 =	rddreg [dreg:$0x0];
	s2 =	stileid.u32  }
0xba: {  	s1 =	rddreg [dreg:$0x1];
	p0 =	sne.s32 s2, $0x0  }
0xbb: {  	s3 =	rddreg [dreg:$0x2];
	[bflag:$0x3] =	sbarrier.arrive $0xFFFF;
	s2 =	simm.s32 @!p0 $0x1C01  }
0xbc: {  	[timem:s3], [sflag:s2] =	dma.local @!p0 [hbm:s0], s1  }
0xbd: {  	s0 =	simm.s32 @!p0 $0x1  }
0xbe: {  	_ =	swait.ge @!p0 [sflag:s0], s1  }
0xbf: {  	s1 =	ssub.s32 @!p0 $0x0, s1;
	[sflag:s0] =	ssyncset.done @!p0 $0x0  }
0xc0: {  	[sflag:s0] =	ssyncadd.s32 @!p0 s1  }
0xc1: {  	[bflag:$0x3] =	sbarrier.arrive $0xFFFF  }
0xc2: {  	_ =	shalt  }

// kernel: kernel.21.cloned.1.call-start
scs
__scs_entry_jumppad:
0x0: {  	(pc) =	sbr.rel $0x88, $3  }
0x1: {  	(tag) =	ssettag $0x0;
	lr =	simm.s32 $0x1  }
0x2: {  	[smem:$0x3F79] =	sst lr;
	_ =	strace $0xD0000000  }
0x3: {  	_ = 	snop  }
0x4: {  	_ = 	snop  }
0x5: {  	_ = 	snop  }
0x6: {  	_ = 	snop  }
0x7: {  	_ = 	snop  }
__scs_overlays_trampoline_lowered:
0x8: {  	[smem:$0x3F88] =	sst s0  }
0x9: {  	[smem:$0x3F89] =	sst s1  }
0xa: {  	[smem:$0x3F8A] =	sst s2  }
0xb: {  	[smem:$0x3F8B] =	sst s3  }
0xc: {  	[smem:$0x3F8C] =	sst s4  }
0xd: {  	[smem:$0x3F8D] =	sst s5  }
0xe: {  	[smem:$0x3F8E] =	sst s6  }
0xf: {  	[smem:$0x3F8F] =	sst s7  }
0x10: {  	[smem:$0x3F90] =	sst s8  }
0x11: {  	[smem:$0x3F91] =	sst s9;
	s0 =	simm.s32 @!p0 $0x0  }
0x12: {  	s1 =	sld [smem:$0x3F77];
	s0 =	simm.s32 @p0 $0x1  }
0x13: {  	[smem:$0x3F92] =	sst s0;
	s0 =	simm.s32 @!p1 $0x0  }
0x14: {  	s2 =	sld [smem:$0x3F76];
	s0 =	simm.s32 @p1 $0x1  }
0x15: {  	[smem:$0x3F93] =	sst s0;
	s0 =	simm.s32 @!p2 $0x0  }
0x16: {  	s3 =	sld [smem:$0x3FDB];
	s0 =	simm.s32 @p2 $0x1  }
0x17: {  	s4 =	simm.s32 $0x1BF5;
	[smem:$0x3F95] =	sst s0  }
0x18: {  	s0 =	sld [smem:$0x3F78];
	_ =	swait.ge [sflag:s4], $0x0  }
0x19: {  	s7 =	sld [smem:$0x3F79]  }
0x1a: {  	s8 =	sadd.s32 $0xFFFFE003, lr  }
0x1b: {  	s9 =	sadd.s32 $0xFFFFFEF7, lr;
	s5 =	simm.s32 $0xFFFFFFFF;
	p2 =	slt.u32 s8, $0xFFFFF086  }
0x1c: {  	p1 =	slt.u32 s9, $0xF7A;
	s5 =	simm.s32 @!p2 $0x0  }
0x1d: {  	s5 =	simm.s32 @p1 $0x1;
	p0 =	seq.s32 s7, s2  }
0x1e: {  	s7 =	smul.u32 @!p0 $0xF7A, s2;
	p2 =	seq.s32 @!p0 s5, $0x0  }
0x1f: {  	s9 =	smul.u32 $0xF7A, s1;
	s8 =	simm.s32 @!p0 $0x1BF5;
	p2 =	por !p2, p0  }
0x20: {  	[sflag:s8] =	ssyncset.s32 @!p0 $0xFFFFF086;
	s6 =	sadd.s32 @!p0 s3, s7;
	s7 =	simm.s32 @!p0 $0x108  }
0x21: {  	s3 =	sadd.s32 s3, s9;
	s6 =	sadd.s32 @!p0 $0x88, s6;
	s7 =	simm.s32 @p2 $0x1082  }
0x22: {  	[simem:s7], [sflag:s8] =	dma.local @!p0 [hbm:s6], $0xF7A  }
0x23: {  	s9 =	sor.u32 $0xD0000000, s2;
	s6 =	simm.s32 $0x108;
	_ =	swait.ge @!p0 [sflag:s8], $0x0  }
0x24: {  	s3 =	sadd.s32 $0x88, s3;
	s6 =	simm.s32 @!p1 $0x1082;
	[sflag:s4] =	ssyncset.s32 $0xFFFFF086  }
0x25: {  	[simem:s6], [sflag:s4] =	dma.local [hbm:s3], $0xF7A  }
0x26: {  	[smem:$0x3F79] =	sst s1;
	(tag) =	ssettag s2;
	_ =	strace s9  }
0x27: {  	s1 =	sld [smem:$0x3F89]  }
0x28: {  	s2 =	sld [smem:$0x3F8A]  }
0x29: {  	s4 =	sld [smem:$0x3F8C]  }
0x2a: {  	p0 =	seq.s32 s5, $0x0;
	s5 =	sld [smem:$0x3F8D]  }
0x2b: {  	s6 =	sld [smem:$0x3F8E]  }
0x2c: {  	s7 =	sld [smem:$0x3F8F]  }
0x2d: {  	s3 =	simm.s32 $0x108;
	s8 =	sld [smem:$0x3F90]  }
0x2e: {  	s3 =	simm.s32 @!p0 $0x1082;
	s9 =	sld [smem:$0x3F91]  }
0x2f: {  	lr =	sadd.s32 s0, s3;
	s0 =	sld [smem:$0x3F88]  }
0x30: {  	s3 =	sld [smem:$0x3F8B]  }
0x31: {  	[smem:$0x3F94] =	sst s10  }
0x32: {  	s10 =	sld [smem:$0x3F92];
	_ =	sdelay $0x3  }
0x33: {  	p0 =	seq.s32 s10, $0x1;
	s10 =	sld [smem:$0x3F94];
	_ =	sdelay $0x3  }
0x34: {  	[smem:$0x3F94] =	sst s10  }
0x35: {  	s10 =	sld [smem:$0x3F93];
	_ =	sdelay $0x3  }
0x36: {  	p1 =	seq.s32 s10, $0x1;
	s10 =	sld [smem:$0x3F94];
	_ =	sdelay $0x3  }
0x37: {  	[smem:$0x3F94] =	sst s10  }
0x38: {  	s10 =	sld [smem:$0x3F95]  }
0x39: {  	_ = 	snop;
	(pc) =	sbr.ind lr, $3  }
0x3a: {  	_ = 	snop  }
0x3b: {  	_ = 	snop  }
0x3c: {  	p2 =	seq.s32 s10, $0x1;
	s10 =	sld [smem:$0x3F94]  }
0x3d: {  	_ =	shalt  }
0x3e: {  	_ =	shalt  }
0x3f: {  	_ =	shalt  }
0x40: {  	_ =	shalt  }
0x41: {  	_ =	shalt  }
0x42: {  	_ =	shalt  }
0x43: {  	_ =	shalt  }
0x44: {  	_ =	shalt  }
0x45: {  	_ =	shalt  }
0x46: {  	_ =	shalt  }
0x47: {  	_ =	shalt  }
0x48: {  	_ =	shalt  }
0x49: {  	_ =	shalt  }
0x4a: {  	_ =	shalt  }
0x4b: {  	_ =	shalt  }
0x4c: {  	_ =	shalt  }
0x4d: {  	_ =	shalt  }
0x4e: {  	_ =	shalt  }
0x4f: {  	_ =	shalt  }
0x50: {  	_ =	shalt  }
0x51: {  	_ =	shalt  }
0x52: {  	_ =	shalt  }
0x53: {  	_ =	shalt  }
0x54: {  	_ =	shalt  }
0x55: {  	_ =	shalt  }
0x56: {  	_ =	shalt  }
0x57: {  	_ =	shalt  }
0x58: {  	_ =	shalt  }
0x59: {  	_ =	shalt  }
0x5a: {  	_ =	shalt  }
0x5b: {  	_ =	shalt  }
0x5c: {  	_ =	shalt  }
0x5d: {  	_ =	shalt  }
0x5e: {  	_ =	shalt  }
0x5f: {  	_ =	shalt  }
0x60: {  	_ =	shalt  }
0x61: {  	_ =	shalt  }
0x62: {  	_ =	shalt  }
0x63: {  	_ =	shalt  }
0x64: {  	_ =	shalt  }
0x65: {  	_ =	shalt  }
0x66: {  	_ =	shalt  }
0x67: {  	_ =	shalt  }
0x68: {  	_ =	shalt  }
0x69: {  	_ =	shalt  }
0x6a: {  	_ =	shalt  }
0x6b: {  	_ =	shalt  }
0x6c: {  	_ =	shalt  }
0x6d: {  	_ =	shalt  }
0x6e: {  	_ =	shalt  }
0x6f: {  	_ =	shalt  }
0x70: {  	_ =	shalt  }
0x71: {  	_ =	shalt  }
0x72: {  	_ =	shalt  }
0x73: {  	_ =	shalt  }
0x74: {  	_ =	shalt  }
0x75: {  	_ =	shalt  }
0x76: {  	_ =	shalt  }
0x77: {  	_ =	shalt  }
0x78: {  	_ =	shalt  }
0x79: {  	_ =	shalt  }
0x7a: {  	_ =	shalt  }
0x7b: {  	_ =	shalt  }
0x7c: {  	_ =	shalt  }
0x7d: {  	_ =	shalt  }
0x7e: {  	_ =	shalt  }
0x7f: {  	_ =	shalt  }
0x80: {  	_ =	shalt  }
0x81: {  	_ =	shalt  }
0x82: {  	_ =	shalt  }
0x83: {  	_ =	shalt  }
0x84: {  	_ =	shalt  }
0x85: {  	_ =	shalt  }
0x86: {  	_ =	shalt  }
0x87: {  	_ =	shalt  }
.Lfunc_end0:
.L_simem_size_0:
called_computation.2_lowered:
.L_overlay_start_0:
0x88: {  	s2 =	sld [smem:$0x3FD9]  }
0x89: {  	s3 =	sld [smem:$0x3FFE];
	_ =	sdelay $0x1  }
0x8a: {  	s1 =	srdreg.scid  }
0x8b: {  	s0 =	sand.u32 $0x1, s1  }
0x8c: {  	s14 =	sshll.u32 s0, $0xA;
	s2 =	sadd.s32 s3, s2  }
0x8d: {  	s2 =	sadd.s32 s2, s14  }
0x8e: {  	[smem:$0x3FA0] =	sst s2  }
0x8f: {  	_ = 	snop  }
0x90: {  	s2 =	sld [smem:$0x3FD0];
	_ =	sdelay $0x2  }
0x91: {  	s15 =	simm.s32 $0xA;
	s4 =	simm.s32 $0x10  }
0x92: {  	[smem:s4], [sflag:s15] =	dma.local [hbm:s2], $0x1  }
0x93: {  	_ =	swait.eq [sflag:s15], $0x1  }
0x94: {  	[sflag:s15] =	ssyncset.done $0x0  }
0x95: {  	[sflag:s15] =	ssyncadd.s32 $0xFFFFFFFF  }
0x96: {  	s16 =	sld [smem:$0x11];
	(tm) =	ssettm $0x1  }
0x97: {  	s17 =	sld [smem:$0x3FFB];
	_ =	sdelay $0x3  }
0x98: {  	_ =	strace s17  }
0x99: {  	s3 =	sld [smem:$0x3FFC];
	_ =	sdelay $0x3  }
0x9a: {  	_ =	strace s3  }
0x9b: {  	s3 =	sld [smem:$0x3FFD];
	_ =	sdelay $0x3  }
0x9c: {  	_ =	strace s3  }
0x9d: {  	_ =	strace $0x8FFFFFFF  }
0x9e: {  	s18 =	sld [smem:$0x3FDB];
	_ =	sdelay $0x1  }
0x9f: {  	s19 =	simm.s32 $_scs_section_size  }
0xa0: {  	s5 =	simm.s32 $_size__tile_overlayer_lowered;
	s6 =	simm.s32 $_tile_overlayer_lowered  }
0xa1: {  	s22 =	simm.s32 $0x1BFF;
	s21 =	sshll.u32 s6, $0x1;
	s3 =	sadd.s32 s19, s18  }
0xa2: {  	s7 =	simm.s32 $0x0;
	s20 =	sshll.u32 s5, $0x1;
	s5 =	sadd.s32 s21, s3  }
0xa3: {  	[timem:s7], [sflag:s22] =	dma.local [hbm:s5], s20  }
0xa4: {  	_ =	swait.ge [sflag:s22], s20  }
0xa5: {  	s4 =	ssub.s32 $0x0, s20;
	[sflag:s22] =	ssyncset.done $0x0  }
0xa6: {  	[sflag:s22] =	ssyncadd.s32 s4;
	_ =	sdelay $0x1  }
0xa7: {  	s23 =	simm.s32 $0x1B8B  }
0xa8: {  	_ =	swait.ge [sflag:s23], $0x1  }
0xa9: {  	[sflag:s23] =	ssyncset.done $0x0  }
0xaa: {  	s25 =	simm.s32 $0x1B8E;
	s24 =	sld [smem:$0x3FFE];
	[sflag:s23] =	ssyncadd.s32 $0xFFFFFFFF  }
0xab: {  	s26 =	simm.s32 $execute0_lowered;
	[smem:$0x3FD2] =	sst s25  }
0xac: {  	s5 =	sshll.u32 s26, $0x1;
	_ =	strace $0x8000004C;
	[dreg:$0x1] =	wrdreg $0xFFFFFFFF  }
0xad: {  	s28 =	simm.s32 $_size_execute0_lowered;
	s3 =	sadd.s32 s3, s5;
	[dreg:$0x0] =	wrdreg $0x0  }
0xae: {  	s5 =	sshll.u32 s28, $0x1;
	[dreg:$0x2] =	wrdreg s3  }
0xaf: {  	[dreg:$0x3] =	wrdreg s5  }
0xb0: {  	[dreg:$0x4] =	wrdreg $0xC0  }
0xb1: {  	_ =	task [dreg:s7], $0x5FFFF  }
0xb2: {  	[dreg:$0x1] =	wrdreg $0xFFFFFFFF  }
0xb3: {  	[dreg:$0x0] =	wrdreg $0x60  }
0xb4: {  	[dreg:$0x2] =	wrdreg s16  }
0xb5: {  	[dreg:$0x3] =	wrdreg s24  }
0xb6: {  	[dreg:$0x4] =	wrdreg $0x9  }
0xb7: {  	_ =	task.clear_ibuf [dreg:s7], $0x5FFFF;
	_ =	strace $0x9000004C  }
0xb8: {  	s29 =	simm.s32 $0x9;
	_ =	strace $0x8000004E  }
0xb9: {  	_ =	swait.ge [sflag:s29], $0x1  }
0xba: {  	[sflag:s29] =	ssyncadd.s32 $0xFFFFFFFF  }
0xbb: {  	_ =	strace $0x9000004E  }
0xbc: {  	_ =	sfence  }
0xbd: {  	s30 =	sld [smem:$0x0];
	_ =	sdelay $0x2  }
0xbe: {  	s31 =	sshll.u32 s1, $0xD;
	s1 =	sshrl.u32 s1, $0x2  }
0xbf: {  	s3 =	sand.u32 $0x4000, s31;
	s1 =	sadd.s32 s1, s30  }
0xc0: {  	s0 =	sor.u32 s3, s0;
	s1 =	sshll.u32 s1, $0x11  }
0xc1: {  	s0 =	sor.u32 s1, s0  }
0xc2: {  	s0 =	sadd.s32 $0x8F2B, s0  }
0xc3: {  	[sflag:s0] =	ssyncadd.remote.s32 $0x1  }
0xc4: {  	_ =	sfence.sel $0xFFFF  }
0xc5: {  	[dreg:$0x0] =	wrdreg $0xFFFFFFFF;
	(pc) =	sbr.abs _section_cstart, $3  }
0xc6: {  	[dreg:$0x1] =	wrdreg $0xFFFFFFFF  }
0xc7: {  	_ =	task.clear_ibuf [dreg:s7], $0x2FFFF;
	_ =	strace $0x9FFFFFFF  }
0xc8: {  	(tm) =	ssettm $0x7FFFFFFF  }
0xc9: {  	_ =	shalt  }
tec
execute0_lowered:
.L_overlay_start_1:
0x0: {  	(tag) =	ssettag $0x1  }
0x1: {  	s2 =	rddreg [dreg:$0x0]  }
0x2: {  	s5 =	rddreg [dreg:$0x1]  }
0x3: {  	s0 =	rddreg [dreg:$0x2]  }
0x4: {  	s4 =	srdreg.scid;
	s1 =	stileid.u32;
	s3 =	simm.s32 $0x0  }
0x5: {  	s12 =	simm.s32 $0x4E20;
	s13 =	simm.s32 $0x1;
	s14 =	simm.s32 $0x2  }
0x6: {  	s15 =	simm.s32 $0x0;
	s6 =	sand.u32 $0x1, s4;
	s26 =	sshll.u32 s1, $0x1  }
0x7: {  	[smem:$0x7FF] =	sst s3;
	s8 =	smul.u32 $0x27100, s1;
	s4 =	sor.u32 s6, s26  }
0x8: {  	_ =	strace $0x8000004D;
	s9 =	ssub.s32 $0x2, s6;
	s11 =	smul.u32 $0x13880, s6  }
0x9: {  	s7 =	smul.u32 $0x2710, s4;
	s10 =	sshrl.u32 s9, $0x1;
	s29 =	sadd.s32 s8, s5  }
0xa: {  	s4 =	sadd.s32 $0x21000, s5;
	s30 =	ssub.s32 s9, s10;
	s31 =	sadd.s32 s11, s29  }
0xb: {  	s9 =	simm.s32 $0x3;
	s10 =	simm.s32 $0x2710;
	s7 =	sshrl.u32 s7, $0x3  }
0xc: {  	s11 =	simm.s32 $0x50;
	s8 =	sadd.s32 $0x34A00, s31;
	s28 =	sadd.s32 s7, s5  }
0xd: {  	s7 =	smax.u32 s30, $0x1;
	s5 =	sadd.s32 $0xD400, s28;
	s6 =	sadd.s32 $0x17200, s28  }
.LBB2_1:
0xe: {  	[tilespmem:s3], [sflag:$0x3] =	stream.linear.gather [hbm4b:s5+s3], $0x2710, $0x38;
	[tilespmem:$0x6220] =	vst v63  }
0xf: {  	_ =	swait.ge [sflag:s9], $0x2710  }
0x10: {  	[sflag:s9] =	ssyncset.done $0x0  }
0x11: {  	[sflag:s9] =	ssyncadd.s32 $0xFFFFD8F0  }
0x12: {  	[tilespmem:s10], [sflag:$0x3] =	stream.linear.gather [hbm4b:s6+s3], $0x2710, $0x38;
	[tilespmem:$0x6220] =	vst v63  }
0x13: {  	_ =	swait.ge [sflag:s9], $0x2710  }
0x14: {  	[sflag:s9] =	ssyncset.done $0x0  }
0x15: {  	s16 =	simm.s32 $0x0;
	[sflag:s9] =	ssyncadd.s32 $0xFFFFD8F0  }
0x16: {  	[tilespmem:s12], [sflag:$0x1] =	stream.indirect.gather [hbm4b:s2+s11], $0x40, s16, s11, $0xb8;
	[tilespmem:$0x6220] =	vst v63  }
0x17: {  	_ =	swait.ge [sflag:s13], $0x1400  }
0x18: {  	[sflag:s13] =	ssyncset.done $0x0  }
0x19: {  	s31 =	simm.s32 $0x2710;
	[sflag:s13] =	ssyncadd.s32 $0xFFFFEC00  }
0x1a: {  	[tilespmem:s12], [sflag:$0x2] =	stream.indirect.gather.add.f32 [hbm:s4], $0x40, s31, s11, $0xb8;
	[tilespmem:$0x6220] =	vst v63  }
0x1b: {  	_ =	swait.ge [sflag:s14], $0x1400  }
0x1c: {  	[sflag:s14] =	ssyncset.done $0x0  }
0x1d: {  	[sflag:s14] =	ssyncadd.s32 $0xFFFFEC00  }
0x1e: {  	[hbm4b:s8+s3] =	stream.linear.scatter [tilespmem:s12], [sflag:$0x3], $0x1400, $0x38;
	[tilespmem:$0x6220] =	vst v63  }
0x1f: {  	s17 =	simm.s32 $0x140;
	_ =	swait.ge [sflag:s9], $0x1400  }
0x20: {  	s18 =	simm.s32 $0x280;
	s16 =	sadd.s32 $0x280, s8;
	[sflag:s9] =	ssyncset.done $0x0  }
.LBB2_2:
0x21: {  	s19 =	sshra.s32 s17, $0x2  }
0x22: {  	[sflag:s9] =	ssyncadd.s32 $0xFFFFEC00;
	s17 =	smov.u32 s18;
	s20 =	sadd.s32 $0x140, s18  }
0x23: {  	[tilespmem:s12], [sflag:$0x1] =	stream.indirect.gather [hbm4b:s2+s11], $0x40, s19, s11, $0xb8;
	[tilespmem:$0x6220] =	vst v63  }
0x24: {  	p0 =	sne.s32 s18, $0x9B00;
	_ =	swait.ge [sflag:s13], $0x1400  }
0x25: {  	[sflag:s13] =	ssyncset.done $0x0  }
0x26: {  	s18 =	sadd.s32 $0x2710, s19;
	[sflag:s13] =	ssyncadd.s32 $0xFFFFEC00  }
0x27: {  	[tilespmem:s12], [sflag:$0x2] =	stream.indirect.gather.add.f32 [hbm:s4], $0x40, s18, s11, $0xb8;
	[tilespmem:$0x6220] =	vst v63  }
0x28: {  	_ =	swait.ge [sflag:s14], $0x1400  }
.Ltmp0:
0x29: {  	[sflag:s14] =	ssyncset.done $0x0;
	(pc) =	sbr.rel @p0 .LBB2_2-.Ltmp0, $4  }
0x2a: {  	[sflag:s14] =	ssyncadd.s32 $0xFFFFEC00  }
0x2b: {  	[hbm4b:s16+s3] =	stream.linear.scatter [tilespmem:s12], [sflag:$0x3], $0x1400, $0x38;
	[tilespmem:$0x6220] =	vst v63  }
0x2c: {  	_ =	swait.ge [sflag:s9], $0x1400  }
0x2d: {  	s18 =	smov.u32 s20;
	s16 =	sadd.s32 $0x280, s16;
	[sflag:s9] =	ssyncset.done $0x0  }
0x2e: {  	s17 =	sshra.s32 s17, $0x2;
	[sflag:s9] =	ssyncadd.s32 $0xFFFFEC00  }
0x2f: {  	[tilespmem:s12], [sflag:$0x1] =	stream.indirect.gather [hbm4b:s2+s11], $0x40, s17, s11, $0xb8;
	[tilespmem:$0x6220] =	vst v63  }
0x30: {  	_ =	swait.ge [sflag:s13], $0x1400  }
0x31: {  	[sflag:s13] =	ssyncset.done $0x0  }
0x32: {  	s17 =	sadd.s32 $0x2710, s17;
	[sflag:s13] =	ssyncadd.s32 $0xFFFFEC00  }
0x33: {  	[tilespmem:s12], [sflag:$0x2] =	stream.indirect.gather.add.f32 [hbm:s4], $0x40, s17, s11, $0xb8;
	[tilespmem:$0x6220] =	vst v63  }
0x34: {  	s15 =	sadd.s32 $0x1, s15;
	_ =	swait.ge [sflag:s14], $0x1400  }
0x35: {  	p0 =	sne.s32 s15, s7;
	[sflag:s14] =	ssyncset.done $0x0  }
.Ltmp1:
0x36: {  	[sflag:s14] =	ssyncadd.s32 $0xFFFFEC00;
	(pc) =	sbr.rel @p0 .LBB2_1-.Ltmp1, $4  }
0x37: {  	[hbm4b:s16+s3] =	stream.linear.scatter [tilespmem:s12], [sflag:$0x3], $0x1400, $0x38;
	[tilespmem:$0x6220] =	vst v63  }
0x38: {  	_ =	swait.ge [sflag:s9], $0x1400  }
0x39: {  	[sflag:s9] =	ssyncset.done $0x0  }
0x3a: {  	[sflag:s9] =	ssyncadd.s32 $0xFFFFEC00  }
0x3b: {  	_ =	sfence.sel $0x180000  }
0x3c: {  	[bflag:$0x0] =	sbarrier.arrive $0xFFFF  }
0x3d: {  	p0 =	sne.s32 s1, $0x0;
	_ =	strace $0x9000004D  }
0x3e: {  	s0 =	sadd.s32 @!p0 $0x100000, s0;
	[bflag:$0x2] =	sbarrier.arrive $0xFFFF  }
0x3f: {  	[sflag:s0] =	ssyncadd.tile.s32 @!p0 $0x1;
	_ =	shalt  }
.Lfunc_end2:
_tile_overlayer_lowered:
.L_overlay_start_2:
0x40: {  	(tag) =	ssettag $0x2  }
0x41: {  	s0 =	rddreg [dreg:$0x0];
	s2 =	stileid.u32  }
0x42: {  	s1 =	rddreg [dreg:$0x1];
	p0 =	sne.s32 s2, $0x0  }
0x43: {  	s3 =	rddreg [dreg:$0x2];
	[bflag:$0x3] =	sbarrier.arrive $0xFFFF;
	s2 =	simm.s32 @!p0 $0x1C03  }
0x44: {  	[timem:s3], [sflag:s2] =	dma.local @!p0 [hbm:s0], s1  }
0x45: {  	s0 =	simm.s32 @!p0 $0x3  }
0x46: {  	_ =	swait.ge @!p0 [sflag:s0], s1  }
0x47: {  	s1 =	ssub.s32 @!p0 $0x0, s1;
	[sflag:s0] =	ssyncset.done @!p0 $0x0  }
0x48: {  	[sflag:s0] =	ssyncadd.s32 @!p0 s1  }
0x49: {  	[bflag:$0x3] =	sbarrier.arrive $0xFFFF  }
0x4a: {  	_ =	shalt  }

// kernel: kernel.24.cloned.1.call-start
scs
__scs_entry_jumppad:
0x0: {  	(pc) =	sbr.rel $0x88, $3  }
0x1: {  	(tag) =	ssettag $0x0;
	lr =	simm.s32 $0x1  }
0x2: {  	[smem:$0x3F79] =	sst lr;
	_ =	strace $0xD0000000  }
0x3: {  	_ = 	snop  }
0x4: {  	_ = 	snop  }
0x5: {  	_ = 	snop  }
0x6: {  	_ = 	snop  }
0x7: {  	_ = 	snop  }
__scs_overlays_trampoline_lowered:
0x8: {  	[smem:$0x3F88] =	sst s0  }
0x9: {  	[smem:$0x3F89] =	sst s1  }
0xa: {  	[smem:$0x3F8A] =	sst s2  }
0xb: {  	[smem:$0x3F8B] =	sst s3  }
0xc: {  	[smem:$0x3F8C] =	sst s4  }
0xd: {  	[smem:$0x3F8D] =	sst s5  }
0xe: {  	[smem:$0x3F8E] =	sst s6  }
0xf: {  	[smem:$0x3F8F] =	sst s7  }
0x10: {  	[smem:$0x3F90] =	sst s8  }
0x11: {  	[smem:$0x3F91] =	sst s9;
	s0 =	simm.s32 @!p0 $0x0  }
0x12: {  	s1 =	sld [smem:$0x3F77];
	s0 =	simm.s32 @p0 $0x1  }
0x13: {  	[smem:$0x3F92] =	sst s0;
	s0 =	simm.s32 @!p1 $0x0  }
0x14: {  	s2 =	sld [smem:$0x3F76];
	s0 =	simm.s32 @p1 $0x1  }
0x15: {  	[smem:$0x3F93] =	sst s0;
	s0 =	simm.s32 @!p2 $0x0  }
0x16: {  	s3 =	sld [smem:$0x3FDB];
	s0 =	simm.s32 @p2 $0x1  }
0x17: {  	s4 =	simm.s32 $0x1BF5;
	[smem:$0x3F95] =	sst s0  }
0x18: {  	s0 =	sld [smem:$0x3F78];
	_ =	swait.ge [sflag:s4], $0x0  }
0x19: {  	s7 =	sld [smem:$0x3F79]  }
0x1a: {  	s8 =	sadd.s32 $0xFFFFE003, lr  }
0x1b: {  	s9 =	sadd.s32 $0xFFFFFEF7, lr;
	s5 =	simm.s32 $0xFFFFFFFF;
	p2 =	slt.u32 s8, $0xFFFFF086  }
0x1c: {  	p1 =	slt.u32 s9, $0xF7A;
	s5 =	simm.s32 @!p2 $0x0  }
0x1d: {  	s5 =	simm.s32 @p1 $0x1;
	p0 =	seq.s32 s7, s2  }
0x1e: {  	s7 =	smul.u32 @!p0 $0xF7A, s2;
	p2 =	seq.s32 @!p0 s5, $0x0  }
0x1f: {  	s9 =	smul.u32 $0xF7A, s1;
	s8 =	simm.s32 @!p0 $0x1BF5;
	p2 =	por !p2, p0  }
0x20: {  	[sflag:s8] =	ssyncset.s32 @!p0 $0xFFFFF086;
	s6 =	sadd.s32 @!p0 s3, s7;
	s7 =	simm.s32 @!p0 $0x108  }
0x21: {  	s3 =	sadd.s32 s3, s9;
	s6 =	sadd.s32 @!p0 $0x88, s6;
	s7 =	simm.s32 @p2 $0x1082  }
0x22: {  	[simem:s7], [sflag:s8] =	dma.local @!p0 [hbm:s6], $0xF7A  }
0x23: {  	s9 =	sor.u32 $0xD0000000, s2;
	s6 =	simm.s32 $0x108;
	_ =	swait.ge @!p0 [sflag:s8], $0x0  }
0x24: {  	s3 =	sadd.s32 $0x88, s3;
	s6 =	simm.s32 @!p1 $0x1082;
	[sflag:s4] =	ssyncset.s32 $0xFFFFF086  }
0x25: {  	[simem:s6], [sflag:s4] =	dma.local [hbm:s3], $0xF7A  }
0x26: {  	[smem:$0x3F79] =	sst s1;
	(tag) =	ssettag s2;
	_ =	strace s9  }
0x27: {  	s1 =	sld [smem:$0x3F89]  }
0x28: {  	s2 =	sld [smem:$0x3F8A]  }
0x29: {  	s4 =	sld [smem:$0x3F8C]  }
0x2a: {  	p0 =	seq.s32 s5, $0x0;
	s5 =	sld [smem:$0x3F8D]  }
0x2b: {  	s6 =	sld [smem:$0x3F8E]  }
0x2c: {  	s7 =	sld [smem:$0x3F8F]  }
0x2d: {  	s3 =	simm.s32 $0x108;
	s8 =	sld [smem:$0x3F90]  }
0x2e: {  	s3 =	simm.s32 @!p0 $0x1082;
	s9 =	sld [smem:$0x3F91]  }
0x2f: {  	lr =	sadd.s32 s0, s3;
	s0 =	sld [smem:$0x3F88]  }
0x30: {  	s3 =	sld [smem:$0x3F8B]  }
0x31: {  	[smem:$0x3F94] =	sst s10  }
0x32: {  	s10 =	sld [smem:$0x3F92];
	_ =	sdelay $0x3  }
0x33: {  	p0 =	seq.s32 s10, $0x1;
	s10 =	sld [smem:$0x3F94];
	_ =	sdelay $0x3  }
0x34: {  	[smem:$0x3F94] =	sst s10  }
0x35: {  	s10 =	sld [smem:$0x3F93];
	_ =	sdelay $0x3  }
0x36: {  	p1 =	seq.s32 s10, $0x1;
	s10 =	sld [smem:$0x3F94];
	_ =	sdelay $0x3  }
0x37: {  	[smem:$0x3F94] =	sst s10  }
0x38: {  	s10 =	sld [smem:$0x3F95]  }
0x39: {  	_ = 	snop;
	(pc) =	sbr.ind lr, $3  }
0x3a: {  	_ = 	snop  }
0x3b: {  	_ = 	snop  }
0x3c: {  	p2 =	seq.s32 s10, $0x1;
	s10 =	sld [smem:$0x3F94]  }
0x3d: {  	_ =	shalt  }
0x3e: {  	_ =	shalt  }
0x3f: {  	_ =	shalt  }
0x40: {  	_ =	shalt  }
0x41: {  	_ =	shalt  }
0x42: {  	_ =	shalt  }
0x43: {  	_ =	shalt  }
0x44: {  	_ =	shalt  }
0x45: {  	_ =	shalt  }
0x46: {  	_ =	shalt  }
0x47: {  	_ =	shalt  }
0x48: {  	_ =	shalt  }
0x49: {  	_ =	shalt  }
0x4a: {  	_ =	shalt  }
0x4b: {  	_ =	shalt  }
0x4c: {  	_ =	shalt  }
0x4d: {  	_ =	shalt  }
0x4e: {  	_ =	shalt  }
0x4f: {  	_ =	shalt  }
0x50: {  	_ =	shalt  }
0x51: {  	_ =	shalt  }
0x52: {  	_ =	shalt  }
0x53: {  	_ =	shalt  }
0x54: {  	_ =	shalt  }
0x55: {  	_ =	shalt  }
0x56: {  	_ =	shalt  }
0x57: {  	_ =	shalt  }
0x58: {  	_ =	shalt  }
0x59: {  	_ =	shalt  }
0x5a: {  	_ =	shalt  }
0x5b: {  	_ =	shalt  }
0x5c: {  	_ =	shalt  }
0x5d: {  	_ =	shalt  }
0x5e: {  	_ =	shalt  }
0x5f: {  	_ =	shalt  }
0x60: {  	_ =	shalt  }
0x61: {  	_ =	shalt  }
0x62: {  	_ =	shalt  }
0x63: {  	_ =	shalt  }
0x64: {  	_ =	shalt  }
0x65: {  	_ =	shalt  }
0x66: {  	_ =	shalt  }
0x67: {  	_ =	shalt  }
0x68: {  	_ =	shalt  }
0x69: {  	_ =	shalt  }
0x6a: {  	_ =	shalt  }
0x6b: {  	_ =	shalt  }
0x6c: {  	_ =	shalt  }
0x6d: {  	_ =	shalt  }
0x6e: {  	_ =	shalt  }
0x6f: {  	_ =	shalt  }
0x70: {  	_ =	shalt  }
0x71: {  	_ =	shalt  }
0x72: {  	_ =	shalt  }
0x73: {  	_ =	shalt  }
0x74: {  	_ =	shalt  }
0x75: {  	_ =	shalt  }
0x76: {  	_ =	shalt  }
0x77: {  	_ =	shalt  }
0x78: {  	_ =	shalt  }
0x79: {  	_ =	shalt  }
0x7a: {  	_ =	shalt  }
0x7b: {  	_ =	shalt  }
0x7c: {  	_ =	shalt  }
0x7d: {  	_ =	shalt  }
0x7e: {  	_ =	shalt  }
0x7f: {  	_ =	shalt  }
0x80: {  	_ =	shalt  }
0x81: {  	_ =	shalt  }
0x82: {  	_ =	shalt  }
0x83: {  	_ =	shalt  }
0x84: {  	_ =	shalt  }
0x85: {  	_ =	shalt  }
0x86: {  	_ =	shalt  }
0x87: {  	_ =	shalt  }
.Lfunc_end0:
.L_simem_size_0:
called_computation.3_lowered:
.L_overlay_start_0:
0x88: {  	s2 =	sld [smem:$0x3FD9]  }
0x89: {  	s3 =	sld [smem:$0x3FFE];
	_ =	sdelay $0x1  }
0x8a: {  	s1 =	srdreg.scid  }
0x8b: {  	s0 =	sand.u32 $0x1, s1  }
0x8c: {  	s14 =	sshll.u32 s0, $0xA;
	s2 =	sadd.s32 s3, s2  }
0x8d: {  	s2 =	sadd.s32 s2, s14  }
0x8e: {  	[smem:$0x3FA0] =	sst s2  }
0x8f: {  	_ = 	snop  }
0x90: {  	s2 =	sld [smem:$0x3FD0];
	_ =	sdelay $0x2  }
0x91: {  	s15 =	simm.s32 $0xA;
	s4 =	simm.s32 $0x10  }
0x92: {  	[smem:s4], [sflag:s15] =	dma.local [hbm:s2], $0x1  }
0x93: {  	_ =	swait.eq [sflag:s15], $0x1  }
0x94: {  	[sflag:s15] =	ssyncset.done $0x0  }
0x95: {  	[sflag:s15] =	ssyncadd.s32 $0xFFFFFFFF  }
0x96: {  	s16 =	sld [smem:$0x11];
	(tm) =	ssettm $0x1  }
0x97: {  	s17 =	sld [smem:$0x3FFB];
	_ =	sdelay $0x3  }
0x98: {  	_ =	strace s17  }
0x99: {  	s3 =	sld [smem:$0x3FFC];
	_ =	sdelay $0x3  }
0x9a: {  	_ =	strace s3  }
0x9b: {  	s3 =	sld [smem:$0x3FFD];
	_ =	sdelay $0x3  }
0x9c: {  	_ =	strace s3  }
0x9d: {  	_ =	strace $0x8FFFFFFF  }
0x9e: {  	s18 =	sld [smem:$0x3FDB];
	_ =	sdelay $0x1  }
0x9f: {  	s19 =	simm.s32 $_scs_section_size  }
0xa0: {  	s5 =	simm.s32 $_size__tile_overlayer_lowered;
	s6 =	simm.s32 $_tile_overlayer_lowered  }
0xa1: {  	s22 =	simm.s32 $0x1BFF;
	s21 =	sshll.u32 s6, $0x1;
	s3 =	sadd.s32 s19, s18  }
0xa2: {  	s7 =	simm.s32 $0x0;
	s20 =	sshll.u32 s5, $0x1;
	s5 =	sadd.s32 s21, s3  }
0xa3: {  	[timem:s7], [sflag:s22] =	dma.local [hbm:s5], s20  }
0xa4: {  	_ =	swait.ge [sflag:s22], s20  }
0xa5: {  	s4 =	ssub.s32 $0x0, s20;
	[sflag:s22] =	ssyncset.done $0x0  }
0xa6: {  	[sflag:s22] =	ssyncadd.s32 s4;
	_ =	sdelay $0x1  }
0xa7: {  	s23 =	simm.s32 $0x1B8B  }
0xa8: {  	_ =	swait.ge [sflag:s23], $0x1  }
0xa9: {  	[sflag:s23] =	ssyncset.done $0x0  }
0xaa: {  	s25 =	simm.s32 $0x1B8E;
	s24 =	sld [smem:$0x3FFE];
	[sflag:s23] =	ssyncadd.s32 $0xFFFFFFFF  }
0xab: {  	s26 =	simm.s32 $execute0_lowered;
	[smem:$0x3FD2] =	sst s25  }
0xac: {  	s5 =	sshll.u32 s26, $0x1;
	_ =	strace $0x8000004F;
	[dreg:$0x1] =	wrdreg $0xFFFFFFFF  }
0xad: {  	s28 =	simm.s32 $_size_execute0_lowered;
	s3 =	sadd.s32 s3, s5;
	[dreg:$0x0] =	wrdreg $0x0  }
0xae: {  	s5 =	sshll.u32 s28, $0x1;
	[dreg:$0x2] =	wrdreg s3  }
0xaf: {  	[dreg:$0x3] =	wrdreg s5  }
0xb0: {  	[dreg:$0x4] =	wrdreg $0xC0  }
0xb1: {  	_ =	task [dreg:s7], $0x5FFFF  }
0xb2: {  	[dreg:$0x1] =	wrdreg $0xFFFFFFFF  }
0xb3: {  	[dreg:$0x0] =	wrdreg $0x60  }
0xb4: {  	[dreg:$0x2] =	wrdreg s16  }
0xb5: {  	[dreg:$0x3] =	wrdreg s24  }
0xb6: {  	[dreg:$0x4] =	wrdreg $0x31100  }
0xb7: {  	[dreg:$0x5] =	wrdreg $0x9  }
0xb8: {  	_ =	task.clear_ibuf [dreg:s7], $0x6FFFF;
	_ =	strace $0x9000004F  }
0xb9: {  	s29 =	simm.s32 $0x9;
	_ =	strace $0x80000051  }
0xba: {  	_ =	swait.ge [sflag:s29], $0x1  }
0xbb: {  	[sflag:s29] =	ssyncadd.s32 $0xFFFFFFFF  }
0xbc: {  	_ =	strace $0x90000051  }
0xbd: {  	_ =	sfence  }
0xbe: {  	s30 =	sld [smem:$0x0];
	_ =	sdelay $0x2  }
0xbf: {  	s31 =	sshll.u32 s1, $0xD;
	s1 =	sshrl.u32 s1, $0x2  }
0xc0: {  	s3 =	sand.u32 $0x4000, s31;
	s1 =	sadd.s32 s1, s30  }
0xc1: {  	s0 =	sor.u32 s3, s0;
	s1 =	sshll.u32 s1, $0x11  }
0xc2: {  	s0 =	sor.u32 s1, s0  }
0xc3: {  	s0 =	sadd.s32 $0x8F2B, s0  }
0xc4: {  	[sflag:s0] =	ssyncadd.remote.s32 $0x1  }
0xc5: {  	_ =	sfence.sel $0xFFFF  }
0xc6: {  	[dreg:$0x0] =	wrdreg $0xFFFFFFFF;
	(pc) =	sbr.abs _section_cstart, $3  }
0xc7: {  	[dreg:$0x1] =	wrdreg $0xFFFFFFFF  }
0xc8: {  	_ =	task.clear_ibuf [dreg:s7], $0x2FFFF;
	_ =	strace $0x9FFFFFFF  }
0xc9: {  	(tm) =	ssettm $0x7FFFFFFF  }
tec
execute0_lowered:
.L_overlay_start_1:
0x0: {  	(tag) =	ssettag $0x1  }
0x1: {  	s0 =	srdreg.scid  }
0x2: {  	s14 =	stileid.u32;
	s4 =	sand.u32 $0x1, s0  }
0x3: {  	s16 =	sor.u32 $0x30, s14;
	s8 =	smul.u32 $0x27100, s4  }
0x4: {  	s17 =	sor.u32 $0x40, s14;
	s26 =	smul.u32 $0x500, s16  }
0x5: {  	s2 =	rddreg [dreg:$0x1];
	s18 =	sor.u32 $0x50, s14;
	s28 =	smul.u32 $0x500, s17  }
0x6: {  	s1 =	simm.s32 $0x0;
	s19 =	sor.u32 $0x60, s14;
	s29 =	smul.u32 $0x500, s18  }
0x7: {  	s9 =	sshll.u32 s14, $0x1;
	s20 =	sor.u32 $0x70, s14;
	s30 =	smul.u32 $0x500, s19  }
0x8: {  	[smem:$0x7FF] =	sst s1;
	s0 =	sor.u32 s4, s9;
	s31 =	smul.u32 $0x500, s20  }
0x9: {  	s6 =	sadd.s32 $0x21000, s2;
	s3 =	ssub.s32 $0x2, s4;
	s0 =	smul.u32 $0x2710, s0  }
0xa: {  	s15 =	sor.u32 $0x20, s14;
	s4 =	smul.u32 $0x4E20, s4;
	s10 =	sshrl.u32 s3, $0x1  }
0xb: {  	s7 =	ssub.s32 s3, s10;
	s3 =	smul.u32 $0x500, s15;
	s0 =	sshrl.u32 s0, $0x3  }
0xc: {  	s9 =	sor.u32 $0x10, s14;
	s5 =	sadd.s32 s0, s2;
	s0 =	smul.u32 $0x500, s14  }
0xd: {  	p0 =	sgt.u32 s20, $0x7C;
	s21 =	sadd.s32 s8, s26;
	s2 =	smul.u32 $0x500, s9  }
0xe: {  	s24 =	sadd.s32 s8, s29;
	s25 =	sadd.s32 s8, s30;
	s11 =	sadd.s32 s8, s0  }
0xf: {  	s13 =	sadd.s32 s8, s3;
	s10 =	sshrl.u32 s11, $0x3;
	s11 =	sadd.s32 s8, s2  }
0x10: {  	s5 =	sadd.s32 $0x17200, s5;
	s10 =	sadd.s32 s6, s10;
	s12 =	sshrl.u32 s11, $0x3  }
0x11: {  	s11 =	sshrl.u32 s21, $0x3;
	s21 =	sshrl.u32 s25, $0x3;
	s25 =	smul.u32 $0x1400, s9  }
0x12: {  	s9 =	smul.u32 $0x1400, s16;
	[dreg:$0x4] =	wrdreg s10;
	s10 =	sadd.s32 s6, s12  }
0x13: {  	s12 =	sadd.s32 s8, s28;
	s22 =	sadd.s32 s6, s11;
	s11 =	rddreg [dreg:$0x2]  }
0x14: {  	s8 =	sadd.s32 s8, s31;
	[dreg:$0x5] =	wrdreg s10;
	s10 =	sshrl.u32 s13, $0x3  }
0x15: {  	[dreg:$0x7] =	wrdreg s22;
	s23 =	sshrl.u32 s12, $0x3;
	s13 =	sshrl.u32 s24, $0x3  }
0x16: {  	s22 =	sadd.s32 s6, s21;
	s8 =	sshrl.u32 s8, $0x3;
	s21 =	smul.u32 $0x1400, s18  }
0x17: {  	s26 =	sadd.s32 s26, s11;
	s10 =	sadd.s32 s6, s10;
	[dreg:$0xa] =	wrdreg s22  }
0x18: {  	s28 =	sadd.s32 s28, s11;
	s29 =	sadd.s32 s29, s11;
	[dreg:$0x6] =	wrdreg s10  }
0x19: {  	s30 =	sadd.s32 s30, s11;
	s10 =	sadd.s32 s6, s23;
	s23 =	rddreg [dreg:$0x0]  }
0x1a: {  	s31 =	sadd.s32 s31, s11;
	s22 =	smul.u32 $0x1400, s19;
	[dreg:$0x8] =	wrdreg s10  }
0x1b: {  	s10 =	sadd.s32 s6, s13;
	s13 =	smul.u32 $0x9C40, s14;
	s6 =	sadd.s32 s6, s8  }
0x1c: {  	s8 =	sshrl.u32 s25, $0x2;
	[dreg:$0xb] =	wrdreg s6;
	s6 =	smul.u32 $0x1400, s14  }
0x1d: {  	[dreg:$0x9] =	wrdreg s10;
	s14 =	smax.u32 s7, $0x1;
	s7 =	smul.u32 $0x1400, s15  }
0x1e: {  	s16 =	sadd.s32 s8, s11;
	s10 =	smul.u32 $0x1400, s17;
	s24 =	sadd.s32 s13, s23  }
0x1f: {  	_ =	strace $0x80000050;
	[dreg:$0xc] =	wrdreg s5;
	s13 =	sshrl.u32 s9, $0x2  }
0x20: {  	s23 =	smul.u32 $0x1400, s20;
	s9 =	simm.s32 $0x2C10;
	s12 =	sadd.s32 s4, s24  }
0x21: {  	s4 =	sshrl.u32 s6, $0x2;
	s5 =	sshrl.u32 s7, $0x2;
	s18 =	sadd.s32 s13, s11  }
0x22: {  	s24 =	sshrl.u32 s21, $0x2;
	s15 =	sadd.s32 s4, s11;
	s17 =	sadd.s32 s5, s11  }
0x23: {  	s4 =	sshrl.u32 s10, $0x2;
	s5 =	sshrl.u32 s22, $0x2;
	s20 =	sadd.s32 s24, s11  }
0x24: {  	s25 =	sshrl.u32 s23, $0x2;
	s23 =	sadd.s32 s0, s11;
	s24 =	sadd.s32 s2, s11  }
0x25: {  	s0 =	simm.s32 $0x1;
	s2 =	simm.s32 $0x2710;
	s19 =	sadd.s32 s4, s11  }
0x26: {  	s21 =	sadd.s32 s5, s11;
	s22 =	sadd.s32 s25, s11;
	s25 =	sadd.s32 s3, s11  }
0x27: {  	v0 =	vimm.f32 $0.0e+00;
	s3 =	simm.s32 $0x50;
	s4 =	simm.s32 $0x2;
	s5 =	simm.s32 $0x0  }
.LBB2_1:
0x28: {  	s6 =	simm.s32 $0x40;
	s7 =	simm.s32 $0x0  }
.LBB2_2:
0x29: {  	p1 =	sne.s32 s6, $0x13C0;
	[tilespmem:s7+$0x2C10] =	vst v0;
	s7 =	smov.u32 s6;
	s6 =	sadd.s32 $0x40, s6  }
.Ltmp0:
0x2a: {  	(pc) =	sbr.rel @p1 .LBB2_2-.Ltmp0, $2  }
0x2b: {  	_ =	sdelay $0x2  }
0x2c: {  	s7 =	sshra.s32 s7, $0x2  }
0x2d: {  	[tilespmem:s7+$0x2C10] =	vst v0  }
0x2e: {  	[spmem:s15] =	stream.linear.scatter [tilespmem:s9], [sflag:$0x1], $0x500, $0x38;
	[tilespmem:$0x5820] =	vst v63  }
0x2f: {  	_ =	swait.ge [sflag:s0], $0x500  }
0x30: {  	[sflag:s0] =	ssyncset.done $0x0  }
0x31: {  	[sflag:s0] =	ssyncadd.s32 $0xFFFFFB00  }
0x32: {  	[spmem:s16] =	stream.linear.scatter [tilespmem:s9], [sflag:$0x1], $0x500, $0x38;
	[tilespmem:$0x5820] =	vst v63  }
0x33: {  	_ =	swait.ge [sflag:s0], $0x500  }
0x34: {  	[sflag:s0] =	ssyncset.done $0x0  }
0x35: {  	[sflag:s0] =	ssyncadd.s32 $0xFFFFFB00  }
0x36: {  	[spmem:s17] =	stream.linear.scatter [tilespmem:s9], [sflag:$0x1], $0x500, $0x38;
	[tilespmem:$0x5820] =	vst v63  }
0x37: {  	_ =	swait.ge [sflag:s0], $0x500  }
0x38: {  	[sflag:s0] =	ssyncset.done $0x0  }
0x39: {  	[sflag:s0] =	ssyncadd.s32 $0xFFFFFB00  }
0x3a: {  	[spmem:s18] =	stream.linear.scatter [tilespmem:s9], [sflag:$0x1], $0x500, $0x38;
	[tilespmem:$0x5820] =	vst v63  }
0x3b: {  	_ =	swait.ge [sflag:s0], $0x500  }
0x3c: {  	[sflag:s0] =	ssyncset.done $0x0  }
0x3d: {  	[sflag:s0] =	ssyncadd.s32 $0xFFFFFB00  }
0x3e: {  	[spmem:s19] =	stream.linear.scatter [tilespmem:s9], [sflag:$0x1], $0x500, $0x38;
	[tilespmem:$0x5820] =	vst v63  }
0x3f: {  	_ =	swait.ge [sflag:s0], $0x500  }
0x40: {  	[sflag:s0] =	ssyncset.done $0x0  }
0x41: {  	[sflag:s0] =	ssyncadd.s32 $0xFFFFFB00  }
0x42: {  	[spmem:s20] =	stream.linear.scatter [tilespmem:s9], [sflag:$0x1], $0x500, $0x38;
	[tilespmem:$0x5820] =	vst v63  }
0x43: {  	_ =	swait.ge [sflag:s0], $0x500  }
0x44: {  	[sflag:s0] =	ssyncset.done $0x0  }
0x45: {  	[sflag:s0] =	ssyncadd.s32 $0xFFFFFB00  }
0x46: {  	[spmem:s21] =	stream.linear.scatter [tilespmem:s9], [sflag:$0x1], $0x500, $0x38;
	[tilespmem:$0x5820] =	vst v63  }
0x47: {  	_ =	swait.ge [sflag:s0], $0x500  }
0x48: {  	[sflag:s0] =	ssyncset.done $0x0  }
0x49: {  	s6 =	simm.s32 @!p0 $0x2C10;
	[sflag:s0] =	ssyncadd.s32 $0xFFFFFB00  }
0x4a: {  	[spmem:s22] =	stream.linear.scatter @!p0 [tilespmem:s6], [sflag:$0x1], $0x500, $0x38;
	[tilespmem:$0x5820] =	vst v63  }
0x4b: {  	s6 =	simm.s32 @!p0 $0x1  }
0x4c: {  	_ =	swait.ge @!p0 [sflag:s6], $0x500  }
0x4d: {  	[sflag:s6] =	ssyncset.done @!p0 $0x0  }
0x4e: {  	[sflag:s6] =	ssyncadd.s32 @!p0 $0xFFFFFB00  }
0x4f: {  	[bflag:$0x0] =	sbarrier.arrive $0xFFFF  }
0x50: {  	s8 =	simm.s32 $0x0;
	s10 =	rddreg [dreg:$0xc]  }
0x51: {  	[tilespmem:s8], [sflag:$0x1] =	stream.linear.gather [hbm4b:s10+s8], $0x2710, $0x38;
	[tilespmem:$0x5820] =	vst v63  }
0x52: {  	_ =	swait.ge [sflag:s0], $0x2710  }
0x53: {  	[sflag:s0] =	ssyncset.done $0x0  }
0x54: {  	s13 =	sadd.s32 $0x0, s12;
	[sflag:s0] =	ssyncadd.s32 $0xFFFFD8F0  }
0x55: {  	[tilespmem:s2], [sflag:$0x1] =	stream.linear.gather [hbm4b:s13+s1], $0x500, $0x38;
	[tilespmem:$0x5820] =	vst v63  }
0x56: {  	_ =	swait.ge [sflag:s0], $0x500  }
0x57: {  	[sflag:s0] =	ssyncset.done $0x0  }
0x58: {  	[sflag:s0] =	ssyncadd.s32 $0xFFFFFB00  }
0x59: {  	[spmem:s11] =	stream.indirect.scatter.add.f32 [tilespmem:s2], [sflag:$0x1], $0x10, s8, s3, $0xb8;
	[tilespmem:$0x5820] =	vst v63  }
0x5a: {  	s7 =	simm.s32 $0xA0;
	_ =	swait.ge [sflag:s0], $0x500  }
0x5b: {  	s6 =	simm.s32 $0x50;
	s8 =	simm.s32 $0x140;
	[sflag:s0] =	ssyncset.done $0x0  }
.LBB2_4:
0x5c: {  	s10 =	sadd.s32 s7, s12  }
0x5d: {  	[sflag:s0] =	ssyncadd.s32 $0xFFFFFB00;
	s7 =	smov.u32 s8;
	s13 =	sadd.s32 $0xA0, s8  }
0x5e: {  	[tilespmem:s2], [sflag:$0x1] =	stream.linear.gather [hbm4b:s10+s1], $0x500, $0x38;
	[tilespmem:$0x5820] =	vst v63  }
0x5f: {  	p1 =	sne.s32 s8, $0x4D80;
	_ =	swait.ge [sflag:s0], $0x500  }
.Ltmp1:
0x60: {  	[sflag:s0] =	ssyncset.done $0x0;
	(pc) =	sbr.rel @p1 .LBB2_4-.Ltmp1, $4  }
0x61: {  	[sflag:s0] =	ssyncadd.s32 $0xFFFFFB00  }
0x62: {  	[spmem:s11] =	stream.indirect.scatter.add.f32 [tilespmem:s2], [sflag:$0x1], $0x10, s6, s3, $0xb8;
	[tilespmem:$0x5820] =	vst v63  }
0x63: {  	_ =	swait.ge [sflag:s0], $0x500  }
0x64: {  	s8 =	smov.u32 s13;
	s6 =	sadd.s32 $0x50, s6;
	[sflag:s0] =	ssyncset.done $0x0  }
0x65: {  	s7 =	sadd.s32 s7, s12;
	[sflag:s0] =	ssyncadd.s32 $0xFFFFFB00  }
0x66: {  	[tilespmem:s2], [sflag:$0x1] =	stream.linear.gather [hbm4b:s7+s1], $0x500, $0x38;
	[tilespmem:$0x5820] =	vst v63  }
0x67: {  	_ =	swait.ge [sflag:s0], $0x500  }
0x68: {  	[sflag:s0] =	ssyncset.done $0x0  }
0x69: {  	[sflag:s0] =	ssyncadd.s32 $0xFFFFFB00  }
0x6a: {  	[spmem:s11] =	stream.indirect.scatter.add.f32 [tilespmem:s2], [sflag:$0x1], $0x10, s6, s3, $0xb8;
	[tilespmem:$0x5820] =	vst v63  }
0x6b: {  	_ =	swait.ge [sflag:s0], $0x500  }
0x6c: {  	[sflag:s0] =	ssyncset.done $0x0  }
0x6d: {  	[sflag:s0] =	ssyncadd.s32 $0xFFFFFB00  }
0x6e: {  	[bflag:$0x0] =	sbarrier.arrive $0xFFFF  }
0x6f: {  	[tilespmem:s9], [sflag:$0x2] =	stream.linear.gather [spmem:s23], $0x500, $0x38;
	[tilespmem:$0x5820] =	vst v63  }
0x70: {  	_ =	swait.ge [sflag:s4], $0x500  }
0x71: {  	[sflag:s4] =	ssyncset.done $0x0  }
0x72: {  	s8 =	rddreg [dreg:$0x4];
	[sflag:s4] =	ssyncadd.s32 $0xFFFFFB00  }
0x73: {  	[hbm4b:s8+s1] =	stream.linear.scatter [tilespmem:s9], [sflag:$0x1], $0x500, $0x38;
	[tilespmem:$0x5820] =	vst v63  }
0x74: {  	_ =	swait.ge [sflag:s0], $0x500  }
0x75: {  	[sflag:s0] =	ssyncset.done $0x0  }
0x76: {  	[sflag:s0] =	ssyncadd.s32 $0xFFFFFB00  }
0x77: {  	[tilespmem:s9], [sflag:$0x2] =	stream.linear.gather [spmem:s24], $0x500, $0x38;
	[tilespmem:$0x5820] =	vst v63  }
0x78: {  	_ =	swait.ge [sflag:s4], $0x500  }
0x79: {  	[sflag:s4] =	ssyncset.done $0x0  }
0x7a: {  	s10 =	rddreg [dreg:$0x5];
	[sflag:s4] =	ssyncadd.s32 $0xFFFFFB00  }
0x7b: {  	[hbm4b:s10+s1] =	stream.linear.scatter [tilespmem:s9], [sflag:$0x1], $0x500, $0x38;
	[tilespmem:$0x5820] =	vst v63  }
0x7c: {  	_ =	swait.ge [sflag:s0], $0x500  }
0x7d: {  	[sflag:s0] =	ssyncset.done $0x0  }
0x7e: {  	[sflag:s0] =	ssyncadd.s32 $0xFFFFFB00  }
0x7f: {  	[tilespmem:s9], [sflag:$0x2] =	stream.linear.gather [spmem:s25], $0x500, $0x38;
	[tilespmem:$0x5820] =	vst v63  }
0x80: {  	_ =	swait.ge [sflag:s4], $0x500  }
0x81: {  	[sflag:s4] =	ssyncset.done $0x0  }
0x82: {  	s13 =	rddreg [dreg:$0x6];
	[sflag:s4] =	ssyncadd.s32 $0xFFFFFB00  }
0x83: {  	[hbm4b:s13+s1] =	stream.linear.scatter [tilespmem:s9], [sflag:$0x1], $0x500, $0x38;
	[tilespmem:$0x5820] =	vst v63  }
0x84: {  	_ =	swait.ge [sflag:s0], $0x500  }
0x85: {  	[sflag:s0] =	ssyncset.done $0x0  }
0x86: {  	[sflag:s0] =	ssyncadd.s32 $0xFFFFFB00  }
0x87: {  	[tilespmem:s9], [sflag:$0x2] =	stream.linear.gather [spmem:s26], $0x500, $0x38;
	[tilespmem:$0x5820] =	vst v63  }
0x88: {  	_ =	swait.ge [sflag:s4], $0x500  }
0x89: {  	[sflag:s4] =	ssyncset.done $0x0  }
0x8a: {  	s7 =	rddreg [dreg:$0x7];
	[sflag:s4] =	ssyncadd.s32 $0xFFFFFB00  }
0x8b: {  	[hbm4b:s7+s1] =	stream.linear.scatter [tilespmem:s9], [sflag:$0x1], $0x500, $0x38;
	[tilespmem:$0x5820] =	vst v63  }
0x8c: {  	_ =	swait.ge [sflag:s0], $0x500  }
0x8d: {  	[sflag:s0] =	ssyncset.done $0x0  }
0x8e: {  	[sflag:s0] =	ssyncadd.s32 $0xFFFFFB00  }
0x8f: {  	[tilespmem:s9], [sflag:$0x2] =	stream.linear.gather [spmem:s28], $0x500, $0x38;
	[tilespmem:$0x5820] =	vst v63  }
0x90: {  	_ =	swait.ge [sflag:s4], $0x500  }
0x91: {  	[sflag:s4] =	ssyncset.done $0x0  }
0x92: {  	s8 =	rddreg [dreg:$0x8];
	[sflag:s4] =	ssyncadd.s32 $0xFFFFFB00  }
0x93: {  	[hbm4b:s8+s1] =	stream.linear.scatter [tilespmem:s9], [sflag:$0x1], $0x500, $0x38;
	[tilespmem:$0x5820] =	vst v63  }
0x94: {  	_ =	swait.ge [sflag:s0], $0x500  }
0x95: {  	[sflag:s0] =	ssyncset.done $0x0  }
0x96: {  	[sflag:s0] =	ssyncadd.s32 $0xFFFFFB00  }
0x97: {  	[tilespmem:s9], [sflag:$0x2] =	stream.linear.gather [spmem:s29], $0x500, $0x38;
	[tilespmem:$0x5820] =	vst v63  }
0x98: {  	_ =	swait.ge [sflag:s4], $0x500  }
0x99: {  	[sflag:s4] =	ssyncset.done $0x0  }
0x9a: {  	s10 =	rddreg [dreg:$0x9];
	[sflag:s4] =	ssyncadd.s32 $0xFFFFFB00  }
0x9b: {  	[hbm4b:s10+s1] =	stream.linear.scatter [tilespmem:s9], [sflag:$0x1], $0x500, $0x38;
	[tilespmem:$0x5820] =	vst v63  }
0x9c: {  	_ =	swait.ge [sflag:s0], $0x500  }
0x9d: {  	[sflag:s0] =	ssyncset.done $0x0  }
0x9e: {  	[sflag:s0] =	ssyncadd.s32 $0xFFFFFB00  }
0x9f: {  	[tilespmem:s9], [sflag:$0x2] =	stream.linear.gather [spmem:s30], $0x500, $0x38;
	[tilespmem:$0x5820] =	vst v63  }
0xa0: {  	_ =	swait.ge [sflag:s4], $0x500  }
0xa1: {  	[sflag:s4] =	ssyncset.done $0x0  }
0xa2: {  	s13 =	rddreg [dreg:$0xa];
	[sflag:s4] =	ssyncadd.s32 $0xFFFFFB00  }
0xa3: {  	[hbm4b:s13+s1] =	stream.linear.scatter [tilespmem:s9], [sflag:$0x1], $0x500, $0x38;
	[tilespmem:$0x5820] =	vst v63  }
0xa4: {  	_ =	swait.ge [sflag:s0], $0x500  }
0xa5: {  	[sflag:s0] =	ssyncset.done $0x0  }
0xa6: {  	s6 =	simm.s32 @!p0 $0x2C10;
	s7 =	simm.s32 @!p0 $0x2;
	[sflag:s0] =	ssyncadd.s32 $0xFFFFFB00  }
0xa7: {  	[tilespmem:s6], [sflag:$0x2] =	stream.linear.gather @!p0 [spmem:s31], $0x500, $0x38;
	[tilespmem:$0x5820] =	vst v63  }
0xa8: {  	s5 =	sadd.s32 $0x1, s5;
	_ =	swait.ge @!p0 [sflag:s7], $0x500  }
0xa9: {  	p1 =	sne.s32 s5, s14;
	[sflag:s7] =	ssyncset.done @!p0 $0x0  }
0xaa: {  	s8 =	rddreg [dreg:$0xb];
	[sflag:s7] =	ssyncadd.s32 @!p0 $0xFFFFFB00;
	s7 =	simm.s32 @!p0 $0x0  }
0xab: {  	[hbm4b:s8+s7] =	stream.linear.scatter @!p0 [tilespmem:s6], [sflag:$0x1], $0x500, $0x38;
	[tilespmem:$0x5820] =	vst v63  }
.Ltmp2:
0xac: {  	_ = 	snop;
	(pc) =	sbr.rel @p1 .LBB2_1-.Ltmp2, $4  }
0xad: {  	s6 =	simm.s32 @!p0 $0x1  }
0xae: {  	_ =	swait.ge @!p0 [sflag:s6], $0x500  }
0xaf: {  	[sflag:s6] =	ssyncset.done @!p0 $0x0  }
0xb0: {  	[sflag:s6] =	ssyncadd.s32 @!p0 $0xFFFFFB00  }
0xb1: {  	_ =	sfence.sel $0x180000  }
0xb2: {  	[bflag:$0x0] =	sbarrier.arrive $0xFFFF  }
0xb3: {  	_ =	strace $0x90000050  }
0xb4: {  	s0 =	stileid.u32;
	[bflag:$0x2] =	sbarrier.arrive $0xFFFF  }
0xb5: {  	p0 =	sne.s32 s0, $0x0;
	s0 =	rddreg [dreg:$0x3]  }
0xb6: {  	s0 =	sadd.s32 @!p0 $0x100000, s0  }
0xb7: {  	[sflag:s0] =	ssyncadd.tile.s32 @!p0 $0x1;
	_ =	shalt  }
.Lfunc_end2:
_tile_overlayer_lowered:
.L_overlay_start_2:
0xb8: {  	(tag) =	ssettag $0x2  }
0xb9: {  	s0 =	rddreg [dreg:$0x0];
	s2 =	stileid.u32  }
0xba: {  	s1 =	rddreg [dreg:$0x1];
	p0 =	sne.s32 s2, $0x0  }
0xbb: {  	s3 =	rddreg [dreg:$0x2];
	[bflag:$0x3] =	sbarrier.arrive $0xFFFF;
	s2 =	simm.s32 @!p0 $0x1C01  }
0xbc: {  	[timem:s3], [sflag:s2] =	dma.local @!p0 [hbm:s0], s1  }
0xbd: {  	s0 =	simm.s32 @!p0 $0x1  }
0xbe: {  	_ =	swait.ge @!p0 [sflag:s0], s1  }
0xbf: {  	s1 =	ssub.s32 @!p0 $0x0, s1;
	[sflag:s0] =	ssyncset.done @!p0 $0x0  }
0xc0: {  	[sflag:s0] =	ssyncadd.s32 @!p0 s1  }
0xc1: {  	[bflag:$0x3] =	sbarrier.arrive $0xFFFF  }
0xc2: {  	_ =	shalt  }

// kernel: kernel.27.cloned.1.call-start
scs
__scs_entry_jumppad:
0x0: {  	(pc) =	sbr.rel $0x88, $3  }
0x1: {  	(tag) =	ssettag $0x0;
	lr =	simm.s32 $0x1  }
0x2: {  	[smem:$0x3F79] =	sst lr;
	_ =	strace $0xD0000000  }
0x3: {  	_ = 	snop  }
0x4: {  	_ = 	snop  }
0x5: {  	_ = 	snop  }
0x6: {  	_ = 	snop  }
0x7: {  	_ = 	snop  }
__scs_overlays_trampoline_lowered:
0x8: {  	[smem:$0x3F88] =	sst s0  }
0x9: {  	[smem:$0x3F89] =	sst s1  }
0xa: {  	[smem:$0x3F8A] =	sst s2  }
0xb: {  	[smem:$0x3F8B] =	sst s3  }
0xc: {  	[smem:$0x3F8C] =	sst s4  }
0xd: {  	[smem:$0x3F8D] =	sst s5  }
0xe: {  	[smem:$0x3F8E] =	sst s6  }
0xf: {  	[smem:$0x3F8F] =	sst s7  }
0x10: {  	[smem:$0x3F90] =	sst s8  }
0x11: {  	[smem:$0x3F91] =	sst s9;
	s0 =	simm.s32 @!p0 $0x0  }
0x12: {  	s1 =	sld [smem:$0x3F77];
	s0 =	simm.s32 @p0 $0x1  }
0x13: {  	[smem:$0x3F92] =	sst s0;
	s0 =	simm.s32 @!p1 $0x0  }
0x14: {  	s2 =	sld [smem:$0x3F76];
	s0 =	simm.s32 @p1 $0x1  }
0x15: {  	[smem:$0x3F93] =	sst s0;
	s0 =	simm.s32 @!p2 $0x0  }
0x16: {  	s3 =	sld [smem:$0x3FDB];
	s0 =	simm.s32 @p2 $0x1  }
0x17: {  	s4 =	simm.s32 $0x1BF5;
	[smem:$0x3F95] =	sst s0  }
0x18: {  	s0 =	sld [smem:$0x3F78];
	_ =	swait.ge [sflag:s4], $0x0  }
0x19: {  	s7 =	sld [smem:$0x3F79]  }
0x1a: {  	s8 =	sadd.s32 $0xFFFFE003, lr  }
0x1b: {  	s9 =	sadd.s32 $0xFFFFFEF7, lr;
	s5 =	simm.s32 $0xFFFFFFFF;
	p2 =	slt.u32 s8, $0xFFFFF086  }
0x1c: {  	p1 =	slt.u32 s9, $0xF7A;
	s5 =	simm.s32 @!p2 $0x0  }
0x1d: {  	s5 =	simm.s32 @p1 $0x1;
	p0 =	seq.s32 s7, s2  }
0x1e: {  	s7 =	smul.u32 @!p0 $0xF7A, s2;
	p2 =	seq.s32 @!p0 s5, $0x0  }
0x1f: {  	s9 =	smul.u32 $0xF7A, s1;
	s8 =	simm.s32 @!p0 $0x1BF5;
	p2 =	por !p2, p0  }
0x20: {  	[sflag:s8] =	ssyncset.s32 @!p0 $0xFFFFF086;
	s6 =	sadd.s32 @!p0 s3, s7;
	s7 =	simm.s32 @!p0 $0x108  }
0x21: {  	s3 =	sadd.s32 s3, s9;
	s6 =	sadd.s32 @!p0 $0x88, s6;
	s7 =	simm.s32 @p2 $0x1082  }
0x22: {  	[simem:s7], [sflag:s8] =	dma.local @!p0 [hbm:s6], $0xF7A  }
0x23: {  	s9 =	sor.u32 $0xD0000000, s2;
	s6 =	simm.s32 $0x108;
	_ =	swait.ge @!p0 [sflag:s8], $0x0  }
0x24: {  	s3 =	sadd.s32 $0x88, s3;
	s6 =	simm.s32 @!p1 $0x1082;
	[sflag:s4] =	ssyncset.s32 $0xFFFFF086  }
0x25: {  	[simem:s6], [sflag:s4] =	dma.local [hbm:s3], $0xF7A  }
0x26: {  	[smem:$0x3F79] =	sst s1;
	(tag) =	ssettag s2;
	_ =	strace s9  }
0x27: {  	s1 =	sld [smem:$0x3F89]  }
0x28: {  	s2 =	sld [smem:$0x3F8A]  }
0x29: {  	s4 =	sld [smem:$0x3F8C]  }
0x2a: {  	p0 =	seq.s32 s5, $0x0;
	s5 =	sld [smem:$0x3F8D]  }
0x2b: {  	s6 =	sld [smem:$0x3F8E]  }
0x2c: {  	s7 =	sld [smem:$0x3F8F]  }
0x2d: {  	s3 =	simm.s32 $0x108;
	s8 =	sld [smem:$0x3F90]  }
0x2e: {  	s3 =	simm.s32 @!p0 $0x1082;
	s9 =	sld [smem:$0x3F91]  }
0x2f: {  	lr =	sadd.s32 s0, s3;
	s0 =	sld [smem:$0x3F88]  }
0x30: {  	s3 =	sld [smem:$0x3F8B]  }
0x31: {  	[smem:$0x3F94] =	sst s10  }
0x32: {  	s10 =	sld [smem:$0x3F92];
	_ =	sdelay $0x3  }
0x33: {  	p0 =	seq.s32 s10, $0x1;
	s10 =	sld [smem:$0x3F94];
	_ =	sdelay $0x3  }
0x34: {  	[smem:$0x3F94] =	sst s10  }
0x35: {  	s10 =	sld [smem:$0x3F93];
	_ =	sdelay $0x3  }
0x36: {  	p1 =	seq.s32 s10, $0x1;
	s10 =	sld [smem:$0x3F94];
	_ =	sdelay $0x3  }
0x37: {  	[smem:$0x3F94] =	sst s10  }
0x38: {  	s10 =	sld [smem:$0x3F95]  }
0x39: {  	_ = 	snop;
	(pc) =	sbr.ind lr, $3  }
0x3a: {  	_ = 	snop  }
0x3b: {  	_ = 	snop  }
0x3c: {  	p2 =	seq.s32 s10, $0x1;
	s10 =	sld [smem:$0x3F94]  }
0x3d: {  	_ =	shalt  }
0x3e: {  	_ =	shalt  }
0x3f: {  	_ =	shalt  }
0x40: {  	_ =	shalt  }
0x41: {  	_ =	shalt  }
0x42: {  	_ =	shalt  }
0x43: {  	_ =	shalt  }
0x44: {  	_ =	shalt  }
0x45: {  	_ =	shalt  }
0x46: {  	_ =	shalt  }
0x47: {  	_ =	shalt  }
0x48: {  	_ =	shalt  }
0x49: {  	_ =	shalt  }
0x4a: {  	_ =	shalt  }
0x4b: {  	_ =	shalt  }
0x4c: {  	_ =	shalt  }
0x4d: {  	_ =	shalt  }
0x4e: {  	_ =	shalt  }
0x4f: {  	_ =	shalt  }
0x50: {  	_ =	shalt  }
0x51: {  	_ =	shalt  }
0x52: {  	_ =	shalt  }
0x53: {  	_ =	shalt  }
0x54: {  	_ =	shalt  }
0x55: {  	_ =	shalt  }
0x56: {  	_ =	shalt  }
0x57: {  	_ =	shalt  }
0x58: {  	_ =	shalt  }
0x59: {  	_ =	shalt  }
0x5a: {  	_ =	shalt  }
0x5b: {  	_ =	shalt  }
0x5c: {  	_ =	shalt  }
0x5d: {  	_ =	shalt  }
0x5e: {  	_ =	shalt  }
0x5f: {  	_ =	shalt  }
0x60: {  	_ =	shalt  }
0x61: {  	_ =	shalt  }
0x62: {  	_ =	shalt  }
0x63: {  	_ =	shalt  }
0x64: {  	_ =	shalt  }
0x65: {  	_ =	shalt  }
0x66: {  	_ =	shalt  }
0x67: {  	_ =	shalt  }
0x68: {  	_ =	shalt  }
0x69: {  	_ =	shalt  }
0x6a: {  	_ =	shalt  }
0x6b: {  	_ =	shalt  }
0x6c: {  	_ =	shalt  }
0x6d: {  	_ =	shalt  }
0x6e: {  	_ =	shalt  }
0x6f: {  	_ =	shalt  }
0x70: {  	_ =	shalt  }
0x71: {  	_ =	shalt  }
0x72: {  	_ =	shalt  }
0x73: {  	_ =	shalt  }
0x74: {  	_ =	shalt  }
0x75: {  	_ =	shalt  }
0x76: {  	_ =	shalt  }
0x77: {  	_ =	shalt  }
0x78: {  	_ =	shalt  }
0x79: {  	_ =	shalt  }
0x7a: {  	_ =	shalt  }
0x7b: {  	_ =	shalt  }
0x7c: {  	_ =	shalt  }
0x7d: {  	_ =	shalt  }
0x7e: {  	_ =	shalt  }
0x7f: {  	_ =	shalt  }
0x80: {  	_ =	shalt  }
0x81: {  	_ =	shalt  }
0x82: {  	_ =	shalt  }
0x83: {  	_ =	shalt  }
0x84: {  	_ =	shalt  }
0x85: {  	_ =	shalt  }
0x86: {  	_ =	shalt  }
0x87: {  	_ =	shalt  }
.Lfunc_end0:
.L_simem_size_0:
called_computation.4_lowered:
.L_overlay_start_0:
0x88: {  	s2 =	sld [smem:$0x3FD9]  }
0x89: {  	s3 =	sld [smem:$0x3FFE];
	_ =	sdelay $0x1  }
0x8a: {  	s1 =	srdreg.scid  }
0x8b: {  	s0 =	sand.u32 $0x1, s1  }
0x8c: {  	s14 =	sshll.u32 s0, $0xA;
	s2 =	sadd.s32 s3, s2  }
0x8d: {  	s2 =	sadd.s32 s2, s14  }
0x8e: {  	[smem:$0x3FA0] =	sst s2  }
0x8f: {  	_ = 	snop  }
0x90: {  	s2 =	sld [smem:$0x3FD0];
	_ =	sdelay $0x2  }
0x91: {  	s15 =	simm.s32 $0xA;
	s4 =	simm.s32 $0x10  }
0x92: {  	[smem:s4], [sflag:s15] =	dma.local [hbm:s2], $0x1  }
0x93: {  	_ =	swait.eq [sflag:s15], $0x1  }
0x94: {  	[sflag:s15] =	ssyncset.done $0x0  }
0x95: {  	[sflag:s15] =	ssyncadd.s32 $0xFFFFFFFF  }
0x96: {  	s16 =	sld [smem:$0x11];
	(tm) =	ssettm $0x1  }
0x97: {  	s17 =	sld [smem:$0x3FFB];
	_ =	sdelay $0x3  }
0x98: {  	_ =	strace s17  }
0x99: {  	s3 =	sld [smem:$0x3FFC];
	_ =	sdelay $0x3  }
0x9a: {  	_ =	strace s3  }
0x9b: {  	s3 =	sld [smem:$0x3FFD];
	_ =	sdelay $0x3  }
0x9c: {  	_ =	strace s3  }
0x9d: {  	_ =	strace $0x8FFFFFFF  }
0x9e: {  	s18 =	sld [smem:$0x3FDB];
	_ =	sdelay $0x1  }
0x9f: {  	s19 =	simm.s32 $_scs_section_size  }
0xa0: {  	s5 =	simm.s32 $_size__tile_overlayer_lowered;
	s6 =	simm.s32 $_tile_overlayer_lowered  }
0xa1: {  	s22 =	simm.s32 $0x1BFF;
	s21 =	sshll.u32 s6, $0x1;
	s3 =	sadd.s32 s19, s18  }
0xa2: {  	s7 =	simm.s32 $0x0;
	s20 =	sshll.u32 s5, $0x1;
	s5 =	sadd.s32 s21, s3  }
0xa3: {  	[timem:s7], [sflag:s22] =	dma.local [hbm:s5], s20  }
0xa4: {  	_ =	swait.ge [sflag:s22], s20  }
0xa5: {  	s4 =	ssub.s32 $0x0, s20;
	[sflag:s22] =	ssyncset.done $0x0  }
0xa6: {  	[sflag:s22] =	ssyncadd.s32 s4;
	_ =	sdelay $0x1  }
0xa7: {  	s23 =	simm.s32 $0x1B8B  }
0xa8: {  	_ =	swait.ge [sflag:s23], $0x1  }
0xa9: {  	[sflag:s23] =	ssyncset.done $0x0  }
0xaa: {  	s25 =	simm.s32 $0x1B8E;
	s24 =	sld [smem:$0x3FFE];
	[sflag:s23] =	ssyncadd.s32 $0xFFFFFFFF  }
0xab: {  	s26 =	simm.s32 $execute0_lowered;
	[smem:$0x3FD2] =	sst s25  }
0xac: {  	s5 =	sshll.u32 s26, $0x1;
	_ =	strace $0x80000052;
	[dreg:$0x1] =	wrdreg $0xFFFFFFFF  }
0xad: {  	s28 =	simm.s32 $_size_execute0_lowered;
	s3 =	sadd.s32 s3, s5;
	[dreg:$0x0] =	wrdreg $0x0  }
0xae: {  	s5 =	sshll.u32 s28, $0x1;
	[dreg:$0x2] =	wrdreg s3  }
0xaf: {  	[dreg:$0x3] =	wrdreg s5  }
0xb0: {  	[dreg:$0x4] =	wrdreg $0xC0  }
0xb1: {  	_ =	task [dreg:s7], $0x5FFFF  }
0xb2: {  	[dreg:$0x1] =	wrdreg $0xFFFFFFFF  }
0xb3: {  	[dreg:$0x0] =	wrdreg $0x60  }
0xb4: {  	[dreg:$0x2] =	wrdreg s16  }
0xb5: {  	[dreg:$0x3] =	wrdreg s24  }
0xb6: {  	[dreg:$0x4] =	wrdreg $0x9  }
0xb7: {  	_ =	task.clear_ibuf [dreg:s7], $0x5FFFF;
	_ =	strace $0x90000052  }
0xb8: {  	s29 =	simm.s32 $0x9;
	_ =	strace $0x80000054  }
0xb9: {  	_ =	swait.ge [sflag:s29], $0x1  }
0xba: {  	[sflag:s29] =	ssyncadd.s32 $0xFFFFFFFF  }
0xbb: {  	_ =	strace $0x90000054  }
0xbc: {  	_ =	sfence  }
0xbd: {  	s30 =	sld [smem:$0x0];
	_ =	sdelay $0x2  }
0xbe: {  	s31 =	sshll.u32 s1, $0xD;
	s1 =	sshrl.u32 s1, $0x2  }
0xbf: {  	s3 =	sand.u32 $0x4000, s31;
	s1 =	sadd.s32 s1, s30  }
0xc0: {  	s0 =	sor.u32 s3, s0;
	s1 =	sshll.u32 s1, $0x11  }
0xc1: {  	s0 =	sor.u32 s1, s0  }
0xc2: {  	s0 =	sadd.s32 $0x8F2B, s0  }
0xc3: {  	[sflag:s0] =	ssyncadd.remote.s32 $0x1  }
0xc4: {  	_ =	sfence.sel $0xFFFF  }
0xc5: {  	[dreg:$0x0] =	wrdreg $0xFFFFFFFF;
	(pc) =	sbr.abs _section_cstart, $3  }
0xc6: {  	[dreg:$0x1] =	wrdreg $0xFFFFFFFF  }
0xc7: {  	_ =	task.clear_ibuf [dreg:s7], $0x2FFFF;
	_ =	strace $0x9FFFFFFF  }
0xc8: {  	(tm) =	ssettm $0x7FFFFFFF  }
0xc9: {  	_ =	shalt  }
tec
execute0_lowered:
.L_overlay_start_1:
0x0: {  	(tag) =	ssettag $0x1  }
0x1: {  	s2 =	rddreg [dreg:$0x0]  }
0x2: {  	s5 =	rddreg [dreg:$0x1]  }
0x3: {  	s0 =	rddreg [dreg:$0x2]  }
0x4: {  	s4 =	srdreg.scid;
	s1 =	stileid.u32;
	s3 =	simm.s32 $0x0  }
0x5: {  	s12 =	simm.s32 $0x4E20;
	s13 =	simm.s32 $0x1;
	s14 =	simm.s32 $0x2  }
0x6: {  	s15 =	simm.s32 $0x0;
	s6 =	sand.u32 $0x1, s4;
	s26 =	sshll.u32 s1, $0x1  }
0x7: {  	[smem:$0x7FF] =	sst s3;
	s8 =	smul.u32 $0x27100, s1;
	s4 =	sor.u32 s6, s26  }
0x8: {  	_ =	strace $0x80000053;
	s9 =	ssub.s32 $0x2, s6;
	s11 =	smul.u32 $0x13880, s6  }
0x9: {  	s7 =	smul.u32 $0x2710, s4;
	s10 =	sshrl.u32 s9, $0x1;
	s29 =	sadd.s32 s8, s5  }
0xa: {  	s4 =	sadd.s32 $0x21000, s5;
	s30 =	ssub.s32 s9, s10;
	s31 =	sadd.s32 s11, s29  }
0xb: {  	s9 =	simm.s32 $0x3;
	s10 =	simm.s32 $0x2710;
	s7 =	sshrl.u32 s7, $0x3  }
0xc: {  	s11 =	simm.s32 $0x50;
	s8 =	sadd.s32 $0x34A00, s31;
	s28 =	sadd.s32 s7, s5  }
0xd: {  	s7 =	smax.u32 s30, $0x1;
	s5 =	sadd.s32 $0xD400, s28;
	s6 =	sadd.s32 $0x17200, s28  }
.LBB2_1:
0xe: {  	[tilespmem:s3], [sflag:$0x3] =	stream.linear.gather [hbm4b:s5+s3], $0x2710, $0x38;
	[tilespmem:$0x6220] =	vst v63  }
0xf: {  	_ =	swait.ge [sflag:s9], $0x2710  }
0x10: {  	[sflag:s9] =	ssyncset.done $0x0  }
0x11: {  	[sflag:s9] =	ssyncadd.s32 $0xFFFFD8F0  }
0x12: {  	[tilespmem:s10], [sflag:$0x3] =	stream.linear.gather [hbm4b:s6+s3], $0x2710, $0x38;
	[tilespmem:$0x6220] =	vst v63  }
0x13: {  	_ =	swait.ge [sflag:s9], $0x2710  }
0x14: {  	[sflag:s9] =	ssyncset.done $0x0  }
0x15: {  	s16 =	simm.s32 $0x0;
	[sflag:s9] =	ssyncadd.s32 $0xFFFFD8F0  }
0x16: {  	[tilespmem:s12], [sflag:$0x1] =	stream.indirect.gather [hbm4b:s2+s11], $0x40, s16, s11, $0xb8;
	[tilespmem:$0x6220] =	vst v63  }
0x17: {  	_ =	swait.ge [sflag:s13], $0x1400  }
0x18: {  	[sflag:s13] =	ssyncset.done $0x0  }
0x19: {  	s31 =	simm.s32 $0x2710;
	[sflag:s13] =	ssyncadd.s32 $0xFFFFEC00  }
0x1a: {  	[tilespmem:s12], [sflag:$0x2] =	stream.indirect.gather.add.f32 [hbm:s4], $0x40, s31, s11, $0xb8;
	[tilespmem:$0x6220] =	vst v63  }
0x1b: {  	_ =	swait.ge [sflag:s14], $0x1400  }
0x1c: {  	[sflag:s14] =	ssyncset.done $0x0  }
0x1d: {  	[sflag:s14] =	ssyncadd.s32 $0xFFFFEC00  }
0x1e: {  	[hbm4b:s8+s3] =	stream.linear.scatter [tilespmem:s12], [sflag:$0x3], $0x1400, $0x38;
	[tilespmem:$0x6220] =	vst v63  }
0x1f: {  	s17 =	simm.s32 $0x140;
	_ =	swait.ge [sflag:s9], $0x1400  }
0x20: {  	s18 =	simm.s32 $0x280;
	s16 =	sadd.s32 $0x280, s8;
	[sflag:s9] =	ssyncset.done $0x0  }
.LBB2_2:
0x21: {  	s19 =	sshra.s32 s17, $0x2  }
0x22: {  	[sflag:s9] =	ssyncadd.s32 $0xFFFFEC00;
	s17 =	smov.u32 s18;
	s20 =	sadd.s32 $0x140, s18  }
0x23: {  	[tilespmem:s12], [sflag:$0x1] =	stream.indirect.gather [hbm4b:s2+s11], $0x40, s19, s11, $0xb8;
	[tilespmem:$0x6220] =	vst v63  }
0x24: {  	p0 =	sne.s32 s18, $0x9B00;
	_ =	swait.ge [sflag:s13], $0x1400  }
0x25: {  	[sflag:s13] =	ssyncset.done $0x0  }
0x26: {  	s18 =	sadd.s32 $0x2710, s19;
	[sflag:s13] =	ssyncadd.s32 $0xFFFFEC00  }
0x27: {  	[tilespmem:s12], [sflag:$0x2] =	stream.indirect.gather.add.f32 [hbm:s4], $0x40, s18, s11, $0xb8;
	[tilespmem:$0x6220] =	vst v63  }
0x28: {  	_ =	swait.ge [sflag:s14], $0x1400  }
.Ltmp0:
0x29: {  	[sflag:s14] =	ssyncset.done $0x0;
	(pc) =	sbr.rel @p0 .LBB2_2-.Ltmp0, $4  }
0x2a: {  	[sflag:s14] =	ssyncadd.s32 $0xFFFFEC00  }
0x2b: {  	[hbm4b:s16+s3] =	stream.linear.scatter [tilespmem:s12], [sflag:$0x3], $0x1400, $0x38;
	[tilespmem:$0x6220] =	vst v63  }
0x2c: {  	_ =	swait.ge [sflag:s9], $0x1400  }
0x2d: {  	s18 =	smov.u32 s20;
	s16 =	sadd.s32 $0x280, s16;
	[sflag:s9] =	ssyncset.done $0x0  }
0x2e: {  	s17 =	sshra.s32 s17, $0x2;
	[sflag:s9] =	ssyncadd.s32 $0xFFFFEC00  }
0x2f: {  	[tilespmem:s12], [sflag:$0x1] =	stream.indirect.gather [hbm4b:s2+s11], $0x40, s17, s11, $0xb8;
	[tilespmem:$0x6220] =	vst v63  }
0x30: {  	_ =	swait.ge [sflag:s13], $0x1400  }
0x31: {  	[sflag:s13] =	ssyncset.done $0x0  }
0x32: {  	s17 =	sadd.s32 $0x2710, s17;
	[sflag:s13] =	ssyncadd.s32 $0xFFFFEC00  }
0x33: {  	[tilespmem:s12], [sflag:$0x2] =	stream.indirect.gather.add.f32 [hbm:s4], $0x40, s17, s11, $0xb8;
	[tilespmem:$0x6220] =	vst v63  }
0x34: {  	s15 =	sadd.s32 $0x1, s15;
	_ =	swait.ge [sflag:s14], $0x1400  }
0x35: {  	p0 =	sne.s32 s15, s7;
	[sflag:s14] =	ssyncset.done $0x0  }
.Ltmp1:
0x36: {  	[sflag:s14] =	ssyncadd.s32 $0xFFFFEC00;
	(pc) =	sbr.rel @p0 .LBB2_1-.Ltmp1, $4  }
0x37: {  	[hbm4b:s16+s3] =	stream.linear.scatter [tilespmem:s12], [sflag:$0x3], $0x1400, $0x38;
	[tilespmem:$0x6220] =	vst v63  }
0x38: {  	_ =	swait.ge [sflag:s9], $0x1400  }
0x39: {  	[sflag:s9] =	ssyncset.done $0x0  }
0x3a: {  	[sflag:s9] =	ssyncadd.s32 $0xFFFFEC00  }
0x3b: {  	_ =	sfence.sel $0x180000  }
0x3c: {  	[bflag:$0x0] =	sbarrier.arrive $0xFFFF  }
0x3d: {  	p0 =	sne.s32 s1, $0x0;
	_ =	strace $0x90000053  }
0x3e: {  	s0 =	sadd.s32 @!p0 $0x100000, s0;
	[bflag:$0x2] =	sbarrier.arrive $0xFFFF  }
0x3f: {  	[sflag:s0] =	ssyncadd.tile.s32 @!p0 $0x1;
	_ =	shalt  }
.Lfunc_end2:
_tile_overlayer_lowered:
.L_overlay_start_2:
0x40: {  	(tag) =	ssettag $0x2  }
0x41: {  	s0 =	rddreg [dreg:$0x0];
	s2 =	stileid.u32  }
0x42: {  	s1 =	rddreg [dreg:$0x1];
	p0 =	sne.s32 s2, $0x0  }
0x43: {  	s3 =	rddreg [dreg:$0x2];
	[bflag:$0x3] =	sbarrier.arrive $0xFFFF;
	s2 =	simm.s32 @!p0 $0x1C03  }
0x44: {  	[timem:s3], [sflag:s2] =	dma.local @!p0 [hbm:s0], s1  }
0x45: {  	s0 =	simm.s32 @!p0 $0x3  }
0x46: {  	_ =	swait.ge @!p0 [sflag:s0], s1  }
0x47: {  	s1 =	ssub.s32 @!p0 $0x0, s1;
	[sflag:s0] =	ssyncset.done @!p0 $0x0  }
0x48: {  	[sflag:s0] =	ssyncadd.s32 @!p0 s1  }
0x49: {  	[bflag:$0x3] =	sbarrier.arrive $0xFFFF  }
0x4a: {  	_ =	shalt  }

// kernel: kernel.30.cloned.1.call-start
scs
__scs_entry_jumppad:
0x0: {  	(pc) =	sbr.rel $0x88, $3  }
0x1: {  	(tag) =	ssettag $0x0;
	lr =	simm.s32 $0x1  }
0x2: {  	[smem:$0x3F79] =	sst lr;
	_ =	strace $0xD0000000  }
0x3: {  	_ = 	snop  }
0x4: {  	_ = 	snop  }
0x5: {  	_ = 	snop  }
0x6: {  	_ = 	snop  }
0x7: {  	_ = 	snop  }
__scs_overlays_trampoline_lowered:
0x8: {  	[smem:$0x3F88] =	sst s0  }
0x9: {  	[smem:$0x3F89] =	sst s1  }
0xa: {  	[smem:$0x3F8A] =	sst s2  }
0xb: {  	[smem:$0x3F8B] =	sst s3  }
0xc: {  	[smem:$0x3F8C] =	sst s4  }
0xd: {  	[smem:$0x3F8D] =	sst s5  }
0xe: {  	[smem:$0x3F8E] =	sst s6  }
0xf: {  	[smem:$0x3F8F] =	sst s7  }
0x10: {  	[smem:$0x3F90] =	sst s8  }
0x11: {  	[smem:$0x3F91] =	sst s9;
	s0 =	simm.s32 @!p0 $0x0  }
0x12: {  	s1 =	sld [smem:$0x3F77];
	s0 =	simm.s32 @p0 $0x1  }
0x13: {  	[smem:$0x3F92] =	sst s0;
	s0 =	simm.s32 @!p1 $0x0  }
0x14: {  	s2 =	sld [smem:$0x3F76];
	s0 =	simm.s32 @p1 $0x1  }
0x15: {  	[smem:$0x3F93] =	sst s0;
	s0 =	simm.s32 @!p2 $0x0  }
0x16: {  	s3 =	sld [smem:$0x3FDB];
	s0 =	simm.s32 @p2 $0x1  }
0x17: {  	s4 =	simm.s32 $0x1BF5;
	[smem:$0x3F95] =	sst s0  }
0x18: {  	s0 =	sld [smem:$0x3F78];
	_ =	swait.ge [sflag:s4], $0x0  }
0x19: {  	s7 =	sld [smem:$0x3F79]  }
0x1a: {  	s8 =	sadd.s32 $0xFFFFE003, lr  }
0x1b: {  	s9 =	sadd.s32 $0xFFFFFEF7, lr;
	s5 =	simm.s32 $0xFFFFFFFF;
	p2 =	slt.u32 s8, $0xFFFFF086  }
0x1c: {  	p1 =	slt.u32 s9, $0xF7A;
	s5 =	simm.s32 @!p2 $0x0  }
0x1d: {  	s5 =	simm.s32 @p1 $0x1;
	p0 =	seq.s32 s7, s2  }
0x1e: {  	s7 =	smul.u32 @!p0 $0xF7A, s2;
	p2 =	seq.s32 @!p0 s5, $0x0  }
0x1f: {  	s9 =	smul.u32 $0xF7A, s1;
	s8 =	simm.s32 @!p0 $0x1BF5;
	p2 =	por !p2, p0  }
0x20: {  	[sflag:s8] =	ssyncset.s32 @!p0 $0xFFFFF086;
	s6 =	sadd.s32 @!p0 s3, s7;
	s7 =	simm.s32 @!p0 $0x108  }
0x21: {  	s3 =	sadd.s32 s3, s9;
	s6 =	sadd.s32 @!p0 $0x88, s6;
	s7 =	simm.s32 @p2 $0x1082  }
0x22: {  	[simem:s7], [sflag:s8] =	dma.local @!p0 [hbm:s6], $0xF7A  }
0x23: {  	s9 =	sor.u32 $0xD0000000, s2;
	s6 =	simm.s32 $0x108;
	_ =	swait.ge @!p0 [sflag:s8], $0x0  }
0x24: {  	s3 =	sadd.s32 $0x88, s3;
	s6 =	simm.s32 @!p1 $0x1082;
	[sflag:s4] =	ssyncset.s32 $0xFFFFF086  }
0x25: {  	[simem:s6], [sflag:s4] =	dma.local [hbm:s3], $0xF7A  }
0x26: {  	[smem:$0x3F79] =	sst s1;
	(tag) =	ssettag s2;
	_ =	strace s9  }
0x27: {  	s1 =	sld [smem:$0x3F89]  }
0x28: {  	s2 =	sld [smem:$0x3F8A]  }
0x29: {  	s4 =	sld [smem:$0x3F8C]  }
0x2a: {  	p0 =	seq.s32 s5, $0x0;
	s5 =	sld [smem:$0x3F8D]  }
0x2b: {  	s6 =	sld [smem:$0x3F8E]  }
0x2c: {  	s7 =	sld [smem:$0x3F8F]  }
0x2d: {  	s3 =	simm.s32 $0x108;
	s8 =	sld [smem:$0x3F90]  }
0x2e: {  	s3 =	simm.s32 @!p0 $0x1082;
	s9 =	sld [smem:$0x3F91]  }
0x2f: {  	lr =	sadd.s32 s0, s3;
	s0 =	sld [smem:$0x3F88]  }
0x30: {  	s3 =	sld [smem:$0x3F8B]  }
0x31: {  	[smem:$0x3F94] =	sst s10  }
0x32: {  	s10 =	sld [smem:$0x3F92];
	_ =	sdelay $0x3  }
0x33: {  	p0 =	seq.s32 s10, $0x1;
	s10 =	sld [smem:$0x3F94];
	_ =	sdelay $0x3  }
0x34: {  	[smem:$0x3F94] =	sst s10  }
0x35: {  	s10 =	sld [smem:$0x3F93];
	_ =	sdelay $0x3  }
0x36: {  	p1 =	seq.s32 s10, $0x1;
	s10 =	sld [smem:$0x3F94];
	_ =	sdelay $0x3  }
0x37: {  	[smem:$0x3F94] =	sst s10  }
0x38: {  	s10 =	sld [smem:$0x3F95]  }
0x39: {  	_ = 	snop;
	(pc) =	sbr.ind lr, $3  }
0x3a: {  	_ = 	snop  }
0x3b: {  	_ = 	snop  }
0x3c: {  	p2 =	seq.s32 s10, $0x1;
	s10 =	sld [smem:$0x3F94]  }
0x3d: {  	_ =	shalt  }
0x3e: {  	_ =	shalt  }
0x3f: {  	_ =	shalt  }
0x40: {  	_ =	shalt  }
0x41: {  	_ =	shalt  }
0x42: {  	_ =	shalt  }
0x43: {  	_ =	shalt  }
0x44: {  	_ =	shalt  }
0x45: {  	_ =	shalt  }
0x46: {  	_ =	shalt  }
0x47: {  	_ =	shalt  }
0x48: {  	_ =	shalt  }
0x49: {  	_ =	shalt  }
0x4a: {  	_ =	shalt  }
0x4b: {  	_ =	shalt  }
0x4c: {  	_ =	shalt  }
0x4d: {  	_ =	shalt  }
0x4e: {  	_ =	shalt  }
0x4f: {  	_ =	shalt  }
0x50: {  	_ =	shalt  }
0x51: {  	_ =	shalt  }
0x52: {  	_ =	shalt  }
0x53: {  	_ =	shalt  }
0x54: {  	_ =	shalt  }
0x55: {  	_ =	shalt  }
0x56: {  	_ =	shalt  }
0x57: {  	_ =	shalt  }
0x58: {  	_ =	shalt  }
0x59: {  	_ =	shalt  }
0x5a: {  	_ =	shalt  }
0x5b: {  	_ =	shalt  }
0x5c: {  	_ =	shalt  }
0x5d: {  	_ =	shalt  }
0x5e: {  	_ =	shalt  }
0x5f: {  	_ =	shalt  }
0x60: {  	_ =	shalt  }
0x61: {  	_ =	shalt  }
0x62: {  	_ =	shalt  }
0x63: {  	_ =	shalt  }
0x64: {  	_ =	shalt  }
0x65: {  	_ =	shalt  }
0x66: {  	_ =	shalt  }
0x67: {  	_ =	shalt  }
0x68: {  	_ =	shalt  }
0x69: {  	_ =	shalt  }
0x6a: {  	_ =	shalt  }
0x6b: {  	_ =	shalt  }
0x6c: {  	_ =	shalt  }
0x6d: {  	_ =	shalt  }
0x6e: {  	_ =	shalt  }
0x6f: {  	_ =	shalt  }
0x70: {  	_ =	shalt  }
0x71: {  	_ =	shalt  }
0x72: {  	_ =	shalt  }
0x73: {  	_ =	shalt  }
0x74: {  	_ =	shalt  }
0x75: {  	_ =	shalt  }
0x76: {  	_ =	shalt  }
0x77: {  	_ =	shalt  }
0x78: {  	_ =	shalt  }
0x79: {  	_ =	shalt  }
0x7a: {  	_ =	shalt  }
0x7b: {  	_ =	shalt  }
0x7c: {  	_ =	shalt  }
0x7d: {  	_ =	shalt  }
0x7e: {  	_ =	shalt  }
0x7f: {  	_ =	shalt  }
0x80: {  	_ =	shalt  }
0x81: {  	_ =	shalt  }
0x82: {  	_ =	shalt  }
0x83: {  	_ =	shalt  }
0x84: {  	_ =	shalt  }
0x85: {  	_ =	shalt  }
0x86: {  	_ =	shalt  }
0x87: {  	_ =	shalt  }
.Lfunc_end0:
.L_simem_size_0:
called_computation.5_lowered:
.L_overlay_start_0:
0x88: {  	s2 =	sld [smem:$0x3FD9]  }
0x89: {  	s3 =	sld [smem:$0x3FFE];
	_ =	sdelay $0x1  }
0x8a: {  	s1 =	srdreg.scid  }
0x8b: {  	s0 =	sand.u32 $0x1, s1  }
0x8c: {  	s16 =	sshll.u32 s0, $0xA;
	s2 =	sadd.s32 s3, s2  }
0x8d: {  	s2 =	sadd.s32 s2, s16  }
0x8e: {  	[smem:$0x3FA0] =	sst s2  }
0x8f: {  	_ = 	snop  }
0x90: {  	(tm) =	ssettm $0x1  }
0x91: {  	s17 =	sld [smem:$0x3FFB];
	_ =	sdelay $0x3  }
0x92: {  	_ =	strace s17  }
0x93: {  	s2 =	sld [smem:$0x3FFC];
	_ =	sdelay $0x3  }
0x94: {  	_ =	strace s2  }
0x95: {  	s2 =	sld [smem:$0x3FFD];
	_ =	sdelay $0x3  }
0x96: {  	_ =	strace s2  }
0x97: {  	_ =	strace $0x8FFFFFFF  }
0x98: {  	s18 =	sld [smem:$0x3FDB];
	_ =	sdelay $0x1  }
0x99: {  	s19 =	simm.s32 $_scs_section_size  }
0x9a: {  	s4 =	simm.s32 $_size__tile_overlayer_lowered;
	s5 =	simm.s32 $_tile_overlayer_lowered  }
0x9b: {  	s22 =	simm.s32 $0x1BFF;
	s21 =	sshll.u32 s5, $0x1;
	s2 =	sadd.s32 s19, s18  }
0x9c: {  	s6 =	simm.s32 $0x0;
	s20 =	sshll.u32 s4, $0x1;
	s4 =	sadd.s32 s21, s2  }
0x9d: {  	[timem:s6], [sflag:s22] =	dma.local [hbm:s4], s20  }
0x9e: {  	_ =	swait.ge [sflag:s22], s20  }
0x9f: {  	s3 =	ssub.s32 $0x0, s20;
	[sflag:s22] =	ssyncset.done $0x0  }
0xa0: {  	[sflag:s22] =	ssyncadd.s32 s3;
	_ =	sdelay $0x1  }
0xa1: {  	s23 =	simm.s32 $0x1B8B  }
0xa2: {  	_ =	swait.ge [sflag:s23], $0x1  }
0xa3: {  	[sflag:s23] =	ssyncset.done $0x0  }
0xa4: {  	s25 =	simm.s32 $0x1B8E;
	s24 =	sld [smem:$0x3FFE];
	[sflag:s23] =	ssyncadd.s32 $0xFFFFFFFF  }
0xa5: {  	s26 =	simm.s32 $execute0_lowered;
	[smem:$0x3FD2] =	sst s25  }
0xa6: {  	s4 =	sshll.u32 s26, $0x1;
	_ =	strace $0x80000055;
	[dreg:$0x1] =	wrdreg $0xFFFFFFFF  }
0xa7: {  	s28 =	simm.s32 $_size_execute0_lowered;
	s2 =	sadd.s32 s2, s4;
	[dreg:$0x0] =	wrdreg $0x0  }
0xa8: {  	s4 =	sshll.u32 s28, $0x1;
	[dreg:$0x2] =	wrdreg s2  }
0xa9: {  	[dreg:$0x3] =	wrdreg s4  }
0xaa: {  	[dreg:$0x4] =	wrdreg $0xC0  }
0xab: {  	_ =	task [dreg:s6], $0x5FFFF  }
0xac: {  	[dreg:$0x1] =	wrdreg $0xFFFFFFFF  }
0xad: {  	[dreg:$0x0] =	wrdreg $0x60  }
0xae: {  	[dreg:$0x2] =	wrdreg s24  }
0xaf: {  	[dreg:$0x3] =	wrdreg $0x31100  }
0xb0: {  	[dreg:$0x4] =	wrdreg $0x9  }
0xb1: {  	_ =	task.clear_ibuf [dreg:s6], $0x5FFFF;
	_ =	strace $0x90000055  }
0xb2: {  	s29 =	simm.s32 $0x9;
	_ =	strace $0x80000057  }
0xb3: {  	_ =	swait.ge [sflag:s29], $0x1  }
0xb4: {  	[sflag:s29] =	ssyncadd.s32 $0xFFFFFFFF  }
0xb5: {  	_ =	strace $0x90000057  }
0xb6: {  	_ =	sfence  }
0xb7: {  	s30 =	sld [smem:$0x0];
	_ =	sdelay $0x2  }
0xb8: {  	s31 =	sshll.u32 s1, $0xD;
	s1 =	sshrl.u32 s1, $0x2  }
0xb9: {  	s3 =	sand.u32 $0x4000, s31;
	s1 =	sadd.s32 s1, s30  }
0xba: {  	s0 =	sor.u32 s3, s0;
	s1 =	sshll.u32 s1, $0x11  }
0xbb: {  	s0 =	sor.u32 s1, s0  }
0xbc: {  	s0 =	sadd.s32 $0x8F2B, s0  }
0xbd: {  	[sflag:s0] =	ssyncadd.remote.s32 $0x1  }
0xbe: {  	_ =	sfence.sel $0xFFFF  }
0xbf: {  	[dreg:$0x0] =	wrdreg $0xFFFFFFFF;
	(pc) =	sbr.abs _section_cstart, $3  }
0xc0: {  	[dreg:$0x1] =	wrdreg $0xFFFFFFFF  }
0xc1: {  	_ =	task.clear_ibuf [dreg:s6], $0x2FFFF;
	_ =	strace $0x9FFFFFFF  }
0xc2: {  	(tm) =	ssettm $0x7FFFFFFF  }
0xc3: {  	_ =	shalt  }
tec
execute0_lowered:
.L_overlay_start_1:
0x0: {  	(tag) =	ssettag $0x1  }
0x1: {  	s20 =	stileid.u32;
	s0 =	srdreg.scid  }
0x2: {  	s4 =	sand.u32 $0x1, s0;
	s3 =	smul.u32 $0x9C40, s20  }
0x3: {  	s10 =	sor.u32 $0x10, s20;
	s8 =	smul.u32 $0x27100, s4  }
0x4: {  	s15 =	sor.u32 $0x30, s20;
	s14 =	smul.u32 $0x1400, s10  }
0x5: {  	s16 =	sor.u32 $0x40, s20;
	s25 =	smul.u32 $0x500, s15  }
0x6: {  	s1 =	simm.s32 $0x0;
	s17 =	sor.u32 $0x50, s20;
	s26 =	smul.u32 $0x500, s16  }
0x7: {  	s2 =	sshll.u32 s20, $0x1;
	s18 =	sor.u32 $0x60, s20;
	s28 =	smul.u32 $0x500, s17  }
0x8: {  	[smem:$0x7FF] =	sst s1;
	s0 =	sor.u32 s4, s2;
	s29 =	smul.u32 $0x500, s18  }
0x9: {  	s12 =	sor.u32 $0x20, s20;
	s2 =	rddreg [dreg:$0x0];
	s0 =	smul.u32 $0x2710, s0  }
0xa: {  	s5 =	sadd.s32 s3, s2;
	s3 =	ssub.s32 $0x2, s4;
	s7 =	sadd.s32 $0xD400, s2  }
0xb: {  	s4 =	smul.u32 $0x4E20, s4;
	s9 =	sshrl.u32 s3, $0x1;
	s21 =	sadd.s32 s8, s25  }
0xc: {  	s22 =	sadd.s32 s8, s26;
	s24 =	sadd.s32 s8, s28;
	s0 =	sshrl.u32 s0, $0x3  }
0xd: {  	s9 =	ssub.s32 s3, s9;
	s6 =	sadd.s32 s0, s2;
	s0 =	smul.u32 $0x500, s20  }
0xe: {  	s3 =	smul.u32 $0x500, s12;
	s23 =	sshrl.u32 s22, $0x3;
	s4 =	sadd.s32 s4, s5  }
0xf: {  	s2 =	smul.u32 $0x500, s10;
	s31 =	sadd.s32 $0x21000, s4;
	s11 =	sadd.s32 s8, s0  }
0x10: {  	s4 =	simm.s32 $0x2;
	s6 =	sadd.s32 $0x17200, s6;
	s10 =	sshrl.u32 s11, $0x3  }
0x11: {  	s13 =	sadd.s32 s8, s2;
	s11 =	sadd.s32 s8, s3;
	s10 =	sadd.s32 s7, s10  }
0x12: {  	s19 =	sshrl.u32 s11, $0x3;
	[dreg:$0x3] =	wrdreg s10;
	s10 =	sshrl.u32 s13, $0x3  }
0x13: {  	s11 =	smul.u32 $0x1400, s20;
	s13 =	sadd.s32 s8, s29;
	s10 =	sadd.s32 s7, s10  }
0x14: {  	s22 =	sshrl.u32 s13, $0x3;
	s13 =	smax.u32 s9, $0x1;
	[dreg:$0x4] =	wrdreg s10  }
0x15: {  	s10 =	sadd.s32 s7, s19;
	s19 =	sor.u32 $0x70, s20;
	s20 =	smul.u32 $0x1400, s16  }
0x16: {  	s5 =	sshrl.u32 s11, $0x2;
	[dreg:$0x5] =	wrdreg s10;
	s30 =	smul.u32 $0x500, s19  }
0x17: {  	s10 =	sshrl.u32 s21, $0x3;
	s21 =	sshrl.u32 s24, $0x3;
	s24 =	smul.u32 $0x1400, s12  }
0x18: {  	s12 =	smul.u32 $0x1400, s15;
	s15 =	sshrl.u32 s14, $0x2;
	s10 =	sadd.s32 s7, s10  }
0x19: {  	p0 =	sgt.u32 s19, $0x7C;
	[dreg:$0x6] =	wrdreg s10;
	s10 =	sadd.s32 s7, s23  }
0x1a: {  	s19 =	smul.u32 $0x1400, s19;
	s23 =	sadd.s32 s7, s22;
	[dreg:$0x7] =	wrdreg s10  }
0x1b: {  	s8 =	sadd.s32 s8, s30;
	s10 =	sadd.s32 s7, s21;
	[dreg:$0x9] =	wrdreg s23  }
0x1c: {  	s22 =	smul.u32 $0x1400, s18;
	s8 =	sshrl.u32 s8, $0x3;
	[dreg:$0x8] =	wrdreg s10  }
0x1d: {  	s9 =	sshrl.u32 s20, $0x2;
	s10 =	rddreg [dreg:$0x1];
	s7 =	sadd.s32 s7, s8  }
0x1e: {  	s21 =	smul.u32 $0x1400, s17;
	s23 =	sshrl.u32 s22, $0x2;
	[dreg:$0xa] =	wrdreg s7  }
0x1f: {  	s14 =	sadd.s32 s5, s10;
	s15 =	sadd.s32 s15, s10;
	s7 =	sshrl.u32 s24, $0x2  }
0x20: {  	s18 =	sadd.s32 s9, s10;
	s5 =	sshrl.u32 s21, $0x2;
	s24 =	sshrl.u32 s19, $0x2  }
0x21: {  	s20 =	sadd.s32 s23, s10;
	s22 =	sadd.s32 s0, s10;
	s23 =	sadd.s32 s2, s10  }
0x22: {  	s25 =	sadd.s32 s25, s10;
	s26 =	sadd.s32 s26, s10;
	s28 =	sadd.s32 s28, s10  }
0x23: {  	s29 =	sadd.s32 s29, s10;
	s30 =	sadd.s32 s30, s10;
	s9 =	simm.s32 $0x2C10  }
0x24: {  	s0 =	simm.s32 $0x1;
	s2 =	simm.s32 $0x2710;
	_ =	strace $0x80000056  }
0x25: {  	[dreg:$0xb] =	wrdreg s6;
	s6 =	sshrl.u32 s12, $0x2;
	s16 =	sadd.s32 s7, s10  }
0x26: {  	s19 =	sadd.s32 s5, s10;
	s21 =	sadd.s32 s24, s10;
	s24 =	sadd.s32 s3, s10  }
0x27: {  	v0 =	vimm.f32 $0.0e+00;
	s3 =	simm.s32 $0x50;
	s5 =	simm.s32 $0x0;
	s17 =	sadd.s32 s6, s10  }
.LBB2_1:
0x28: {  	s6 =	simm.s32 $0x40;
	s7 =	simm.s32 $0x0  }
.LBB2_2:
0x29: {  	p1 =	sne.s32 s6, $0x13C0;
	[tilespmem:s7+$0x2C10] =	vst v0;
	s7 =	smov.u32 s6;
	s6 =	sadd.s32 $0x40, s6  }
.Ltmp0:
0x2a: {  	(pc) =	sbr.rel @p1 .LBB2_2-.Ltmp0, $2  }
0x2b: {  	_ =	sdelay $0x2  }
0x2c: {  	s7 =	sshra.s32 s7, $0x2  }
0x2d: {  	[tilespmem:s7+$0x2C10] =	vst v0  }
0x2e: {  	[spmem:s14] =	stream.linear.scatter [tilespmem:s9], [sflag:$0x1], $0x500, $0x38;
	[tilespmem:$0x5820] =	vst v63  }
0x2f: {  	_ =	swait.ge [sflag:s0], $0x500  }
0x30: {  	[sflag:s0] =	ssyncset.done $0x0  }
0x31: {  	[sflag:s0] =	ssyncadd.s32 $0xFFFFFB00  }
0x32: {  	[spmem:s15] =	stream.linear.scatter [tilespmem:s9], [sflag:$0x1], $0x500, $0x38;
	[tilespmem:$0x5820] =	vst v63  }
0x33: {  	_ =	swait.ge [sflag:s0], $0x500  }
0x34: {  	[sflag:s0] =	ssyncset.done $0x0  }
0x35: {  	[sflag:s0] =	ssyncadd.s32 $0xFFFFFB00  }
0x36: {  	[spmem:s16] =	stream.linear.scatter [tilespmem:s9], [sflag:$0x1], $0x500, $0x38;
	[tilespmem:$0x5820] =	vst v63  }
0x37: {  	_ =	swait.ge [sflag:s0], $0x500  }
0x38: {  	[sflag:s0] =	ssyncset.done $0x0  }
0x39: {  	[sflag:s0] =	ssyncadd.s32 $0xFFFFFB00  }
0x3a: {  	[spmem:s17] =	stream.linear.scatter [tilespmem:s9], [sflag:$0x1], $0x500, $0x38;
	[tilespmem:$0x5820] =	vst v63  }
0x3b: {  	_ =	swait.ge [sflag:s0], $0x500  }
0x3c: {  	[sflag:s0] =	ssyncset.done $0x0  }
0x3d: {  	[sflag:s0] =	ssyncadd.s32 $0xFFFFFB00  }
0x3e: {  	[spmem:s18] =	stream.linear.scatter [tilespmem:s9], [sflag:$0x1], $0x500, $0x38;
	[tilespmem:$0x5820] =	vst v63  }
0x3f: {  	_ =	swait.ge [sflag:s0], $0x500  }
0x40: {  	[sflag:s0] =	ssyncset.done $0x0  }
0x41: {  	[sflag:s0] =	ssyncadd.s32 $0xFFFFFB00  }
0x42: {  	[spmem:s19] =	stream.linear.scatter [tilespmem:s9], [sflag:$0x1], $0x500, $0x38;
	[tilespmem:$0x5820] =	vst v63  }
0x43: {  	_ =	swait.ge [sflag:s0], $0x500  }
0x44: {  	[sflag:s0] =	ssyncset.done $0x0  }
0x45: {  	[sflag:s0] =	ssyncadd.s32 $0xFFFFFB00  }
0x46: {  	[spmem:s20] =	stream.linear.scatter [tilespmem:s9], [sflag:$0x1], $0x500, $0x38;
	[tilespmem:$0x5820] =	vst v63  }
0x47: {  	_ =	swait.ge [sflag:s0], $0x500  }
0x48: {  	[sflag:s0] =	ssyncset.done $0x0  }
0x49: {  	s6 =	simm.s32 @!p0 $0x2C10;
	[sflag:s0] =	ssyncadd.s32 $0xFFFFFB00  }
0x4a: {  	[spmem:s21] =	stream.linear.scatter @!p0 [tilespmem:s6], [sflag:$0x1], $0x500, $0x38;
	[tilespmem:$0x5820] =	vst v63  }
0x4b: {  	s6 =	simm.s32 @!p0 $0x1  }
0x4c: {  	_ =	swait.ge @!p0 [sflag:s6], $0x500  }
0x4d: {  	[sflag:s6] =	ssyncset.done @!p0 $0x0  }
0x4e: {  	[sflag:s6] =	ssyncadd.s32 @!p0 $0xFFFFFB00  }
0x4f: {  	[bflag:$0x0] =	sbarrier.arrive $0xFFFF  }
0x50: {  	s8 =	simm.s32 $0x0;
	s11 =	rddreg [dreg:$0xb]  }
0x51: {  	[tilespmem:s8], [sflag:$0x1] =	stream.linear.gather [hbm4b:s11+s8], $0x2710, $0x38;
	[tilespmem:$0x5820] =	vst v63  }
0x52: {  	_ =	swait.ge [sflag:s0], $0x2710  }
0x53: {  	[sflag:s0] =	ssyncset.done $0x0  }
0x54: {  	s12 =	sadd.s32 $0x0, s31;
	[sflag:s0] =	ssyncadd.s32 $0xFFFFD8F0  }
0x55: {  	[tilespmem:s2], [sflag:$0x1] =	stream.linear.gather [hbm4b:s12+s1], $0x500, $0x38;
	[tilespmem:$0x5820] =	vst v63  }
0x56: {  	_ =	swait.ge [sflag:s0], $0x500  }
0x57: {  	[sflag:s0] =	ssyncset.done $0x0  }
0x58: {  	[sflag:s0] =	ssyncadd.s32 $0xFFFFFB00  }
0x59: {  	[spmem:s10] =	stream.indirect.scatter.add.f32 [tilespmem:s2], [sflag:$0x1], $0x10, s8, s3, $0xb8;
	[tilespmem:$0x5820] =	vst v63  }
0x5a: {  	s7 =	simm.s32 $0xA0;
	_ =	swait.ge [sflag:s0], $0x500  }
0x5b: {  	s6 =	simm.s32 $0x50;
	s8 =	simm.s32 $0x140;
	[sflag:s0] =	ssyncset.done $0x0  }
.LBB2_4:
0x5c: {  	s11 =	sadd.s32 s7, s31  }
0x5d: {  	[sflag:s0] =	ssyncadd.s32 $0xFFFFFB00;
	s7 =	smov.u32 s8;
	s12 =	sadd.s32 $0xA0, s8  }
0x5e: {  	[tilespmem:s2], [sflag:$0x1] =	stream.linear.gather [hbm4b:s11+s1], $0x500, $0x38;
	[tilespmem:$0x5820] =	vst v63  }
0x5f: {  	p1 =	sne.s32 s8, $0x4D80;
	_ =	swait.ge [sflag:s0], $0x500  }
.Ltmp1:
0x60: {  	[sflag:s0] =	ssyncset.done $0x0;
	(pc) =	sbr.rel @p1 .LBB2_4-.Ltmp1, $4  }
0x61: {  	[sflag:s0] =	ssyncadd.s32 $0xFFFFFB00  }
0x62: {  	[spmem:s10] =	stream.indirect.scatter.add.f32 [tilespmem:s2], [sflag:$0x1], $0x10, s6, s3, $0xb8;
	[tilespmem:$0x5820] =	vst v63  }
0x63: {  	_ =	swait.ge [sflag:s0], $0x500  }
0x64: {  	s8 =	smov.u32 s12;
	s6 =	sadd.s32 $0x50, s6;
	[sflag:s0] =	ssyncset.done $0x0  }
0x65: {  	s7 =	sadd.s32 s7, s31;
	[sflag:s0] =	ssyncadd.s32 $0xFFFFFB00  }
0x66: {  	[tilespmem:s2], [sflag:$0x1] =	stream.linear.gather [hbm4b:s7+s1], $0x500, $0x38;
	[tilespmem:$0x5820] =	vst v63  }
0x67: {  	_ =	swait.ge [sflag:s0], $0x500  }
0x68: {  	[sflag:s0] =	ssyncset.done $0x0  }
0x69: {  	[sflag:s0] =	ssyncadd.s32 $0xFFFFFB00  }
0x6a: {  	[spmem:s10] =	stream.indirect.scatter.add.f32 [tilespmem:s2], [sflag:$0x1], $0x10, s6, s3, $0xb8;
	[tilespmem:$0x5820] =	vst v63  }
0x6b: {  	_ =	swait.ge [sflag:s0], $0x500  }
0x6c: {  	[sflag:s0] =	ssyncset.done $0x0  }
0x6d: {  	[sflag:s0] =	ssyncadd.s32 $0xFFFFFB00  }
0x6e: {  	[bflag:$0x0] =	sbarrier.arrive $0xFFFF  }
0x6f: {  	[tilespmem:s9], [sflag:$0x2] =	stream.linear.gather [spmem:s22], $0x500, $0x38;
	[tilespmem:$0x5820] =	vst v63  }
0x70: {  	_ =	swait.ge [sflag:s4], $0x500  }
0x71: {  	[sflag:s4] =	ssyncset.done $0x0  }
0x72: {  	s8 =	rddreg [dreg:$0x3];
	[sflag:s4] =	ssyncadd.s32 $0xFFFFFB00  }
0x73: {  	[hbm4b:s8+s1] =	stream.linear.scatter [tilespmem:s9], [sflag:$0x1], $0x500, $0x38;
	[tilespmem:$0x5820] =	vst v63  }
0x74: {  	_ =	swait.ge [sflag:s0], $0x500  }
0x75: {  	[sflag:s0] =	ssyncset.done $0x0  }
0x76: {  	[sflag:s0] =	ssyncadd.s32 $0xFFFFFB00  }
0x77: {  	[tilespmem:s9], [sflag:$0x2] =	stream.linear.gather [spmem:s23], $0x500, $0x38;
	[tilespmem:$0x5820] =	vst v63  }
0x78: {  	_ =	swait.ge [sflag:s4], $0x500  }
0x79: {  	[sflag:s4] =	ssyncset.done $0x0  }
0x7a: {  	s11 =	rddreg [dreg:$0x4];
	[sflag:s4] =	ssyncadd.s32 $0xFFFFFB00  }
0x7b: {  	[hbm4b:s11+s1] =	stream.linear.scatter [tilespmem:s9], [sflag:$0x1], $0x500, $0x38;
	[tilespmem:$0x5820] =	vst v63  }
0x7c: {  	_ =	swait.ge [sflag:s0], $0x500  }
0x7d: {  	[sflag:s0] =	ssyncset.done $0x0  }
0x7e: {  	[sflag:s0] =	ssyncadd.s32 $0xFFFFFB00  }
0x7f: {  	[tilespmem:s9], [sflag:$0x2] =	stream.linear.gather [spmem:s24], $0x500, $0x38;
	[tilespmem:$0x5820] =	vst v63  }
0x80: {  	_ =	swait.ge [sflag:s4], $0x500  }
0x81: {  	[sflag:s4] =	ssyncset.done $0x0  }
0x82: {  	s12 =	rddreg [dreg:$0x5];
	[sflag:s4] =	ssyncadd.s32 $0xFFFFFB00  }
0x83: {  	[hbm4b:s12+s1] =	stream.linear.scatter [tilespmem:s9], [sflag:$0x1], $0x500, $0x38;
	[tilespmem:$0x5820] =	vst v63  }
0x84: {  	_ =	swait.ge [sflag:s0], $0x500  }
0x85: {  	[sflag:s0] =	ssyncset.done $0x0  }
0x86: {  	[sflag:s0] =	ssyncadd.s32 $0xFFFFFB00  }
0x87: {  	[tilespmem:s9], [sflag:$0x2] =	stream.linear.gather [spmem:s25], $0x500, $0x38;
	[tilespmem:$0x5820] =	vst v63  }
0x88: {  	_ =	swait.ge [sflag:s4], $0x500  }
0x89: {  	[sflag:s4] =	ssyncset.done $0x0  }
0x8a: {  	s7 =	rddreg [dreg:$0x6];
	[sflag:s4] =	ssyncadd.s32 $0xFFFFFB00  }
0x8b: {  	[hbm4b:s7+s1] =	stream.linear.scatter [tilespmem:s9], [sflag:$0x1], $0x500, $0x38;
	[tilespmem:$0x5820] =	vst v63  }
0x8c: {  	_ =	swait.ge [sflag:s0], $0x500  }
0x8d: {  	[sflag:s0] =	ssyncset.done $0x0  }
0x8e: {  	[sflag:s0] =	ssyncadd.s32 $0xFFFFFB00  }
0x8f: {  	[tilespmem:s9], [sflag:$0x2] =	stream.linear.gather [spmem:s26], $0x500, $0x38;
	[tilespmem:$0x5820] =	vst v63  }
0x90: {  	_ =	swait.ge [sflag:s4], $0x500  }
0x91: {  	[sflag:s4] =	ssyncset.done $0x0  }
0x92: {  	s8 =	rddreg [dreg:$0x7];
	[sflag:s4] =	ssyncadd.s32 $0xFFFFFB00  }
0x93: {  	[hbm4b:s8+s1] =	stream.linear.scatter [tilespmem:s9], [sflag:$0x1], $0x500, $0x38;
	[tilespmem:$0x5820] =	vst v63  }
0x94: {  	_ =	swait.ge [sflag:s0], $0x500  }
0x95: {  	[sflag:s0] =	ssyncset.done $0x0  }
0x96: {  	[sflag:s0] =	ssyncadd.s32 $0xFFFFFB00  }
0x97: {  	[tilespmem:s9], [sflag:$0x2] =	stream.linear.gather [spmem:s28], $0x500, $0x38;
	[tilespmem:$0x5820] =	vst v63  }
0x98: {  	_ =	swait.ge [sflag:s4], $0x500  }
0x99: {  	[sflag:s4] =	ssyncset.done $0x0  }
0x9a: {  	s11 =	rddreg [dreg:$0x8];
	[sflag:s4] =	ssyncadd.s32 $0xFFFFFB00  }
0x9b: {  	[hbm4b:s11+s1] =	stream.linear.scatter [tilespmem:s9], [sflag:$0x1], $0x500, $0x38;
	[tilespmem:$0x5820] =	vst v63  }
0x9c: {  	_ =	swait.ge [sflag:s0], $0x500  }
0x9d: {  	[sflag:s0] =	ssyncset.done $0x0  }
0x9e: {  	[sflag:s0] =	ssyncadd.s32 $0xFFFFFB00  }
0x9f: {  	[tilespmem:s9], [sflag:$0x2] =	stream.linear.gather [spmem:s29], $0x500, $0x38;
	[tilespmem:$0x5820] =	vst v63  }
0xa0: {  	_ =	swait.ge [sflag:s4], $0x500  }
0xa1: {  	[sflag:s4] =	ssyncset.done $0x0  }
0xa2: {  	s12 =	rddreg [dreg:$0x9];
	[sflag:s4] =	ssyncadd.s32 $0xFFFFFB00  }
0xa3: {  	[hbm4b:s12+s1] =	stream.linear.scatter [tilespmem:s9], [sflag:$0x1], $0x500, $0x38;
	[tilespmem:$0x5820] =	vst v63  }
0xa4: {  	_ =	swait.ge [sflag:s0], $0x500  }
0xa5: {  	[sflag:s0] =	ssyncset.done $0x0  }
0xa6: {  	s6 =	simm.s32 @!p0 $0x2C10;
	s7 =	simm.s32 @!p0 $0x2;
	[sflag:s0] =	ssyncadd.s32 $0xFFFFFB00  }
0xa7: {  	[tilespmem:s6], [sflag:$0x2] =	stream.linear.gather @!p0 [spmem:s30], $0x500, $0x38;
	[tilespmem:$0x5820] =	vst v63  }
0xa8: {  	s5 =	sadd.s32 $0x1, s5;
	_ =	swait.ge @!p0 [sflag:s7], $0x500  }
0xa9: {  	p1 =	sne.s32 s5, s13;
	[sflag:s7] =	ssyncset.done @!p0 $0x0  }
0xaa: {  	s8 =	rddreg [dreg:$0xa];
	[sflag:s7] =	ssyncadd.s32 @!p0 $0xFFFFFB00;
	s7 =	simm.s32 @!p0 $0x0  }
0xab: {  	[hbm4b:s8+s7] =	stream.linear.scatter @!p0 [tilespmem:s6], [sflag:$0x1], $0x500, $0x38;
	[tilespmem:$0x5820] =	vst v63  }
.Ltmp2:
0xac: {  	_ = 	snop;
	(pc) =	sbr.rel @p1 .LBB2_1-.Ltmp2, $4  }
0xad: {  	s6 =	simm.s32 @!p0 $0x1  }
0xae: {  	_ =	swait.ge @!p0 [sflag:s6], $0x500  }
0xaf: {  	[sflag:s6] =	ssyncset.done @!p0 $0x0  }
0xb0: {  	[sflag:s6] =	ssyncadd.s32 @!p0 $0xFFFFFB00  }
0xb1: {  	_ =	sfence.sel $0x180000  }
0xb2: {  	[bflag:$0x0] =	sbarrier.arrive $0xFFFF  }
0xb3: {  	_ =	strace $0x90000056  }
0xb4: {  	s0 =	stileid.u32;
	[bflag:$0x2] =	sbarrier.arrive $0xFFFF  }
0xb5: {  	p0 =	sne.s32 s0, $0x0;
	s0 =	rddreg [dreg:$0x2]  }
0xb6: {  	s0 =	sadd.s32 @!p0 $0x100000, s0  }
0xb7: {  	[sflag:s0] =	ssyncadd.tile.s32 @!p0 $0x1;
	_ =	shalt  }
.Lfunc_end2:
_tile_overlayer_lowered:
.L_overlay_start_2:
0xb8: {  	(tag) =	ssettag $0x2  }
0xb9: {  	s0 =	rddreg [dreg:$0x0];
	s2 =	stileid.u32  }
0xba: {  	s1 =	rddreg [dreg:$0x1];
	p0 =	sne.s32 s2, $0x0  }
0xbb: {  	s3 =	rddreg [dreg:$0x2];
	[bflag:$0x3] =	sbarrier.arrive $0xFFFF;
	s2 =	simm.s32 @!p0 $0x1C01  }
0xbc: {  	[timem:s3], [sflag:s2] =	dma.local @!p0 [hbm:s0], s1  }
0xbd: {  	s0 =	simm.s32 @!p0 $0x1  }
0xbe: {  	_ =	swait.ge @!p0 [sflag:s0], s1  }
0xbf: {  	s1 =	ssub.s32 @!p0 $0x0, s1;
	[sflag:s0] =	ssyncset.done @!p0 $0x0  }
0xc0: {  	[sflag:s0] =	ssyncadd.s32 @!p0 s1  }
0xc1: {  	[bflag:$0x3] =	sbarrier.arrive $0xFFFF  }
0xc2: {  	_ =	shalt  }

</sc_bundles>
